<compile_context>
chip_gen: v7x
topology: tpu7x:2x2x1
jax: 0.10.2.dev20260603
libtpu: 0.0.44.dev20260713+nightly
codegen_flags: <defaults>
</compile_context>

<pallas_src>
import functools

import jax
import jax.numpy as jnp
from jax import lax
from jax.experimental import pallas as pl
from jax.experimental.pallas import tpu as pltpu
from jax.experimental.pallas import tpu_sc as plsc

N = 10000
D_IN = 128
D_HID = 64
NC = 2
NS = 16
L = 16
NP = 10240
ROWS_PER_TILE = NP // NS
CH = 128

_mesh = plsc.VectorSubcoreMesh(
    core_axis_name="c", subcore_axis_name="s", num_cores=NC, num_subcores=NS)
_sc_params = pltpu.CompilerParams(
    needs_layout_passes=False, use_tc_tiling_on_sc=False)


def _num_chunks(E):
  return -(-E // (NC * NS * CH))




def _make_scalar_seg_sum(cpt, with_table):

  scratch = [
      pltpu.VMEM((cpt, CH), jnp.int32),
      pltpu.VMEM((cpt * CH,), jnp.float32),
      pltpu.VMEM((NP,), jnp.float32),
      pltpu.VMEM((NS, ROWS_PER_TILE), jnp.float32),
      pltpu.VMEM_SHARED((NS, NP), jnp.float32),
  ]
  if with_table:
    scratch = [
        pltpu.VMEM((cpt, CH), jnp.int32),
        pltpu.VMEM((NP,), jnp.float32),
    ] + scratch

  def body(*refs):
    if with_table:
      (row_h, col_h, ew_h, z_h, out_h,
       row_v, z_v, col_v, ew_v, acc_v, m_v, stage_s) = refs
    else:
      (col_h, ew_h, out_h, col_v, ew_v, acc_v, m_v, stage_s) = refs
    c = lax.axis_index("c")
    s = lax.axis_index("s")
    wid = c * NS + s

    zeros = jnp.zeros((L,), jnp.float32)

    def zero_body(i, _):
      acc_v[pl.ds(i * L, L)] = zeros
      return 0
    lax.fori_loop(0, NP // L, zero_body, 0)

    pltpu.sync_copy(col_h.at[wid], col_v)
    pltpu.sync_copy(ew_h.at[wid], ew_v)
    if with_table:
      pltpu.sync_copy(row_h.at[wid], row_v)
      pltpu.sync_copy(z_h, z_v)

    def edge_body(g, _):
      j = g // (CH // L)
      o = (g % (CH // L)) * L
      c16 = col_v[j, pl.ds(o, L)]
      w16 = ew_v[pl.ds(g * L, L)]
      if with_table:
        r16 = row_v[j, pl.ds(o, L)]
        w16 = w16 * plsc.load_gather(z_v, [r16])
      plsc.addupdate_scatter(acc_v, [c16], w16)
      return 0
    lax.fori_loop(0, cpt * (CH // L), edge_body, 0)

    pltpu.sync_copy(acc_v, stage_s.at[s])
    plsc.subcore_barrier()
    pltpu.sync_copy(stage_s.at[:, pl.ds(s * ROWS_PER_TILE, ROWS_PER_TILE)],
                    m_v)

    def merge_body(p, _):
      v = m_v[0, pl.ds(p * L, L)]
      for t in range(1, NS):
        v = v + m_v[t, pl.ds(p * L, L)]
      acc_v[pl.ds(p * L, L)] = v
      return 0
    lax.fori_loop(0, ROWS_PER_TILE // L, merge_body, 0)
    pltpu.sync_copy(acc_v.at[pl.ds(0, ROWS_PER_TILE)],
                    out_h.at[c, pl.ds(s * ROWS_PER_TILE, ROWS_PER_TILE)])

  return functools.partial(
      pl.kernel, body, mesh=_mesh,
      out_type=jax.ShapeDtypeStruct((NC, NP), jnp.float32),
      compiler_params=_sc_params,
      scratch_types=scratch)




def _make_agg64(cpt):
  def body(row_h, col_h, ew_h, y_h, out_h,
           row_v, col_v, ew_v, r_v, acc_s, sem):
    c = lax.axis_index("c")
    s = lax.axis_index("s")
    wid = c * NS + s

    zeros = jnp.zeros((L,), jnp.float32)

    def zero_body(i, _):
      for f in range(D_HID // L):
        r_v[i, pl.ds(f * L, L)] = zeros
      return 0
    lax.fori_loop(0, CH, zero_body, 0)
    for k in range(ROWS_PER_TILE // CH):
      pltpu.sync_copy(r_v, acc_s.at[pl.ds(s * ROWS_PER_TILE + k * CH, CH)])
    plsc.subcore_barrier()

    pltpu.sync_copy(row_h.at[wid], row_v)
    pltpu.sync_copy(col_h.at[wid], col_v)
    pltpu.sync_copy(ew_h.at[wid], ew_v)

    def chunk_body(j, _):
      pltpu.async_copy(y_h.at[row_v.at[j]], r_v, sem).wait()

      def group_body(g, _):
        base = j * CH + g * L
        for e in range(L):
          w = plsc.load_gather(ew_v, [jnp.full((L,), base + e, jnp.int32)])
          r = g * L + e
          for f in range(D_HID // L):
            r_v[r, pl.ds(f * L, L)] = r_v[r, pl.ds(f * L, L)] * w
        return 0
      lax.fori_loop(0, CH // L, group_body, 0)
      pltpu.sync_copy(r_v, acc_s.at[col_v.at[j]], add=True)
      return 0
    lax.fori_loop(0, cpt, chunk_body, 0)

    plsc.subcore_barrier()
    pltpu.sync_copy(
        acc_s.at[pl.ds(s * ROWS_PER_TILE, ROWS_PER_TILE)],
        out_h.at[c, pl.ds(s * ROWS_PER_TILE, ROWS_PER_TILE)])

  return functools.partial(
      pl.kernel, body, mesh=_mesh,
      out_type=jax.ShapeDtypeStruct((NC, NP, D_HID), jnp.float32),
      compiler_params=_sc_params,
      scratch_types=[
          pltpu.VMEM((cpt, CH), jnp.int32),
          pltpu.VMEM((cpt, CH), jnp.int32),
          pltpu.VMEM((cpt * CH,), jnp.float32),
          pltpu.VMEM((CH, D_HID), jnp.float32),
          pltpu.VMEM_SHARED((NP, D_HID), jnp.float32),
          pltpu.SemaphoreType.DMA,
      ])



_BLK = 1000


def _dense1_body(x_ref, w1_ref, deg_ref, y_ref, dinv_ref):
  deg = deg_ref[:, 0] + deg_ref[:, 1] + 1.0
  dinv = jnp.where(deg > 0, lax.rsqrt(deg), 0.0)
  xw = jnp.dot(x_ref[...], w1_ref[...], preferred_element_type=jnp.float32)
  y_ref[...] = xw * dinv[:, None]
  dinv_ref[...] = dinv[:, None]


def _dense1(x, W1, deg2t):
  grid = (N // _BLK,)
  return pl.pallas_call(
      _dense1_body,
      grid=grid,
      in_specs=[
          pl.BlockSpec((_BLK, D_IN), lambda i: (i, 0)),
          pl.BlockSpec((D_IN, D_HID), lambda i: (0, 0)),
          pl.BlockSpec((_BLK, NC), lambda i: (i, 0)),
      ],
      out_specs=[
          pl.BlockSpec((_BLK, D_HID), lambda i: (i, 0)),
          pl.BlockSpec((_BLK, 1), lambda i: (i, 0)),
      ],
      out_shape=[
          jax.ShapeDtypeStruct((N, D_HID), jnp.float32),
          jax.ShapeDtypeStruct((N, 1), jnp.float32),
      ],
  )(x, W1, deg2t)


def _dense2_body(acc1_ref, y_ref, dinv_ref, b1_ref, w2_ref, z_ref):
  a = acc1_ref[0] + acc1_ref[1] + y_ref[...]
  pre = dinv_ref[...] * a + b1_ref[...]
  h = jnp.where(pre > 0, pre, jnp.exp(pre) - 1.0)
  z_ref[...] = jnp.dot(
      h, w2_ref[...], preferred_element_type=jnp.float32) * dinv_ref[...]


def _dense2(acc1, y, dinv, b1, W2):
  grid = (N // _BLK,)
  return pl.pallas_call(
      _dense2_body,
      grid=grid,
      in_specs=[
          pl.BlockSpec((NC, _BLK, D_HID), lambda i: (0, i, 0)),
          pl.BlockSpec((_BLK, D_HID), lambda i: (i, 0)),
          pl.BlockSpec((_BLK, 1), lambda i: (i, 0)),
          pl.BlockSpec((1, D_HID), lambda i: (0, 0)),
          pl.BlockSpec((D_HID, 1), lambda i: (0, 0)),
      ],
      out_specs=pl.BlockSpec((_BLK, 1), lambda i: (i, 0)),
      out_shape=jax.ShapeDtypeStruct((N, 1), jnp.float32),
  )(acc1, y, dinv, b1, W2)


def _final_body(acc2_ref, z_ref, dinv_ref, b2_ref, out_ref):
  t = acc2_ref[:, 0:1] + acc2_ref[:, 1:2]
  pre = dinv_ref[...] * (t + z_ref[...]) + b2_ref[...]
  out_ref[...] = 1.0 / (1.0 + jnp.exp(-pre))


def _final(acc2t, z, dinv, b2):
  grid = (N // _BLK,)
  return pl.pallas_call(
      _final_body,
      grid=grid,
      in_specs=[
          pl.BlockSpec((_BLK, NC), lambda i: (i, 0)),
          pl.BlockSpec((_BLK, 1), lambda i: (i, 0)),
          pl.BlockSpec((_BLK, 1), lambda i: (i, 0)),
          pl.BlockSpec((1, 1), lambda i: (0, 0)),
      ],
      out_specs=pl.BlockSpec((_BLK, 1), lambda i: (i, 0)),
      out_shape=jax.ShapeDtypeStruct((N, 1), jnp.float32),
  )(acc2t, z, dinv, b2)




def kernel(x, edge_index, edge_weight, W1, b1, W2, b2):
  E = edge_weight.shape[0]
  cpt = _num_chunks(E)
  ep = NC * NS * cpt * CH

  row = edge_index[0]
  col = edge_index[1]
  row_p = jnp.pad(row, (0, ep - E)).reshape(NC * NS, cpt, CH)
  col_p = jnp.pad(col, (0, ep - E)).reshape(NC * NS, cpt, CH)
  ew_p = jnp.pad(edge_weight, (0, ep - E)).reshape(NC * NS, cpt * CH)

  deg2 = _make_scalar_seg_sum(cpt, with_table=False)()(col_p, ew_p)
  y, dinv = _dense1(x, W1, deg2[:, :N].T)
  acc1 = _make_agg64(cpt)()(row_p, col_p, ew_p, y)
  z = _dense2(acc1[:, :N], y, dinv, b1.reshape(1, D_HID), W2)
  z_pad = jnp.pad(z[:, 0], (0, NP - N))
  acc2 = _make_scalar_seg_sum(cpt, with_table=True)()(
      row_p, col_p, ew_p, z_pad)
  return _final(acc2[:, :N].T, z, dinv, b2.reshape(1, 1))

# --- scband reference (transcript-rebuilt; emitter-appended) ---
"""Pipeline reference for scband-net-1786706395263 (READ-ONLY COPY).

The authoritative reference and input builder live on the scoring server;
editing this copy changes nothing except your own understanding.
"""

import jax, jax.numpy as jnp
import numpy as np

N = 10000
E = 320000
D_IN = 128
D_HID = 64


def setup_inputs(seed: int = 0) -> dict:
    key = jax.random.key(seed)
    k1, k2, k3, k4, k5 = jax.random.split(key, 5)
    x = jax.random.normal(k1, (N, D_IN), dtype=jnp.float32)
    edge_index = jax.random.randint(k2, (2, E), 0, N, dtype=jnp.int32)
    edge_weight = jax.random.uniform(k3, (E,), dtype=jnp.float32)
    W1 = jax.random.normal(k4, (D_IN, D_HID), dtype=jnp.float32) * 0.05
    b1 = jnp.zeros((D_HID,), dtype=jnp.float32)
    W2 = jax.random.normal(k5, (D_HID, 1), dtype=jnp.float32) * 0.05
    b2 = jnp.zeros((1,), dtype=jnp.float32)
    return {"x": x, "edge_index": edge_index, "edge_weight": edge_weight,
            "W1": W1, "b1": b1, "W2": W2, "b2": b2}


def gcn_conv(x, edge_index, edge_weight, W, b):
    # GCNConv with normalize=True: add self-loops, symmetric deg^{-1/2} normalization
    num_nodes = x.shape[0]
    x = x @ W
    row = edge_index[0]
    col = edge_index[1]
    loop = jnp.arange(num_nodes, dtype=row.dtype)
    row = jnp.concatenate([row, loop])
    col = jnp.concatenate([col, loop])
    ew = jnp.concatenate([edge_weight, jnp.ones((num_nodes,), dtype=edge_weight.dtype)])
    deg = jnp.zeros((num_nodes,), dtype=x.dtype).at[col].add(ew)
    deg_inv_sqrt = jnp.where(deg > 0, deg ** -0.5, 0.0)
    norm = deg_inv_sqrt[row] * ew * deg_inv_sqrt[col]
    msg = x[row] * norm[:, None]
    out = jnp.zeros((num_nodes, x.shape[1]), dtype=x.dtype).at[col].add(msg)
    return out + b


def reference(x, edge_index, edge_weight, W1, b1, W2, b2):
    # layer == 2 path; dropout has p=0.0 so it is the identity
    h = jax.nn.elu(gcn_conv(x, edge_index, edge_weight, W1, b1))
    out = jax.nn.sigmoid(gcn_conv(h, edge_index, edge_weight, W2, b2))
    return out

if __name__ == "__main__":
    import jax
    _d = setup_inputs()
    print(jax.jit(kernel)(*tuple(_d.values())))

</pallas_src>

<mosaic_0001>
#map = affine_map<(d0, d1) -> (0, 0, 0)>
#map1 = affine_map<(d0, d1) -> (0, 0)>
#map2 = affine_map<(d0, d1) -> (0)>
module attributes {stable_mosaic.version = 14 : i64} {
  func.func @body(%arg0: i32, %arg1: i32, %arg2: memref<32x79x128xi32, #tpu.memory_space<hbm>>, %arg3: memref<32x79x128xi32, #tpu.memory_space<hbm>>, %arg4: memref<32x10112xf32, #tpu.memory_space<hbm>>, %arg5: memref<10240xf32, #tpu.memory_space<hbm>>, %arg6: memref<2x10240xf32, #tpu.memory_space<hbm>>, %arg7: memref<79x128xi32, #tpu.memory_space<vmem>>, %arg8: memref<10240xf32, #tpu.memory_space<vmem>>, %arg9: memref<79x128xi32, #tpu.memory_space<vmem>>, %arg10: memref<10112xf32, #tpu.memory_space<vmem>>, %arg11: memref<10240xf32, #tpu.memory_space<vmem>>, %arg12: memref<16x640xf32, #tpu.memory_space<vmem>>, %arg13: memref<16x10240xf32, #tpu.memory_space<vmem_shared>>) attributes {dimension_semantics = [#tpu.dimension_semantics<core_parallel>, #tpu.dimension_semantics<subcore_parallel>], iteration_bounds = array<i64: 2, 16>, scalar_prefetch = 0 : i64, scratch_operands = 7 : i64, tpu.core_type = #tpu.core_type<sc_vector_subcore>, window_params = [{transform_indices = #map}, {transform_indices = #map}, {transform_indices = #map1}, {transform_indices = #map2}, {transform_indices = #map1}]} {
    %mul3A = arith.constant 16 : i32
    %mul3A_0 = arith.muli %arg0, %mul3A : i32
    %add3A = arith.addi %mul3A_0, %arg1 : i32
    %broadcast_in_dim3A = arith.constant 0.000000e+00 : f32
    %broadcast_in_dim3A_1 = vector.broadcast %broadcast_in_dim3A : f32 to vector<16xf32>
    %scan3A = arith.constant 0 : i32
    %scan3A_2 = arith.constant 0 : i32
    %scan3A_3 = arith.constant 640 : i32
    %scan3A_4 = arith.addi %scan3A_2, %scan3A_3 : i32
    %scan3A_5 = arith.constant 1 : i32
    %scan3A_6 = scf.for %scan3A_26 = %scan3A_2 to %scan3A_4 step %scan3A_5 iter_args(%scan3A_27 = %scan3A) -> (i32)  : i32 {
      %mul3A_28 = arith.constant 16 : i32
      %mul3A_29 = arith.muli %scan3A_26, %mul3A_28 : i32
      %swap3A = arith.index_cast %mul3A_29 : i32 to index
      %swap3A_30 = tpu.vector_load %arg11[%swap3A] {strides = array<i32>} : memref<10240xf32, #tpu.memory_space<vmem>>, vector<16xf32>,
      tpu.vector_store %arg11[%swap3A], %broadcast_in_dim3A_1 {strides = array<i32>} : memref<10240xf32, #tpu.memory_space<vmem>>, vector<16xf32>,
      %scan3A_31 = arith.constant 0 : i32
      scf.yield %scan3A_31 : i32
    }
    %scan3A_7 = arith.constant 640 : i32
    "tpu.region"() ({
      %run_scoped3A = tpu.sem_alloc : memref<!tpu.dma_semaphore, #tpu.memory_space<semaphore_mem>>
      %dma_start3A = arith.constant 0 : i32
      %dma_start3A_26 = arith.constant 0 : i32
      %dma_start3A_27 = tpu.memref_slice %arg3[%add3A, %dma_start3A, %dma_start3A_26] : memref<32x79x128xi32, #tpu.memory_space<hbm>> -> memref<1x79x128xi32, #tpu.memory_space<hbm>>
      %dma_start3A_28 = tpu.memref_squeeze %dma_start3A_27 : memref<1x79x128xi32, #tpu.memory_space<hbm>> -> memref<79x128xi32, #tpu.memory_space<hbm>>
      %dma_start3A_29 = arith.constant 0 : i32
      %dma_start3A_30 = arith.constant 0 : i32
      %dma_start3A_31 = tpu.memref_slice %arg3[%add3A, %dma_start3A_29, %dma_start3A_30] : memref<32x79x128xi32, #tpu.memory_space<hbm>> -> memref<1x79x128xi32, #tpu.memory_space<hbm>>
      %dma_start3A_32 = tpu.memref_squeeze %dma_start3A_31 : memref<1x79x128xi32, #tpu.memory_space<hbm>> -> memref<79x128xi32, #tpu.memory_space<hbm>>
      tpu.enqueue_dma source(%dma_start3A_32 : memref<79x128xi32, #tpu.memory_space<hbm>>) target(%arg9 : memref<79x128xi32, #tpu.memory_space<vmem>>) target_semaphore(%run_scoped3A : memref<!tpu.dma_semaphore, #tpu.memory_space<semaphore_mem>>)
      %dma_wait3A = arith.constant 0 : i32
      %dma_wait3A_33 = arith.constant 0 : i32
      %dma_wait3A_34 = tpu.memref_slice %arg3[%add3A, %dma_wait3A, %dma_wait3A_33] : memref<32x79x128xi32, #tpu.memory_space<hbm>> -> memref<1x79x128xi32, #tpu.memory_space<hbm>>
      %dma_wait3A_35 = tpu.memref_squeeze %dma_wait3A_34 : memref<1x79x128xi32, #tpu.memory_space<hbm>> -> memref<79x128xi32, #tpu.memory_space<hbm>>
      %dma_wait3A_36 = arith.constant 0 : i32
      %dma_wait3A_37 = arith.constant 0 : i32
      %dma_wait3A_38 = tpu.memref_slice %arg3[%add3A, %dma_wait3A_36, %dma_wait3A_37] : memref<32x79x128xi32, #tpu.memory_space<hbm>> -> memref<1x79x128xi32, #tpu.memory_space<hbm>>
      %dma_wait3A_39 = tpu.memref_squeeze %dma_wait3A_38 : memref<1x79x128xi32, #tpu.memory_space<hbm>> -> memref<79x128xi32, #tpu.memory_space<hbm>>
      tpu.wait_dma2 semaphore(%run_scoped3A : memref<!tpu.dma_semaphore, #tpu.memory_space<semaphore_mem>>) src(%dma_wait3A_39 : memref<79x128xi32, #tpu.memory_space<hbm>>) dst(%arg9 : memref<79x128xi32, #tpu.memory_space<vmem>>)
      tpu.yield
    }) : () -> ()
    "tpu.region"() ({
      %run_scoped3A = tpu.sem_alloc : memref<!tpu.dma_semaphore, #tpu.memory_space<semaphore_mem>>
      %dma_start3A = arith.constant 0 : i32
      %dma_start3A_26 = tpu.memref_slice %arg4[%add3A, %dma_start3A] : memref<32x10112xf32, #tpu.memory_space<hbm>> -> memref<1x10112xf32, #tpu.memory_space<hbm>>
      %dma_start3A_27 = tpu.memref_squeeze %dma_start3A_26 : memref<1x10112xf32, #tpu.memory_space<hbm>> -> memref<10112xf32, #tpu.memory_space<hbm>>
      %dma_start3A_28 = arith.constant 0 : i32
      %dma_start3A_29 = tpu.memref_slice %arg4[%add3A, %dma_start3A_28] : memref<32x10112xf32, #tpu.memory_space<hbm>> -> memref<1x10112xf32, #tpu.memory_space<hbm>>
      %dma_start3A_30 = tpu.memref_squeeze %dma_start3A_29 : memref<1x10112xf32, #tpu.memory_space<hbm>> -> memref<10112xf32, #tpu.memory_space<hbm>>
      tpu.enqueue_dma source(%dma_start3A_30 : memref<10112xf32, #tpu.memory_space<hbm>>) target(%arg10 : memref<10112xf32, #tpu.memory_space<vmem>>) target_semaphore(%run_scoped3A : memref<!tpu.dma_semaphore, #tpu.memory_space<semaphore_mem>>)
      %dma_wait3A = arith.constant 0 : i32
      %dma_wait3A_31 = tpu.memref_slice %arg4[%add3A, %dma_wait3A] : memref<32x10112xf32, #tpu.memory_space<hbm>> -> memref<1x10112xf32, #tpu.memory_space<hbm>>
      %dma_wait3A_32 = tpu.memref_squeeze %dma_wait3A_31 : memref<1x10112xf32, #tpu.memory_space<hbm>> -> memref<10112xf32, #tpu.memory_space<hbm>>
      %dma_wait3A_33 = arith.constant 0 : i32
      %dma_wait3A_34 = tpu.memref_slice %arg4[%add3A, %dma_wait3A_33] : memref<32x10112xf32, #tpu.memory_space<hbm>> -> memref<1x10112xf32, #tpu.memory_space<hbm>>
      %dma_wait3A_35 = tpu.memref_squeeze %dma_wait3A_34 : memref<1x10112xf32, #tpu.memory_space<hbm>> -> memref<10112xf32, #tpu.memory_space<hbm>>
      tpu.wait_dma2 semaphore(%run_scoped3A : memref<!tpu.dma_semaphore, #tpu.memory_space<semaphore_mem>>) src(%dma_wait3A_35 : memref<10112xf32, #tpu.memory_space<hbm>>) dst(%arg10 : memref<10112xf32, #tpu.memory_space<vmem>>)
      tpu.yield
    }) : () -> ()
    "tpu.region"() ({
      %run_scoped3A = tpu.sem_alloc : memref<!tpu.dma_semaphore, #tpu.memory_space<semaphore_mem>>
      %dma_start3A = arith.constant 0 : i32
      %dma_start3A_26 = arith.constant 0 : i32
      %dma_start3A_27 = tpu.memref_slice %arg2[%add3A, %dma_start3A, %dma_start3A_26] : memref<32x79x128xi32, #tpu.memory_space<hbm>> -> memref<1x79x128xi32, #tpu.memory_space<hbm>>
      %dma_start3A_28 = tpu.memref_squeeze %dma_start3A_27 : memref<1x79x128xi32, #tpu.memory_space<hbm>> -> memref<79x128xi32, #tpu.memory_space<hbm>>
      %dma_start3A_29 = arith.constant 0 : i32
      %dma_start3A_30 = arith.constant 0 : i32
      %dma_start3A_31 = tpu.memref_slice %arg2[%add3A, %dma_start3A_29, %dma_start3A_30] : memref<32x79x128xi32, #tpu.memory_space<hbm>> -> memref<1x79x128xi32, #tpu.memory_space<hbm>>
      %dma_start3A_32 = tpu.memref_squeeze %dma_start3A_31 : memref<1x79x128xi32, #tpu.memory_space<hbm>> -> memref<79x128xi32, #tpu.memory_space<hbm>>
      tpu.enqueue_dma source(%dma_start3A_32 : memref<79x128xi32, #tpu.memory_space<hbm>>) target(%arg7 : memref<79x128xi32, #tpu.memory_space<vmem>>) target_semaphore(%run_scoped3A : memref<!tpu.dma_semaphore, #tpu.memory_space<semaphore_mem>>)
      %dma_wait3A = arith.constant 0 : i32
      %dma_wait3A_33 = arith.constant 0 : i32
      %dma_wait3A_34 = tpu.memref_slice %arg2[%add3A, %dma_wait3A, %dma_wait3A_33] : memref<32x79x128xi32, #tpu.memory_space<hbm>> -> memref<1x79x128xi32, #tpu.memory_space<hbm>>
      %dma_wait3A_35 = tpu.memref_squeeze %dma_wait3A_34 : memref<1x79x128xi32, #tpu.memory_space<hbm>> -> memref<79x128xi32, #tpu.memory_space<hbm>>
      %dma_wait3A_36 = arith.constant 0 : i32
      %dma_wait3A_37 = arith.constant 0 : i32
      %dma_wait3A_38 = tpu.memref_slice %arg2[%add3A, %dma_wait3A_36, %dma_wait3A_37] : memref<32x79x128xi32, #tpu.memory_space<hbm>> -> memref<1x79x128xi32, #tpu.memory_space<hbm>>
      %dma_wait3A_39 = tpu.memref_squeeze %dma_wait3A_38 : memref<1x79x128xi32, #tpu.memory_space<hbm>> -> memref<79x128xi32, #tpu.memory_space<hbm>>
      tpu.wait_dma2 semaphore(%run_scoped3A : memref<!tpu.dma_semaphore, #tpu.memory_space<semaphore_mem>>) src(%dma_wait3A_39 : memref<79x128xi32, #tpu.memory_space<hbm>>) dst(%arg7 : memref<79x128xi32, #tpu.memory_space<vmem>>)
      tpu.yield
    }) : () -> ()
    "tpu.region"() ({
      %run_scoped3A = tpu.sem_alloc : memref<!tpu.dma_semaphore, #tpu.memory_space<semaphore_mem>>
      tpu.enqueue_dma source(%arg5 : memref<10240xf32, #tpu.memory_space<hbm>>) target(%arg8 : memref<10240xf32, #tpu.memory_space<vmem>>) target_semaphore(%run_scoped3A : memref<!tpu.dma_semaphore, #tpu.memory_space<semaphore_mem>>)
      tpu.wait_dma2 semaphore(%run_scoped3A : memref<!tpu.dma_semaphore, #tpu.memory_space<semaphore_mem>>) src(%arg5 : memref<10240xf32, #tpu.memory_space<hbm>>) dst(%arg8 : memref<10240xf32, #tpu.memory_space<vmem>>)
      tpu.yield
    }) : () -> ()
    %scan3A_8 = arith.constant 0 : i32
    %scan3A_9 = arith.constant 0 : i32
    %scan3A_10 = arith.constant 632 : i32
    %scan3A_11 = arith.addi %scan3A_9, %scan3A_10 : i32
    %scan3A_12 = arith.constant 1 : i32
    %scan3A_13 = scf.for %scan3A_26 = %scan3A_9 to %scan3A_11 step %scan3A_12 iter_args(%scan3A_27 = %scan3A_8) -> (i32)  : i32 {
      %jit3A = arith.constant 8 : i32
      %div3A = arith.divsi %scan3A_26, %jit3A : i32
      %sign3A = arith.constant 0 : i32
      %sign3A_28 = arith.cmpi sgt, %scan3A_26, %sign3A : i32
      %sign3A_29 = arith.extui %sign3A_28 : i1 to i32
      %sign3A_30 = arith.constant 0 : i32
      %sign3A_31 = arith.cmpi slt, %scan3A_26, %sign3A_30 : i32
      %sign3A_32 = arith.extui %sign3A_31 : i1 to i32
      %sign3A_33 = arith.subi %sign3A_29, %sign3A_32 : i32
      %sign3A_34 = arith.constant 0 : i32
      %sign3A_35 = arith.cmpi sgt, %jit3A, %sign3A_34 : i32
      %sign3A_36 = arith.extui %sign3A_35 : i1 to i32
      %sign3A_37 = arith.constant 0 : i32
      %sign3A_38 = arith.cmpi slt, %jit3A, %sign3A_37 : i32
      %sign3A_39 = arith.extui %sign3A_38 : i1 to i32
      %sign3A_40 = arith.subi %sign3A_36, %sign3A_39 : i32
      %ne3A = arith.cmpi ne, %sign3A_33, %sign3A_40 : i32
      %rem3A = arith.remsi %scan3A_26, %jit3A : i32
      %ne3A_41 = arith.constant 0 : i32
      %ne3A_42 = arith.cmpi ne, %rem3A, %ne3A_41 : i32
      %and3A = arith.andi %ne3A, %ne3A_42 : i1
      %sub3A = arith.constant 1 : i32
      %sub3A_43 = arith.subi %div3A, %sub3A : i32
      %select_n3A = arith.select %and3A, %sub3A_43, %div3A : i32
      %jit3A_44 = arith.constant 8 : i32
      %eq3A = arith.constant 0 : i32
      %eq3A_45 = arith.cmpi eq, %jit3A_44, %eq3A : i32
      %jit3A_46 = arith.constant 1 : i32
      %select_n3A_47 = arith.select %eq3A_45, %jit3A_46, %jit3A_44 : i32
      %rem3A_48 = arith.remsi %scan3A_26, %select_n3A_47 : i32
      %ne3A_49 = arith.constant 0 : i32
      %ne3A_50 = arith.cmpi ne, %rem3A_48, %ne3A_49 : i32
      %lt3A = arith.constant 0 : i32
      %lt3A_51 = arith.cmpi slt, %rem3A_48, %lt3A : i32
      %lt3A_52 = arith.constant 0 : i32
      %lt3A_53 = arith.cmpi slt, %select_n3A_47, %lt3A_52 : i32
      %ne3A_54 = arith.xori %lt3A_51, %lt3A_53 : i1
      %and3A_55 = arith.andi %ne3A_54, %ne3A_50 : i1
      %add3A_56 = arith.addi %rem3A_48, %select_n3A_47 : i32
      %select_n3A_57 = arith.select %and3A_55, %add3A_56, %rem3A_48 : i32
      %mul3A_58 = arith.constant 16 : i32
      %mul3A_59 = arith.muli %select_n3A_57, %mul3A_58 : i32
      %get3A = arith.index_cast %select_n3A : i32 to index
      %get3A_60 = arith.index_cast %mul3A_59 : i32 to index
      %get3A_61 = tpu.vector_load %arg9[%get3A, %get3A_60] {strides = array<i32>} : memref<79x128xi32, #tpu.memory_space<vmem>>, vector<16xi32>,
      %mul3A_62 = arith.constant 16 : i32
      %mul3A_63 = arith.muli %scan3A_26, %mul3A_62 : i32
      %get3A_64 = arith.index_cast %mul3A_63 : i32 to index
      %get3A_65 = tpu.vector_load %arg10[%get3A_64] {strides = array<i32>} : memref<10112xf32, #tpu.memory_space<vmem>>, vector<16xf32>,
      %get3A_66 = arith.index_cast %select_n3A : i32 to index
      %get3A_67 = arith.index_cast %mul3A_59 : i32 to index
      %get3A_68 = tpu.vector_load %arg7[%get3A_66, %get3A_67] {strides = array<i32>} : memref<79x128xi32, #tpu.memory_space<vmem>>, vector<16xi32>,
      %gather3A = tpu.vector_load_idx %arg8[%get3A_68] : memref<10240xf32, #tpu.memory_space<vmem>>[vector<16xi32>], vector<16xf32>,
      %mul3A_69 = arith.mulf %get3A_65, %gather3A : vector<16xf32>
      tpu.vector_store_idx %arg11[%get3A_61], %mul3A_69 {add = true} : memref<10240xf32, #tpu.memory_space<vmem>>[vector<16xi32>], vector<16xf32>,
      %scan3A_70 = arith.constant 0 : i32
      scf.yield %scan3A_70 : i32
    }
    %scan3A_14 = arith.constant 632 : i32
    "tpu.region"() ({
      %run_scoped3A = tpu.sem_alloc : memref<!tpu.dma_semaphore, #tpu.memory_space<semaphore_mem>>
      %dma_start3A = arith.constant 0 : i32
      %dma_start3A_26 = tpu.memref_slice %arg13[%arg1, %dma_start3A] : memref<16x10240xf32, #tpu.memory_space<vmem_shared>> -> memref<1x10240xf32, #tpu.memory_space<vmem_shared>>
      %dma_start3A_27 = tpu.memref_squeeze %dma_start3A_26 : memref<1x10240xf32, #tpu.memory_space<vmem_shared>> -> memref<10240xf32, #tpu.memory_space<vmem_shared>>
      %dma_start3A_28 = arith.constant 0 : i32
      %dma_start3A_29 = tpu.memref_slice %arg13[%arg1, %dma_start3A_28] : memref<16x10240xf32, #tpu.memory_space<vmem_shared>> -> memref<1x10240xf32, #tpu.memory_space<vmem_shared>>
      %dma_start3A_30 = tpu.memref_squeeze %dma_start3A_29 : memref<1x10240xf32, #tpu.memory_space<vmem_shared>> -> memref<10240xf32, #tpu.memory_space<vmem_shared>>
      tpu.enqueue_dma source(%arg11 : memref<10240xf32, #tpu.memory_space<vmem>>) target(%dma_start3A_30 : memref<10240xf32, #tpu.memory_space<vmem_shared>>) target_semaphore(%run_scoped3A : memref<!tpu.dma_semaphore, #tpu.memory_space<semaphore_mem>>)
      %dma_wait3A = arith.constant 0 : i32
      %dma_wait3A_31 = tpu.memref_slice %arg13[%arg1, %dma_wait3A] : memref<16x10240xf32, #tpu.memory_space<vmem_shared>> -> memref<1x10240xf32, #tpu.memory_space<vmem_shared>>
      %dma_wait3A_32 = tpu.memref_squeeze %dma_wait3A_31 : memref<1x10240xf32, #tpu.memory_space<vmem_shared>> -> memref<10240xf32, #tpu.memory_space<vmem_shared>>
      %dma_wait3A_33 = arith.constant 0 : i32
      %dma_wait3A_34 = tpu.memref_slice %arg13[%arg1, %dma_wait3A_33] : memref<16x10240xf32, #tpu.memory_space<vmem_shared>> -> memref<1x10240xf32, #tpu.memory_space<vmem_shared>>
      %dma_wait3A_35 = tpu.memref_squeeze %dma_wait3A_34 : memref<1x10240xf32, #tpu.memory_space<vmem_shared>> -> memref<10240xf32, #tpu.memory_space<vmem_shared>>
      tpu.wait_dma2 semaphore(%run_scoped3A : memref<!tpu.dma_semaphore, #tpu.memory_space<semaphore_mem>>) src(%arg11 : memref<10240xf32, #tpu.memory_space<vmem>>) dst(%dma_wait3A_35 : memref<10240xf32, #tpu.memory_space<vmem_shared>>)
      tpu.yield
    }) : () -> ()
    %barrier3A = arith.constant 0 : index
    tpu.barrier barrier_id(%barrier3A)
    %mul3A_15 = arith.constant 640 : i32
    %mul3A_16 = arith.muli %arg1, %mul3A_15 : i32
    "tpu.region"() ({
      %run_scoped3A = tpu.sem_alloc : memref<!tpu.dma_semaphore, #tpu.memory_space<semaphore_mem>>
      %dma_start3A = arith.constant 0 : i32
      %dma_start3A_26 = tpu.memref_slice %arg13[%dma_start3A, %mul3A_16] : memref<16x10240xf32, #tpu.memory_space<vmem_shared>> -> memref<16x640xf32, #tpu.memory_space<vmem_shared>>
      %dma_start3A_27 = arith.constant 0 : i32
      %dma_start3A_28 = tpu.memref_slice %arg13[%dma_start3A_27, %mul3A_16] : memref<16x10240xf32, #tpu.memory_space<vmem_shared>> -> memref<16x640xf32, #tpu.memory_space<vmem_shared>>
      tpu.enqueue_dma source(%dma_start3A_28 : memref<16x640xf32, #tpu.memory_space<vmem_shared>>) target(%arg12 : memref<16x640xf32, #tpu.memory_space<vmem>>) target_semaphore(%run_scoped3A : memref<!tpu.dma_semaphore, #tpu.memory_space<semaphore_mem>>)
      %dma_wait3A = arith.constant 0 : i32
      %dma_wait3A_29 = tpu.memref_slice %arg13[%dma_wait3A, %mul3A_16] : memref<16x10240xf32, #tpu.memory_space<vmem_shared>> -> memref<16x640xf32, #tpu.memory_space<vmem_shared>>
      %dma_wait3A_30 = arith.constant 0 : i32
      %dma_wait3A_31 = tpu.memref_slice %arg13[%dma_wait3A_30, %mul3A_16] : memref<16x10240xf32, #tpu.memory_space<vmem_shared>> -> memref<16x640xf32, #tpu.memory_space<vmem_shared>>
      tpu.wait_dma2 semaphore(%run_scoped3A : memref<!tpu.dma_semaphore, #tpu.memory_space<semaphore_mem>>) src(%dma_wait3A_31 : memref<16x640xf32, #tpu.memory_space<vmem_shared>>) dst(%arg12 : memref<16x640xf32, #tpu.memory_space<vmem>>)
      tpu.yield
    }) : () -> ()
    %scan3A_17 = arith.constant 0 : i32
    %scan3A_18 = arith.constant 0 : i32
    %scan3A_19 = arith.constant 40 : i32
    %scan3A_20 = arith.addi %scan3A_18, %scan3A_19 : i32
    %scan3A_21 = arith.constant 1 : i32
    %scan3A_22 = scf.for %scan3A_26 = %scan3A_18 to %scan3A_20 step %scan3A_21 iter_args(%scan3A_27 = %scan3A_17) -> (i32)  : i32 {
      %mul3A_28 = arith.constant 16 : i32
      %mul3A_29 = arith.muli %scan3A_26, %mul3A_28 : i32
      %get3A = arith.constant 0 : i32
      %get3A_30 = arith.index_cast %get3A : i32 to index
      %get3A_31 = arith.index_cast %mul3A_29 : i32 to index
      %get3A_32 = tpu.vector_load %arg12[%get3A_30, %get3A_31] {strides = array<i32>} : memref<16x640xf32, #tpu.memory_space<vmem>>, vector<16xf32>,
      %mul3A_33 = arith.constant 16 : i32
      %mul3A_34 = arith.muli %scan3A_26, %mul3A_33 : i32
      %get3A_35 = arith.constant 1 : i32
      %get3A_36 = arith.index_cast %get3A_35 : i32 to index
      %get3A_37 = arith.index_cast %mul3A_34 : i32 to index
      %get3A_38 = tpu.vector_load %arg12[%get3A_36, %get3A_37] {strides = array<i32>} : memref<16x640xf32, #tpu.memory_space<vmem>>, vector<16xf32>,
      %add3A_39 = arith.addf %get3A_32, %get3A_38 : vector<16xf32>
      %mul3A_40 = arith.constant 16 : i32
      %mul3A_41 = arith.muli %scan3A_26, %mul3A_40 : i32
      %get3A_42 = arith.constant 2 : i32
      %get3A_43 = arith.index_cast %get3A_42 : i32 to index
      %get3A_44 = arith.index_cast %mul3A_41 : i32 to index
      %get3A_45 = tpu.vector_load %arg12[%get3A_43, %get3A_44] {strides = array<i32>} : memref<16x640xf32, #tpu.memory_space<vmem>>, vector<16xf32>,
      %add3A_46 = arith.addf %add3A_39, %get3A_45 : vector<16xf32>
      %mul3A_47 = arith.constant 16 : i32
      %mul3A_48 = arith.muli %scan3A_26, %mul3A_47 : i32
      %get3A_49 = arith.constant 3 : i32
      %get3A_50 = arith.index_cast %get3A_49 : i32 to index
      %get3A_51 = arith.index_cast %mul3A_48 : i32 to index
      %get3A_52 = tpu.vector_load %arg12[%get3A_50, %get3A_51] {strides = array<i32>} : memref<16x640xf32, #tpu.memory_space<vmem>>, vector<16xf32>,
      %add3A_53 = arith.addf %add3A_46, %get3A_52 : vector<16xf32>
      %mul3A_54 = arith.constant 16 : i32
      %mul3A_55 = arith.muli %scan3A_26, %mul3A_54 : i32
      %get3A_56 = arith.constant 4 : i32
      %get3A_57 = arith.index_cast %get3A_56 : i32 to index
      %get3A_58 = arith.index_cast %mul3A_55 : i32 to index
      %get3A_59 = tpu.vector_load %arg12[%get3A_57, %get3A_58] {strides = array<i32>} : memref<16x640xf32, #tpu.memory_space<vmem>>, vector<16xf32>,
      %add3A_60 = arith.addf %add3A_53, %get3A_59 : vector<16xf32>
      %mul3A_61 = arith.constant 16 : i32
      %mul3A_62 = arith.muli %scan3A_26, %mul3A_61 : i32
      %get3A_63 = arith.constant 5 : i32
      %get3A_64 = arith.index_cast %get3A_63 : i32 to index
      %get3A_65 = arith.index_cast %mul3A_62 : i32 to index
      %get3A_66 = tpu.vector_load %arg12[%get3A_64, %get3A_65] {strides = array<i32>} : memref<16x640xf32, #tpu.memory_space<vmem>>, vector<16xf32>,
      %add3A_67 = arith.addf %add3A_60, %get3A_66 : vector<16xf32>
      %mul3A_68 = arith.constant 16 : i32
      %mul3A_69 = arith.muli %scan3A_26, %mul3A_68 : i32
      %get3A_70 = arith.constant 6 : i32
      %get3A_71 = arith.index_cast %get3A_70 : i32 to index
      %get3A_72 = arith.index_cast %mul3A_69 : i32 to index
      %get3A_73 = tpu.vector_load %arg12[%get3A_71, %get3A_72] {strides = array<i32>} : memref<16x640xf32, #tpu.memory_space<vmem>>, vector<16xf32>,
      %add3A_74 = arith.addf %add3A_67, %get3A_73 : vector<16xf32>
      %mul3A_75 = arith.constant 16 : i32
      %mul3A_76 = arith.muli %scan3A_26, %mul3A_75 : i32
      %get3A_77 = arith.constant 7 : i32
      %get3A_78 = arith.index_cast %get3A_77 : i32 to index
      %get3A_79 = arith.index_cast %mul3A_76 : i32 to index
      %get3A_80 = tpu.vector_load %arg12[%get3A_78, %get3A_79] {strides = array<i32>} : memref<16x640xf32, #tpu.memory_space<vmem>>, vector<16xf32>,
      %add3A_81 = arith.addf %add3A_74, %get3A_80 : vector<16xf32>
      %mul3A_82 = arith.constant 16 : i32
      %mul3A_83 = arith.muli %scan3A_26, %mul3A_82 : i32
      %get3A_84 = arith.constant 8 : i32
      %get3A_85 = arith.index_cast %get3A_84 : i32 to index
      %get3A_86 = arith.index_cast %mul3A_83 : i32 to index
      %get3A_87 = tpu.vector_load %arg12[%get3A_85, %get3A_86] {strides = array<i32>} : memref<16x640xf32, #tpu.memory_space<vmem>>, vector<16xf32>,
      %add3A_88 = arith.addf %add3A_81, %get3A_87 : vector<16xf32>
      %mul3A_89 = arith.constant 16 : i32
      %mul3A_90 = arith.muli %scan3A_26, %mul3A_89 : i32
      %get3A_91 = arith.constant 9 : i32
      %get3A_92 = arith.index_cast %get3A_91 : i32 to index
      %get3A_93 = arith.index_cast %mul3A_90 : i32 to index
      %get3A_94 = tpu.vector_load %arg12[%get3A_92, %get3A_93] {strides = array<i32>} : memref<16x640xf32, #tpu.memory_space<vmem>>, vector<16xf32>,
      %add3A_95 = arith.addf %add3A_88, %get3A_94 : vector<16xf32>
      %mul3A_96 = arith.constant 16 : i32
      %mul3A_97 = arith.muli %scan3A_26, %mul3A_96 : i32
      %get3A_98 = arith.constant 10 : i32
      %get3A_99 = arith.index_cast %get3A_98 : i32 to index
      %get3A_100 = arith.index_cast %mul3A_97 : i32 to index
      %get3A_101 = tpu.vector_load %arg12[%get3A_99, %get3A_100] {strides = array<i32>} : memref<16x640xf32, #tpu.memory_space<vmem>>, vector<16xf32>,
      %add3A_102 = arith.addf %add3A_95, %get3A_101 : vector<16xf32>
      %mul3A_103 = arith.constant 16 : i32
      %mul3A_104 = arith.muli %scan3A_26, %mul3A_103 : i32
      %get3A_105 = arith.constant 11 : i32
      %get3A_106 = arith.index_cast %get3A_105 : i32 to index
      %get3A_107 = arith.index_cast %mul3A_104 : i32 to index
      %get3A_108 = tpu.vector_load %arg12[%get3A_106, %get3A_107] {strides = array<i32>} : memref<16x640xf32, #tpu.memory_space<vmem>>, vector<16xf32>,
      %add3A_109 = arith.addf %add3A_102, %get3A_108 : vector<16xf32>
      %mul3A_110 = arith.constant 16 : i32
      %mul3A_111 = arith.muli %scan3A_26, %mul3A_110 : i32
      %get3A_112 = arith.constant 12 : i32
      %get3A_113 = arith.index_cast %get3A_112 : i32 to index
      %get3A_114 = arith.index_cast %mul3A_111 : i32 to index
      %get3A_115 = tpu.vector_load %arg12[%get3A_113, %get3A_114] {strides = array<i32>} : memref<16x640xf32, #tpu.memory_space<vmem>>, vector<16xf32>,
      %add3A_116 = arith.addf %add3A_109, %get3A_115 : vector<16xf32>
      %mul3A_117 = arith.constant 16 : i32
      %mul3A_118 = arith.muli %scan3A_26, %mul3A_117 : i32
      %get3A_119 = arith.constant 13 : i32
      %get3A_120 = arith.index_cast %get3A_119 : i32 to index
      %get3A_121 = arith.index_cast %mul3A_118 : i32 to index
      %get3A_122 = tpu.vector_load %arg12[%get3A_120, %get3A_121] {strides = array<i32>} : memref<16x640xf32, #tpu.memory_space<vmem>>, vector<16xf32>,
      %add3A_123 = arith.addf %add3A_116, %get3A_122 : vector<16xf32>
      %mul3A_124 = arith.constant 16 : i32
      %mul3A_125 = arith.muli %scan3A_26, %mul3A_124 : i32
      %get3A_126 = arith.constant 14 : i32
      %get3A_127 = arith.index_cast %get3A_126 : i32 to index
      %get3A_128 = arith.index_cast %mul3A_125 : i32 to index
      %get3A_129 = tpu.vector_load %arg12[%get3A_127, %get3A_128] {strides = array<i32>} : memref<16x640xf32, #tpu.memory_space<vmem>>, vector<16xf32>,
      %add3A_130 = arith.addf %add3A_123, %get3A_129 : vector<16xf32>
      %mul3A_131 = arith.constant 16 : i32
      %mul3A_132 = arith.muli %scan3A_26, %mul3A_131 : i32
      %get3A_133 = arith.constant 15 : i32
      %get3A_134 = arith.index_cast %get3A_133 : i32 to index
      %get3A_135 = arith.index_cast %mul3A_132 : i32 to index
      %get3A_136 = tpu.vector_load %arg12[%get3A_134, %get3A_135] {strides = array<i32>} : memref<16x640xf32, #tpu.memory_space<vmem>>, vector<16xf32>,
      %add3A_137 = arith.addf %add3A_130, %get3A_136 : vector<16xf32>
      %mul3A_138 = arith.constant 16 : i32
      %mul3A_139 = arith.muli %scan3A_26, %mul3A_138 : i32
      %swap3A = arith.index_cast %mul3A_139 : i32 to index
      %swap3A_140 = tpu.vector_load %arg11[%swap3A] {strides = array<i32>} : memref<10240xf32, #tpu.memory_space<vmem>>, vector<16xf32>,
      tpu.vector_store %arg11[%swap3A], %add3A_137 {strides = array<i32>} : memref<10240xf32, #tpu.memory_space<vmem>>, vector<16xf32>,
      %scan3A_141 = arith.constant 0 : i32
      scf.yield %scan3A_141 : i32
    }
    %scan3A_23 = arith.constant 40 : i32
    %mul3A_24 = arith.constant 640 : i32
    %mul3A_25 = arith.muli %arg1, %mul3A_24 : i32
    "tpu.region"() ({
      %run_scoped3A = tpu.sem_alloc : memref<!tpu.dma_semaphore, #tpu.memory_space<semaphore_mem>>
      %dma_start3A = arith.constant 0 : i32
      %dma_start3A_26 = tpu.memref_slice %arg11[%dma_start3A] : memref<10240xf32, #tpu.memory_space<vmem>> -> memref<640xf32, #tpu.memory_space<vmem>>
      %dma_start3A_27 = tpu.memref_slice %arg6[%arg0, %mul3A_25] : memref<2x10240xf32, #tpu.memory_space<hbm>> -> memref<1x640xf32, #tpu.memory_space<hbm>>
      %dma_start3A_28 = tpu.memref_squeeze %dma_start3A_27 : memref<1x640xf32, #tpu.memory_space<hbm>> -> memref<640xf32, #tpu.memory_space<hbm>>
      %dma_start3A_29 = tpu.memref_slice %arg6[%arg0, %mul3A_25] : memref<2x10240xf32, #tpu.memory_space<hbm>> -> memref<1x640xf32, #tpu.memory_space<hbm>>
      %dma_start3A_30 = tpu.memref_squeeze %dma_start3A_29 : memref<1x640xf32, #tpu.memory_space<hbm>> -> memref<640xf32, #tpu.memory_space<hbm>>
      %dma_start3A_31 = arith.constant 0 : i32
      %dma_start3A_32 = tpu.memref_slice %arg11[%dma_start3A_31] : memref<10240xf32, #tpu.memory_space<vmem>> -> memref<640xf32, #tpu.memory_space<vmem>>
      tpu.enqueue_dma source(%dma_start3A_32 : memref<640xf32, #tpu.memory_space<vmem>>) target(%dma_start3A_30 : memref<640xf32, #tpu.memory_space<hbm>>) target_semaphore(%run_scoped3A : memref<!tpu.dma_semaphore, #tpu.memory_space<semaphore_mem>>)
      %dma_wait3A = arith.constant 0 : i32
      %dma_wait3A_33 = tpu.memref_slice %arg11[%dma_wait3A] : memref<10240xf32, #tpu.memory_space<vmem>> -> memref<640xf32, #tpu.memory_space<vmem>>
      %dma_wait3A_34 = tpu.memref_slice %arg6[%arg0, %mul3A_25] : memref<2x10240xf32, #tpu.memory_space<hbm>> -> memref<1x640xf32, #tpu.memory_space<hbm>>
      %dma_wait3A_35 = tpu.memref_squeeze %dma_wait3A_34 : memref<1x640xf32, #tpu.memory_space<hbm>> -> memref<640xf32, #tpu.memory_space<hbm>>
      %dma_wait3A_36 = tpu.memref_slice %arg6[%arg0, %mul3A_25] : memref<2x10240xf32, #tpu.memory_space<hbm>> -> memref<1x640xf32, #tpu.memory_space<hbm>>
      %dma_wait3A_37 = tpu.memref_squeeze %dma_wait3A_36 : memref<1x640xf32, #tpu.memory_space<hbm>> -> memref<640xf32, #tpu.memory_space<hbm>>
      %dma_wait3A_38 = arith.constant 0 : i32
      %dma_wait3A_39 = tpu.memref_slice %arg11[%dma_wait3A_38] : memref<10240xf32, #tpu.memory_space<vmem>> -> memref<640xf32, #tpu.memory_space<vmem>>
      tpu.wait_dma2 semaphore(%run_scoped3A : memref<!tpu.dma_semaphore, #tpu.memory_space<semaphore_mem>>) src(%dma_wait3A_39 : memref<640xf32, #tpu.memory_space<vmem>>) dst(%dma_wait3A_37 : memref<640xf32, #tpu.memory_space<hbm>>)
      tpu.yield
    }) : () -> ()
    return
  }
}

#map = affine_map<(d0, d1) -> (0, 0, 0)>
#map1 = affine_map<(d0, d1) -> (0, 0)>
module attributes {stable_mosaic.version = 14 : i64} {
  func.func @body(%arg0: i32, %arg1: i32, %arg2: memref<32x79x128xi32, #tpu.memory_space<hbm>>, %arg3: memref<32x10112xf32, #tpu.memory_space<hbm>>, %arg4: memref<2x10240xf32, #tpu.memory_space<hbm>>, %arg5: memref<79x128xi32, #tpu.memory_space<vmem>>, %arg6: memref<10112xf32, #tpu.memory_space<vmem>>, %arg7: memref<10240xf32, #tpu.memory_space<vmem>>, %arg8: memref<16x640xf32, #tpu.memory_space<vmem>>, %arg9: memref<16x10240xf32, #tpu.memory_space<vmem_shared>>) attributes {dimension_semantics = [#tpu.dimension_semantics<core_parallel>, #tpu.dimension_semantics<subcore_parallel>], iteration_bounds = array<i64: 2, 16>, scalar_prefetch = 0 : i64, scratch_operands = 5 : i64, tpu.core_type = #tpu.core_type<sc_vector_subcore>, window_params = [{transform_indices = #map}, {transform_indices = #map1}, {transform_indices = #map1}]} {
    %mul3A = arith.constant 16 : i32
    %mul3A_0 = arith.muli %arg0, %mul3A : i32
    %add3A = arith.addi %mul3A_0, %arg1 : i32
    %broadcast_in_dim3A = arith.constant 0.000000e+00 : f32
    %broadcast_in_dim3A_1 = vector.broadcast %broadcast_in_dim3A : f32 to vector<16xf32>
    %scan3A = arith.constant 0 : i32
    %scan3A_2 = arith.constant 0 : i32
    %scan3A_3 = arith.constant 640 : i32
    %scan3A_4 = arith.addi %scan3A_2, %scan3A_3 : i32
    %scan3A_5 = arith.constant 1 : i32
    %scan3A_6 = scf.for %scan3A_26 = %scan3A_2 to %scan3A_4 step %scan3A_5 iter_args(%scan3A_27 = %scan3A) -> (i32)  : i32 {
      %mul3A_28 = arith.constant 16 : i32
      %mul3A_29 = arith.muli %scan3A_26, %mul3A_28 : i32
      %swap3A = arith.index_cast %mul3A_29 : i32 to index
      %swap3A_30 = tpu.vector_load %arg7[%swap3A] {strides = array<i32>} : memref<10240xf32, #tpu.memory_space<vmem>>, vector<16xf32>,
      tpu.vector_store %arg7[%swap3A], %broadcast_in_dim3A_1 {strides = array<i32>} : memref<10240xf32, #tpu.memory_space<vmem>>, vector<16xf32>,
      %scan3A_31 = arith.constant 0 : i32
      scf.yield %scan3A_31 : i32
    }
    %scan3A_7 = arith.constant 640 : i32
    "tpu.region"() ({
      %run_scoped3A = tpu.sem_alloc : memref<!tpu.dma_semaphore, #tpu.memory_space<semaphore_mem>>
      %dma_start3A = arith.constant 0 : i32
      %dma_start3A_26 = arith.constant 0 : i32
      %dma_start3A_27 = tpu.memref_slice %arg2[%add3A, %dma_start3A, %dma_start3A_26] : memref<32x79x128xi32, #tpu.memory_space<hbm>> -> memref<1x79x128xi32, #tpu.memory_space<hbm>>
      %dma_start3A_28 = tpu.memref_squeeze %dma_start3A_27 : memref<1x79x128xi32, #tpu.memory_space<hbm>> -> memref<79x128xi32, #tpu.memory_space<hbm>>
      %dma_start3A_29 = arith.constant 0 : i32
      %dma_start3A_30 = arith.constant 0 : i32
      %dma_start3A_31 = tpu.memref_slice %arg2[%add3A, %dma_start3A_29, %dma_start3A_30] : memref<32x79x128xi32, #tpu.memory_space<hbm>> -> memref<1x79x128xi32, #tpu.memory_space<hbm>>
      %dma_start3A_32 = tpu.memref_squeeze %dma_start3A_31 : memref<1x79x128xi32, #tpu.memory_space<hbm>> -> memref<79x128xi32, #tpu.memory_space<hbm>>
      tpu.enqueue_dma source(%dma_start3A_32 : memref<79x128xi32, #tpu.memory_space<hbm>>) target(%arg5 : memref<79x128xi32, #tpu.memory_space<vmem>>) target_semaphore(%run_scoped3A : memref<!tpu.dma_semaphore, #tpu.memory_space<semaphore_mem>>)
      %dma_wait3A = arith.constant 0 : i32
      %dma_wait3A_33 = arith.constant 0 : i32
      %dma_wait3A_34 = tpu.memref_slice %arg2[%add3A, %dma_wait3A, %dma_wait3A_33] : memref<32x79x128xi32, #tpu.memory_space<hbm>> -> memref<1x79x128xi32, #tpu.memory_space<hbm>>
      %dma_wait3A_35 = tpu.memref_squeeze %dma_wait3A_34 : memref<1x79x128xi32, #tpu.memory_space<hbm>> -> memref<79x128xi32, #tpu.memory_space<hbm>>
      %dma_wait3A_36 = arith.constant 0 : i32
      %dma_wait3A_37 = arith.constant 0 : i32
      %dma_wait3A_38 = tpu.memref_slice %arg2[%add3A, %dma_wait3A_36, %dma_wait3A_37] : memref<32x79x128xi32, #tpu.memory_space<hbm>> -> memref<1x79x128xi32, #tpu.memory_space<hbm>>
      %dma_wait3A_39 = tpu.memref_squeeze %dma_wait3A_38 : memref<1x79x128xi32, #tpu.memory_space<hbm>> -> memref<79x128xi32, #tpu.memory_space<hbm>>
      tpu.wait_dma2 semaphore(%run_scoped3A : memref<!tpu.dma_semaphore, #tpu.memory_space<semaphore_mem>>) src(%dma_wait3A_39 : memref<79x128xi32, #tpu.memory_space<hbm>>) dst(%arg5 : memref<79x128xi32, #tpu.memory_space<vmem>>)
      tpu.yield
    }) : () -> ()
    "tpu.region"() ({
      %run_scoped3A = tpu.sem_alloc : memref<!tpu.dma_semaphore, #tpu.memory_space<semaphore_mem>>
      %dma_start3A = arith.constant 0 : i32
      %dma_start3A_26 = tpu.memref_slice %arg3[%add3A, %dma_start3A] : memref<32x10112xf32, #tpu.memory_space<hbm>> -> memref<1x10112xf32, #tpu.memory_space<hbm>>
      %dma_start3A_27 = tpu.memref_squeeze %dma_start3A_26 : memref<1x10112xf32, #tpu.memory_space<hbm>> -> memref<10112xf32, #tpu.memory_space<hbm>>
      %dma_start3A_28 = arith.constant 0 : i32
      %dma_start3A_29 = tpu.memref_slice %arg3[%add3A, %dma_start3A_28] : memref<32x10112xf32, #tpu.memory_space<hbm>> -> memref<1x10112xf32, #tpu.memory_space<hbm>>
      %dma_start3A_30 = tpu.memref_squeeze %dma_start3A_29 : memref<1x10112xf32, #tpu.memory_space<hbm>> -> memref<10112xf32, #tpu.memory_space<hbm>>
      tpu.enqueue_dma source(%dma_start3A_30 : memref<10112xf32, #tpu.memory_space<hbm>>) target(%arg6 : memref<10112xf32, #tpu.memory_space<vmem>>) target_semaphore(%run_scoped3A : memref<!tpu.dma_semaphore, #tpu.memory_space<semaphore_mem>>)
      %dma_wait3A = arith.constant 0 : i32
      %dma_wait3A_31 = tpu.memref_slice %arg3[%add3A, %dma_wait3A] : memref<32x10112xf32, #tpu.memory_space<hbm>> -> memref<1x10112xf32, #tpu.memory_space<hbm>>
      %dma_wait3A_32 = tpu.memref_squeeze %dma_wait3A_31 : memref<1x10112xf32, #tpu.memory_space<hbm>> -> memref<10112xf32, #tpu.memory_space<hbm>>
      %dma_wait3A_33 = arith.constant 0 : i32
      %dma_wait3A_34 = tpu.memref_slice %arg3[%add3A, %dma_wait3A_33] : memref<32x10112xf32, #tpu.memory_space<hbm>> -> memref<1x10112xf32, #tpu.memory_space<hbm>>
      %dma_wait3A_35 = tpu.memref_squeeze %dma_wait3A_34 : memref<1x10112xf32, #tpu.memory_space<hbm>> -> memref<10112xf32, #tpu.memory_space<hbm>>
      tpu.wait_dma2 semaphore(%run_scoped3A : memref<!tpu.dma_semaphore, #tpu.memory_space<semaphore_mem>>) src(%dma_wait3A_35 : memref<10112xf32, #tpu.memory_space<hbm>>) dst(%arg6 : memref<10112xf32, #tpu.memory_space<vmem>>)
      tpu.yield
    }) : () -> ()
    %scan3A_8 = arith.constant 0 : i32
    %scan3A_9 = arith.constant 0 : i32
    %scan3A_10 = arith.constant 632 : i32
    %scan3A_11 = arith.addi %scan3A_9, %scan3A_10 : i32
    %scan3A_12 = arith.constant 1 : i32
    %scan3A_13 = scf.for %scan3A_26 = %scan3A_9 to %scan3A_11 step %scan3A_12 iter_args(%scan3A_27 = %scan3A_8) -> (i32)  : i32 {
      %jit3A = arith.constant 8 : i32
      %div3A = arith.divsi %scan3A_26, %jit3A : i32
      %sign3A = arith.constant 0 : i32
      %sign3A_28 = arith.cmpi sgt, %scan3A_26, %sign3A : i32
      %sign3A_29 = arith.extui %sign3A_28 : i1 to i32
      %sign3A_30 = arith.constant 0 : i32
      %sign3A_31 = arith.cmpi slt, %scan3A_26, %sign3A_30 : i32
      %sign3A_32 = arith.extui %sign3A_31 : i1 to i32
      %sign3A_33 = arith.subi %sign3A_29, %sign3A_32 : i32
      %sign3A_34 = arith.constant 0 : i32
      %sign3A_35 = arith.cmpi sgt, %jit3A, %sign3A_34 : i32
      %sign3A_36 = arith.extui %sign3A_35 : i1 to i32
      %sign3A_37 = arith.constant 0 : i32
      %sign3A_38 = arith.cmpi slt, %jit3A, %sign3A_37 : i32
      %sign3A_39 = arith.extui %sign3A_38 : i1 to i32
      %sign3A_40 = arith.subi %sign3A_36, %sign3A_39 : i32
      %ne3A = arith.cmpi ne, %sign3A_33, %sign3A_40 : i32
      %rem3A = arith.remsi %scan3A_26, %jit3A : i32
      %ne3A_41 = arith.constant 0 : i32
      %ne3A_42 = arith.cmpi ne, %rem3A, %ne3A_41 : i32
      %and3A = arith.andi %ne3A, %ne3A_42 : i1
      %sub3A = arith.constant 1 : i32
      %sub3A_43 = arith.subi %div3A, %sub3A : i32
      %select_n3A = arith.select %and3A, %sub3A_43, %div3A : i32
      %jit3A_44 = arith.constant 8 : i32
      %eq3A = arith.constant 0 : i32
      %eq3A_45 = arith.cmpi eq, %jit3A_44, %eq3A : i32
      %jit3A_46 = arith.constant 1 : i32
      %select_n3A_47 = arith.select %eq3A_45, %jit3A_46, %jit3A_44 : i32
      %rem3A_48 = arith.remsi %scan3A_26, %select_n3A_47 : i32
      %ne3A_49 = arith.constant 0 : i32
      %ne3A_50 = arith.cmpi ne, %rem3A_48, %ne3A_49 : i32
      %lt3A = arith.constant 0 : i32
      %lt3A_51 = arith.cmpi slt, %rem3A_48, %lt3A : i32
      %lt3A_52 = arith.constant 0 : i32
      %lt3A_53 = arith.cmpi slt, %select_n3A_47, %lt3A_52 : i32
      %ne3A_54 = arith.xori %lt3A_51, %lt3A_53 : i1
      %and3A_55 = arith.andi %ne3A_54, %ne3A_50 : i1
      %add3A_56 = arith.addi %rem3A_48, %select_n3A_47 : i32
      %select_n3A_57 = arith.select %and3A_55, %add3A_56, %rem3A_48 : i32
      %mul3A_58 = arith.constant 16 : i32
      %mul3A_59 = arith.muli %select_n3A_57, %mul3A_58 : i32
      %get3A = arith.index_cast %select_n3A : i32 to index
      %get3A_60 = arith.index_cast %mul3A_59 : i32 to index
      %get3A_61 = tpu.vector_load %arg5[%get3A, %get3A_60] {strides = array<i32>} : memref<79x128xi32, #tpu.memory_space<vmem>>, vector<16xi32>,
      %mul3A_62 = arith.constant 16 : i32
      %mul3A_63 = arith.muli %scan3A_26, %mul3A_62 : i32
      %get3A_64 = arith.index_cast %mul3A_63 : i32 to index
      %get3A_65 = tpu.vector_load %arg6[%get3A_64] {strides = array<i32>} : memref<10112xf32, #tpu.memory_space<vmem>>, vector<16xf32>,
      tpu.vector_store_idx %arg7[%get3A_61], %get3A_65 {add = true} : memref<10240xf32, #tpu.memory_space<vmem>>[vector<16xi32>], vector<16xf32>,
      %scan3A_66 = arith.constant 0 : i32
      scf.yield %scan3A_66 : i32
    }
    %scan3A_14 = arith.constant 632 : i32
    "tpu.region"() ({
      %run_scoped3A = tpu.sem_alloc : memref<!tpu.dma_semaphore, #tpu.memory_space<semaphore_mem>>
      %dma_start3A = arith.constant 0 : i32
      %dma_start3A_26 = tpu.memref_slice %arg9[%arg1, %dma_start3A] : memref<16x10240xf32, #tpu.memory_space<vmem_shared>> -> memref<1x10240xf32, #tpu.memory_space<vmem_shared>>
      %dma_start3A_27 = tpu.memref_squeeze %dma_start3A_26 : memref<1x10240xf32, #tpu.memory_space<vmem_shared>> -> memref<10240xf32, #tpu.memory_space<vmem_shared>>
      %dma_start3A_28 = arith.constant 0 : i32
      %dma_start3A_29 = tpu.memref_slice %arg9[%arg1, %dma_start3A_28] : memref<16x10240xf32, #tpu.memory_space<vmem_shared>> -> memref<1x10240xf32, #tpu.memory_space<vmem_shared>>
      %dma_start3A_30 = tpu.memref_squeeze %dma_start3A_29 : memref<1x10240xf32, #tpu.memory_space<vmem_shared>> -> memref<10240xf32, #tpu.memory_space<vmem_shared>>
      tpu.enqueue_dma source(%arg7 : memref<10240xf32, #tpu.memory_space<vmem>>) target(%dma_start3A_30 : memref<10240xf32, #tpu.memory_space<vmem_shared>>) target_semaphore(%run_scoped3A : memref<!tpu.dma_semaphore, #tpu.memory_space<semaphore_mem>>)
      %dma_wait3A = arith.constant 0 : i32
      %dma_wait3A_31 = tpu.memref_slice %arg9[%arg1, %dma_wait3A] : memref<16x10240xf32, #tpu.memory_space<vmem_shared>> -> memref<1x10240xf32, #tpu.memory_space<vmem_shared>>
      %dma_wait3A_32 = tpu.memref_squeeze %dma_wait3A_31 : memref<1x10240xf32, #tpu.memory_space<vmem_shared>> -> memref<10240xf32, #tpu.memory_space<vmem_shared>>
      %dma_wait3A_33 = arith.constant 0 : i32
      %dma_wait3A_34 = tpu.memref_slice %arg9[%arg1, %dma_wait3A_33] : memref<16x10240xf32, #tpu.memory_space<vmem_shared>> -> memref<1x10240xf32, #tpu.memory_space<vmem_shared>>
      %dma_wait3A_35 = tpu.memref_squeeze %dma_wait3A_34 : memref<1x10240xf32, #tpu.memory_space<vmem_shared>> -> memref<10240xf32, #tpu.memory_space<vmem_shared>>
      tpu.wait_dma2 semaphore(%run_scoped3A : memref<!tpu.dma_semaphore, #tpu.memory_space<semaphore_mem>>) src(%arg7 : memref<10240xf32, #tpu.memory_space<vmem>>) dst(%dma_wait3A_35 : memref<10240xf32, #tpu.memory_space<vmem_shared>>)
      tpu.yield
    }) : () -> ()
    %barrier3A = arith.constant 0 : index
    tpu.barrier barrier_id(%barrier3A)
    %mul3A_15 = arith.constant 640 : i32
    %mul3A_16 = arith.muli %arg1, %mul3A_15 : i32
    "tpu.region"() ({
      %run_scoped3A = tpu.sem_alloc : memref<!tpu.dma_semaphore, #tpu.memory_space<semaphore_mem>>
      %dma_start3A = arith.constant 0 : i32
      %dma_start3A_26 = tpu.memref_slice %arg9[%dma_start3A, %mul3A_16] : memref<16x10240xf32, #tpu.memory_space<vmem_shared>> -> memref<16x640xf32, #tpu.memory_space<vmem_shared>>
      %dma_start3A_27 = arith.constant 0 : i32
      %dma_start3A_28 = tpu.memref_slice %arg9[%dma_start3A_27, %mul3A_16] : memref<16x10240xf32, #tpu.memory_space<vmem_shared>> -> memref<16x640xf32, #tpu.memory_space<vmem_shared>>
      tpu.enqueue_dma source(%dma_start3A_28 : memref<16x640xf32, #tpu.memory_space<vmem_shared>>) target(%arg8 : memref<16x640xf32, #tpu.memory_space<vmem>>) target_semaphore(%run_scoped3A : memref<!tpu.dma_semaphore, #tpu.memory_space<semaphore_mem>>)
      %dma_wait3A = arith.constant 0 : i32
      %dma_wait3A_29 = tpu.memref_slice %arg9[%dma_wait3A, %mul3A_16] : memref<16x10240xf32, #tpu.memory_space<vmem_shared>> -> memref<16x640xf32, #tpu.memory_space<vmem_shared>>
      %dma_wait3A_30 = arith.constant 0 : i32
      %dma_wait3A_31 = tpu.memref_slice %arg9[%dma_wait3A_30, %mul3A_16] : memref<16x10240xf32, #tpu.memory_space<vmem_shared>> -> memref<16x640xf32, #tpu.memory_space<vmem_shared>>
      tpu.wait_dma2 semaphore(%run_scoped3A : memref<!tpu.dma_semaphore, #tpu.memory_space<semaphore_mem>>) src(%dma_wait3A_31 : memref<16x640xf32, #tpu.memory_space<vmem_shared>>) dst(%arg8 : memref<16x640xf32, #tpu.memory_space<vmem>>)
      tpu.yield
    }) : () -> ()
    %scan3A_17 = arith.constant 0 : i32
    %scan3A_18 = arith.constant 0 : i32
    %scan3A_19 = arith.constant 40 : i32
    %scan3A_20 = arith.addi %scan3A_18, %scan3A_19 : i32
    %scan3A_21 = arith.constant 1 : i32
    %scan3A_22 = scf.for %scan3A_26 = %scan3A_18 to %scan3A_20 step %scan3A_21 iter_args(%scan3A_27 = %scan3A_17) -> (i32)  : i32 {
      %mul3A_28 = arith.constant 16 : i32
      %mul3A_29 = arith.muli %scan3A_26, %mul3A_28 : i32
      %get3A = arith.constant 0 : i32
      %get3A_30 = arith.index_cast %get3A : i32 to index
      %get3A_31 = arith.index_cast %mul3A_29 : i32 to index
      %get3A_32 = tpu.vector_load %arg8[%get3A_30, %get3A_31] {strides = array<i32>} : memref<16x640xf32, #tpu.memory_space<vmem>>, vector<16xf32>,
      %mul3A_33 = arith.constant 16 : i32
      %mul3A_34 = arith.muli %scan3A_26, %mul3A_33 : i32
      %get3A_35 = arith.constant 1 : i32
      %get3A_36 = arith.index_cast %get3A_35 : i32 to index
      %get3A_37 = arith.index_cast %mul3A_34 : i32 to index
      %get3A_38 = tpu.vector_load %arg8[%get3A_36, %get3A_37] {strides = array<i32>} : memref<16x640xf32, #tpu.memory_space<vmem>>, vector<16xf32>,
      %add3A_39 = arith.addf %get3A_32, %get3A_38 : vector<16xf32>
      %mul3A_40 = arith.constant 16 : i32
      %mul3A_41 = arith.muli %scan3A_26, %mul3A_40 : i32
      %get3A_42 = arith.constant 2 : i32
      %get3A_43 = arith.index_cast %get3A_42 : i32 to index
      %get3A_44 = arith.index_cast %mul3A_41 : i32 to index
      %get3A_45 = tpu.vector_load %arg8[%get3A_43, %get3A_44] {strides = array<i32>} : memref<16x640xf32, #tpu.memory_space<vmem>>, vector<16xf32>,
      %add3A_46 = arith.addf %add3A_39, %get3A_45 : vector<16xf32>
      %mul3A_47 = arith.constant 16 : i32
      %mul3A_48 = arith.muli %scan3A_26, %mul3A_47 : i32
      %get3A_49 = arith.constant 3 : i32
      %get3A_50 = arith.index_cast %get3A_49 : i32 to index
      %get3A_51 = arith.index_cast %mul3A_48 : i32 to index
      %get3A_52 = tpu.vector_load %arg8[%get3A_50, %get3A_51] {strides = array<i32>} : memref<16x640xf32, #tpu.memory_space<vmem>>, vector<16xf32>,
      %add3A_53 = arith.addf %add3A_46, %get3A_52 : vector<16xf32>
      %mul3A_54 = arith.constant 16 : i32
      %mul3A_55 = arith.muli %scan3A_26, %mul3A_54 : i32
      %get3A_56 = arith.constant 4 : i32
      %get3A_57 = arith.index_cast %get3A_56 : i32 to index
      %get3A_58 = arith.index_cast %mul3A_55 : i32 to index
      %get3A_59 = tpu.vector_load %arg8[%get3A_57, %get3A_58] {strides = array<i32>} : memref<16x640xf32, #tpu.memory_space<vmem>>, vector<16xf32>,
      %add3A_60 = arith.addf %add3A_53, %get3A_59 : vector<16xf32>
      %mul3A_61 = arith.constant 16 : i32
      %mul3A_62 = arith.muli %scan3A_26, %mul3A_61 : i32
      %get3A_63 = arith.constant 5 : i32
      %get3A_64 = arith.index_cast %get3A_63 : i32 to index
      %get3A_65 = arith.index_cast %mul3A_62 : i32 to index
      %get3A_66 = tpu.vector_load %arg8[%get3A_64, %get3A_65] {strides = array<i32>} : memref<16x640xf32, #tpu.memory_space<vmem>>, vector<16xf32>,
      %add3A_67 = arith.addf %add3A_60, %get3A_66 : vector<16xf32>
      %mul3A_68 = arith.constant 16 : i32
      %mul3A_69 = arith.muli %scan3A_26, %mul3A_68 : i32
      %get3A_70 = arith.constant 6 : i32
      %get3A_71 = arith.index_cast %get3A_70 : i32 to index
      %get3A_72 = arith.index_cast %mul3A_69 : i32 to index
      %get3A_73 = tpu.vector_load %arg8[%get3A_71, %get3A_72] {strides = array<i32>} : memref<16x640xf32, #tpu.memory_space<vmem>>, vector<16xf32>,
      %add3A_74 = arith.addf %add3A_67, %get3A_73 : vector<16xf32>
      %mul3A_75 = arith.constant 16 : i32
      %mul3A_76 = arith.muli %scan3A_26, %mul3A_75 : i32
      %get3A_77 = arith.constant 7 : i32
      %get3A_78 = arith.index_cast %get3A_77 : i32 to index
      %get3A_79 = arith.index_cast %mul3A_76 : i32 to index
      %get3A_80 = tpu.vector_load %arg8[%get3A_78, %get3A_79] {strides = array<i32>} : memref<16x640xf32, #tpu.memory_space<vmem>>, vector<16xf32>,
      %add3A_81 = arith.addf %add3A_74, %get3A_80 : vector<16xf32>
      %mul3A_82 = arith.constant 16 : i32
      %mul3A_83 = arith.muli %scan3A_26, %mul3A_82 : i32
      %get3A_84 = arith.constant 8 : i32
      %get3A_85 = arith.index_cast %get3A_84 : i32 to index
      %get3A_86 = arith.index_cast %mul3A_83 : i32 to index
      %get3A_87 = tpu.vector_load %arg8[%get3A_85, %get3A_86] {strides = array<i32>} : memref<16x640xf32, #tpu.memory_space<vmem>>, vector<16xf32>,
      %add3A_88 = arith.addf %add3A_81, %get3A_87 : vector<16xf32>
      %mul3A_89 = arith.constant 16 : i32
      %mul3A_90 = arith.muli %scan3A_26, %mul3A_89 : i32
      %get3A_91 = arith.constant 9 : i32
      %get3A_92 = arith.index_cast %get3A_91 : i32 to index
      %get3A_93 = arith.index_cast %mul3A_90 : i32 to index
      %get3A_94 = tpu.vector_load %arg8[%get3A_92, %get3A_93] {strides = array<i32>} : memref<16x640xf32, #tpu.memory_space<vmem>>, vector<16xf32>,
      %add3A_95 = arith.addf %add3A_88, %get3A_94 : vector<16xf32>
      %mul3A_96 = arith.constant 16 : i32
      %mul3A_97 = arith.muli %scan3A_26, %mul3A_96 : i32
      %get3A_98 = arith.constant 10 : i32
      %get3A_99 = arith.index_cast %get3A_98 : i32 to index
      %get3A_100 = arith.index_cast %mul3A_97 : i32 to index
      %get3A_101 = tpu.vector_load %arg8[%get3A_99, %get3A_100] {strides = array<i32>} : memref<16x640xf32, #tpu.memory_space<vmem>>, vector<16xf32>,
      %add3A_102 = arith.addf %add3A_95, %get3A_101 : vector<16xf32>
      %mul3A_103 = arith.constant 16 : i32
      %mul3A_104 = arith.muli %scan3A_26, %mul3A_103 : i32
      %get3A_105 = arith.constant 11 : i32
      %get3A_106 = arith.index_cast %get3A_105 : i32 to index
      %get3A_107 = arith.index_cast %mul3A_104 : i32 to index
      %get3A_108 = tpu.vector_load %arg8[%get3A_106, %get3A_107] {strides = array<i32>} : memref<16x640xf32, #tpu.memory_space<vmem>>, vector<16xf32>,
      %add3A_109 = arith.addf %add3A_102, %get3A_108 : vector<16xf32>
      %mul3A_110 = arith.constant 16 : i32
      %mul3A_111 = arith.muli %scan3A_26, %mul3A_110 : i32
      %get3A_112 = arith.constant 12 : i32
      %get3A_113 = arith.index_cast %get3A_112 : i32 to index
      %get3A_114 = arith.index_cast %mul3A_111 : i32 to index
      %get3A_115 = tpu.vector_load %arg8[%get3A_113, %get3A_114] {strides = array<i32>} : memref<16x640xf32, #tpu.memory_space<vmem>>, vector<16xf32>,
      %add3A_116 = arith.addf %add3A_109, %get3A_115 : vector<16xf32>
      %mul3A_117 = arith.constant 16 : i32
      %mul3A_118 = arith.muli %scan3A_26, %mul3A_117 : i32
      %get3A_119 = arith.constant 13 : i32
      %get3A_120 = arith.index_cast %get3A_119 : i32 to index
      %get3A_121 = arith.index_cast %mul3A_118 : i32 to index
      %get3A_122 = tpu.vector_load %arg8[%get3A_120, %get3A_121] {strides = array<i32>} : memref<16x640xf32, #tpu.memory_space<vmem>>, vector<16xf32>,
      %add3A_123 = arith.addf %add3A_116, %get3A_122 : vector<16xf32>
      %mul3A_124 = arith.constant 16 : i32
      %mul3A_125 = arith.muli %scan3A_26, %mul3A_124 : i32
      %get3A_126 = arith.constant 14 : i32
      %get3A_127 = arith.index_cast %get3A_126 : i32 to index
      %get3A_128 = arith.index_cast %mul3A_125 : i32 to index
      %get3A_129 = tpu.vector_load %arg8[%get3A_127, %get3A_128] {strides = array<i32>} : memref<16x640xf32, #tpu.memory_space<vmem>>, vector<16xf32>,
      %add3A_130 = arith.addf %add3A_123, %get3A_129 : vector<16xf32>
      %mul3A_131 = arith.constant 16 : i32
      %mul3A_132 = arith.muli %scan3A_26, %mul3A_131 : i32
      %get3A_133 = arith.constant 15 : i32
      %get3A_134 = arith.index_cast %get3A_133 : i32 to index
      %get3A_135 = arith.index_cast %mul3A_132 : i32 to index
      %get3A_136 = tpu.vector_load %arg8[%get3A_134, %get3A_135] {strides = array<i32>} : memref<16x640xf32, #tpu.memory_space<vmem>>, vector<16xf32>,
      %add3A_137 = arith.addf %add3A_130, %get3A_136 : vector<16xf32>
      %mul3A_138 = arith.constant 16 : i32
      %mul3A_139 = arith.muli %scan3A_26, %mul3A_138 : i32
      %swap3A = arith.index_cast %mul3A_139 : i32 to index
      %swap3A_140 = tpu.vector_load %arg7[%swap3A] {strides = array<i32>} : memref<10240xf32, #tpu.memory_space<vmem>>, vector<16xf32>,
      tpu.vector_store %arg7[%swap3A], %add3A_137 {strides = array<i32>} : memref<10240xf32, #tpu.memory_space<vmem>>, vector<16xf32>,
      %scan3A_141 = arith.constant 0 : i32
      scf.yield %scan3A_141 : i32
    }
    %scan3A_23 = arith.constant 40 : i32
    %mul3A_24 = arith.constant 640 : i32
    %mul3A_25 = arith.muli %arg1, %mul3A_24 : i32
    "tpu.region"() ({
      %run_scoped3A = tpu.sem_alloc : memref<!tpu.dma_semaphore, #tpu.memory_space<semaphore_mem>>
      %dma_start3A = arith.constant 0 : i32
      %dma_start3A_26 = tpu.memref_slice %arg7[%dma_start3A] : memref<10240xf32, #tpu.memory_space<vmem>> -> memref<640xf32, #tpu.memory_space<vmem>>
      %dma_start3A_27 = tpu.memref_slice %arg4[%arg0, %mul3A_25] : memref<2x10240xf32, #tpu.memory_space<hbm>> -> memref<1x640xf32, #tpu.memory_space<hbm>>
      %dma_start3A_28 = tpu.memref_squeeze %dma_start3A_27 : memref<1x640xf32, #tpu.memory_space<hbm>> -> memref<640xf32, #tpu.memory_space<hbm>>
      %dma_start3A_29 = tpu.memref_slice %arg4[%arg0, %mul3A_25] : memref<2x10240xf32, #tpu.memory_space<hbm>> -> memref<1x640xf32, #tpu.memory_space<hbm>>
      %dma_start3A_30 = tpu.memref_squeeze %dma_start3A_29 : memref<1x640xf32, #tpu.memory_space<hbm>> -> memref<640xf32, #tpu.memory_space<hbm>>
      %dma_start3A_31 = arith.constant 0 : i32
      %dma_start3A_32 = tpu.memref_slice %arg7[%dma_start3A_31] : memref<10240xf32, #tpu.memory_space<vmem>> -> memref<640xf32, #tpu.memory_space<vmem>>
      tpu.enqueue_dma source(%dma_start3A_32 : memref<640xf32, #tpu.memory_space<vmem>>) target(%dma_start3A_30 : memref<640xf32, #tpu.memory_space<hbm>>) target_semaphore(%run_scoped3A : memref<!tpu.dma_semaphore, #tpu.memory_space<semaphore_mem>>)
      %dma_wait3A = arith.constant 0 : i32
      %dma_wait3A_33 = tpu.memref_slice %arg7[%dma_wait3A] : memref<10240xf32, #tpu.memory_space<vmem>> -> memref<640xf32, #tpu.memory_space<vmem>>
      %dma_wait3A_34 = tpu.memref_slice %arg4[%arg0, %mul3A_25] : memref<2x10240xf32, #tpu.memory_space<hbm>> -> memref<1x640xf32, #tpu.memory_space<hbm>>
      %dma_wait3A_35 = tpu.memref_squeeze %dma_wait3A_34 : memref<1x640xf32, #tpu.memory_space<hbm>> -> memref<640xf32, #tpu.memory_space<hbm>>
      %dma_wait3A_36 = tpu.memref_slice %arg4[%arg0, %mul3A_25] : memref<2x10240xf32, #tpu.memory_space<hbm>> -> memref<1x640xf32, #tpu.memory_space<hbm>>
      %dma_wait3A_37 = tpu.memref_squeeze %dma_wait3A_36 : memref<1x640xf32, #tpu.memory_space<hbm>> -> memref<640xf32, #tpu.memory_space<hbm>>
      %dma_wait3A_38 = arith.constant 0 : i32
      %dma_wait3A_39 = tpu.memref_slice %arg7[%dma_wait3A_38] : memref<10240xf32, #tpu.memory_space<vmem>> -> memref<640xf32, #tpu.memory_space<vmem>>
      tpu.wait_dma2 semaphore(%run_scoped3A : memref<!tpu.dma_semaphore, #tpu.memory_space<semaphore_mem>>) src(%dma_wait3A_39 : memref<640xf32, #tpu.memory_space<vmem>>) dst(%dma_wait3A_37 : memref<640xf32, #tpu.memory_space<hbm>>)
      tpu.yield
    }) : () -> ()
    return
  }
}

#map = affine_map<(d0, d1) -> (0, 0, 0)>
#map1 = affine_map<(d0, d1) -> (0, 0)>
module attributes {stable_mosaic.version = 14 : i64} {
  func.func @body(%arg0: i32, %arg1: i32, %arg2: memref<32x79x128xi32, #tpu.memory_space<hbm>>, %arg3: memref<32x79x128xi32, #tpu.memory_space<hbm>>, %arg4: memref<32x10112xf32, #tpu.memory_space<hbm>>, %arg5: memref<10000x64xf32, #tpu.memory_space<hbm>>, %arg6: memref<2x10240x64xf32, #tpu.memory_space<hbm>>, %arg7: memref<79x128xi32, #tpu.memory_space<vmem>>, %arg8: memref<79x128xi32, #tpu.memory_space<vmem>>, %arg9: memref<10112xf32, #tpu.memory_space<vmem>>, %arg10: memref<128x64xf32, #tpu.memory_space<vmem>>, %arg11: memref<10240x64xf32, #tpu.memory_space<vmem_shared>>, %arg12: memref<!tpu.dma_semaphore, #tpu.memory_space<semaphore_mem>>) attributes {dimension_semantics = [#tpu.dimension_semantics<core_parallel>, #tpu.dimension_semantics<subcore_parallel>], iteration_bounds = array<i64: 2, 16>, scalar_prefetch = 0 : i64, scratch_operands = 6 : i64, tpu.core_type = #tpu.core_type<sc_vector_subcore>, window_params = [{transform_indices = #map}, {transform_indices = #map}, {transform_indices = #map1}, {transform_indices = #map1}, {transform_indices = #map}]} {
    %mul3A = arith.constant 16 : i32
    %mul3A_0 = arith.muli %arg0, %mul3A : i32
    %add3A = arith.addi %mul3A_0, %arg1 : i32
    %broadcast_in_dim3A = arith.constant 0.000000e+00 : f32
    %broadcast_in_dim3A_1 = vector.broadcast %broadcast_in_dim3A : f32 to vector<16xf32>
    %scan3A = arith.constant 0 : i32
    %scan3A_2 = arith.constant 0 : i32
    %scan3A_3 = arith.constant 128 : i32
    %scan3A_4 = arith.addi %scan3A_2, %scan3A_3 : i32
    %scan3A_5 = arith.constant 1 : i32
    %scan3A_6 = scf.for %scan3A_40 = %scan3A_2 to %scan3A_4 step %scan3A_5 iter_args(%scan3A_41 = %scan3A) -> (i32)  : i32 {
      %swap3A = arith.index_cast %scan3A_40 : i32 to index
      %swap3A_42 = arith.constant 0 : index
      %swap3A_43 = tpu.vector_load %arg10[%swap3A, %swap3A_42] {strides = array<i32>} : memref<128x64xf32, #tpu.memory_space<vmem>>, vector<16xf32>,
      tpu.vector_store %arg10[%swap3A, %swap3A_42], %broadcast_in_dim3A_1 {strides = array<i32>} : memref<128x64xf32, #tpu.memory_space<vmem>>, vector<16xf32>,
      %swap3A_44 = arith.index_cast %scan3A_40 : i32 to index
      %swap3A_45 = arith.constant 16 : index
      %swap3A_46 = tpu.vector_load %arg10[%swap3A_44, %swap3A_45] {strides = array<i32>} : memref<128x64xf32, #tpu.memory_space<vmem>>, vector<16xf32>,
      tpu.vector_store %arg10[%swap3A_44, %swap3A_45], %broadcast_in_dim3A_1 {strides = array<i32>} : memref<128x64xf32, #tpu.memory_space<vmem>>, vector<16xf32>,
      %swap3A_47 = arith.index_cast %scan3A_40 : i32 to index
      %swap3A_48 = arith.constant 32 : index
      %swap3A_49 = tpu.vector_load %arg10[%swap3A_47, %swap3A_48] {strides = array<i32>} : memref<128x64xf32, #tpu.memory_space<vmem>>, vector<16xf32>,
      tpu.vector_store %arg10[%swap3A_47, %swap3A_48], %broadcast_in_dim3A_1 {strides = array<i32>} : memref<128x64xf32, #tpu.memory_space<vmem>>, vector<16xf32>,
      %swap3A_50 = arith.index_cast %scan3A_40 : i32 to index
      %swap3A_51 = arith.constant 48 : index
      %swap3A_52 = tpu.vector_load %arg10[%swap3A_50, %swap3A_51] {strides = array<i32>} : memref<128x64xf32, #tpu.memory_space<vmem>>, vector<16xf32>,
      tpu.vector_store %arg10[%swap3A_50, %swap3A_51], %broadcast_in_dim3A_1 {strides = array<i32>} : memref<128x64xf32, #tpu.memory_space<vmem>>, vector<16xf32>,
      %scan3A_53 = arith.constant 0 : i32
      scf.yield %scan3A_53 : i32
    }
    %scan3A_7 = arith.constant 128 : i32
    %mul3A_8 = arith.constant 640 : i32
    %mul3A_9 = arith.muli %arg1, %mul3A_8 : i32
    %add3A_10 = arith.constant 0 : i32
    %add3A_11 = arith.addi %mul3A_9, %add3A_10 : i32
    "tpu.region"() ({
      %run_scoped3A = tpu.sem_alloc : memref<!tpu.dma_semaphore, #tpu.memory_space<semaphore_mem>>
      %dma_start3A = arith.constant 0 : i32
      %dma_start3A_40 = tpu.memref_slice %arg11[%add3A_11, %dma_start3A] : memref<10240x64xf32, #tpu.memory_space<vmem_shared>> -> memref<128x64xf32, #tpu.memory_space<vmem_shared>>
      %dma_start3A_41 = arith.constant 0 : i32
      %dma_start3A_42 = tpu.memref_slice %arg11[%add3A_11, %dma_start3A_41] : memref<10240x64xf32, #tpu.memory_space<vmem_shared>> -> memref<128x64xf32, #tpu.memory_space<vmem_shared>>
      tpu.enqueue_dma source(%arg10 : memref<128x64xf32, #tpu.memory_space<vmem>>) target(%dma_start3A_42 : memref<128x64xf32, #tpu.memory_space<vmem_shared>>) target_semaphore(%run_scoped3A : memref<!tpu.dma_semaphore, #tpu.memory_space<semaphore_mem>>)
      %dma_wait3A = arith.constant 0 : i32
      %dma_wait3A_43 = tpu.memref_slice %arg11[%add3A_11, %dma_wait3A] : memref<10240x64xf32, #tpu.memory_space<vmem_shared>> -> memref<128x64xf32, #tpu.memory_space<vmem_shared>>
      %dma_wait3A_44 = arith.constant 0 : i32
      %dma_wait3A_45 = tpu.memref_slice %arg11[%add3A_11, %dma_wait3A_44] : memref<10240x64xf32, #tpu.memory_space<vmem_shared>> -> memref<128x64xf32, #tpu.memory_space<vmem_shared>>
      tpu.wait_dma2 semaphore(%run_scoped3A : memref<!tpu.dma_semaphore, #tpu.memory_space<semaphore_mem>>) src(%arg10 : memref<128x64xf32, #tpu.memory_space<vmem>>) dst(%dma_wait3A_45 : memref<128x64xf32, #tpu.memory_space<vmem_shared>>)
      tpu.yield
    }) : () -> ()
    %mul3A_12 = arith.constant 640 : i32
    %mul3A_13 = arith.muli %arg1, %mul3A_12 : i32
    %add3A_14 = arith.constant 128 : i32
    %add3A_15 = arith.addi %mul3A_13, %add3A_14 : i32
    "tpu.region"() ({
      %run_scoped3A = tpu.sem_alloc : memref<!tpu.dma_semaphore, #tpu.memory_space<semaphore_mem>>
      %dma_start3A = arith.constant 0 : i32
      %dma_start3A_40 = tpu.memref_slice %arg11[%add3A_15, %dma_start3A] : memref<10240x64xf32, #tpu.memory_space<vmem_shared>> -> memref<128x64xf32, #tpu.memory_space<vmem_shared>>
      %dma_start3A_41 = arith.constant 0 : i32
      %dma_start3A_42 = tpu.memref_slice %arg11[%add3A_15, %dma_start3A_41] : memref<10240x64xf32, #tpu.memory_space<vmem_shared>> -> memref<128x64xf32, #tpu.memory_space<vmem_shared>>
      tpu.enqueue_dma source(%arg10 : memref<128x64xf32, #tpu.memory_space<vmem>>) target(%dma_start3A_42 : memref<128x64xf32, #tpu.memory_space<vmem_shared>>) target_semaphore(%run_scoped3A : memref<!tpu.dma_semaphore, #tpu.memory_space<semaphore_mem>>)
      %dma_wait3A = arith.constant 0 : i32
      %dma_wait3A_43 = tpu.memref_slice %arg11[%add3A_15, %dma_wait3A] : memref<10240x64xf32, #tpu.memory_space<vmem_shared>> -> memref<128x64xf32, #tpu.memory_space<vmem_shared>>
      %dma_wait3A_44 = arith.constant 0 : i32
      %dma_wait3A_45 = tpu.memref_slice %arg11[%add3A_15, %dma_wait3A_44] : memref<10240x64xf32, #tpu.memory_space<vmem_shared>> -> memref<128x64xf32, #tpu.memory_space<vmem_shared>>
      tpu.wait_dma2 semaphore(%run_scoped3A : memref<!tpu.dma_semaphore, #tpu.memory_space<semaphore_mem>>) src(%arg10 : memref<128x64xf32, #tpu.memory_space<vmem>>) dst(%dma_wait3A_45 : memref<128x64xf32, #tpu.memory_space<vmem_shared>>)
      tpu.yield
    }) : () -> ()
    %mul3A_16 = arith.constant 640 : i32
    %mul3A_17 = arith.muli %arg1, %mul3A_16 : i32
    %add3A_18 = arith.constant 256 : i32
    %add3A_19 = arith.addi %mul3A_17, %add3A_18 : i32
    "tpu.region"() ({
      %run_scoped3A = tpu.sem_alloc : memref<!tpu.dma_semaphore, #tpu.memory_space<semaphore_mem>>
      %dma_start3A = arith.constant 0 : i32
      %dma_start3A_40 = tpu.memref_slice %arg11[%add3A_19, %dma_start3A] : memref<10240x64xf32, #tpu.memory_space<vmem_shared>> -> memref<128x64xf32, #tpu.memory_space<vmem_shared>>
      %dma_start3A_41 = arith.constant 0 : i32
      %dma_start3A_42 = tpu.memref_slice %arg11[%add3A_19, %dma_start3A_41] : memref<10240x64xf32, #tpu.memory_space<vmem_shared>> -> memref<128x64xf32, #tpu.memory_space<vmem_shared>>
      tpu.enqueue_dma source(%arg10 : memref<128x64xf32, #tpu.memory_space<vmem>>) target(%dma_start3A_42 : memref<128x64xf32, #tpu.memory_space<vmem_shared>>) target_semaphore(%run_scoped3A : memref<!tpu.dma_semaphore, #tpu.memory_space<semaphore_mem>>)
      %dma_wait3A = arith.constant 0 : i32
      %dma_wait3A_43 = tpu.memref_slice %arg11[%add3A_19, %dma_wait3A] : memref<10240x64xf32, #tpu.memory_space<vmem_shared>> -> memref<128x64xf32, #tpu.memory_space<vmem_shared>>
      %dma_wait3A_44 = arith.constant 0 : i32
      %dma_wait3A_45 = tpu.memref_slice %arg11[%add3A_19, %dma_wait3A_44] : memref<10240x64xf32, #tpu.memory_space<vmem_shared>> -> memref<128x64xf32, #tpu.memory_space<vmem_shared>>
      tpu.wait_dma2 semaphore(%run_scoped3A : memref<!tpu.dma_semaphore, #tpu.memory_space<semaphore_mem>>) src(%arg10 : memref<128x64xf32, #tpu.memory_space<vmem>>) dst(%dma_wait3A_45 : memref<128x64xf32, #tpu.memory_space<vmem_shared>>)
      tpu.yield
    }) : () -> ()
    %mul3A_20 = arith.constant 640 : i32
    %mul3A_21 = arith.muli %arg1, %mul3A_20 : i32
    %add3A_22 = arith.constant 384 : i32
    %add3A_23 = arith.addi %mul3A_21, %add3A_22 : i32
    "tpu.region"() ({
      %run_scoped3A = tpu.sem_alloc : memref<!tpu.dma_semaphore, #tpu.memory_space<semaphore_mem>>
      %dma_start3A = arith.constant 0 : i32
      %dma_start3A_40 = tpu.memref_slice %arg11[%add3A_23, %dma_start3A] : memref<10240x64xf32, #tpu.memory_space<vmem_shared>> -> memref<128x64xf32, #tpu.memory_space<vmem_shared>>
      %dma_start3A_41 = arith.constant 0 : i32
      %dma_start3A_42 = tpu.memref_slice %arg11[%add3A_23, %dma_start3A_41] : memref<10240x64xf32, #tpu.memory_space<vmem_shared>> -> memref<128x64xf32, #tpu.memory_space<vmem_shared>>
      tpu.enqueue_dma source(%arg10 : memref<128x64xf32, #tpu.memory_space<vmem>>) target(%dma_start3A_42 : memref<128x64xf32, #tpu.memory_space<vmem_shared>>) target_semaphore(%run_scoped3A : memref<!tpu.dma_semaphore, #tpu.memory_space<semaphore_mem>>)
      %dma_wait3A = arith.constant 0 : i32
      %dma_wait3A_43 = tpu.memref_slice %arg11[%add3A_23, %dma_wait3A] : memref<10240x64xf32, #tpu.memory_space<vmem_shared>> -> memref<128x64xf32, #tpu.memory_space<vmem_shared>>
      %dma_wait3A_44 = arith.constant 0 : i32
      %dma_wait3A_45 = tpu.memref_slice %arg11[%add3A_23, %dma_wait3A_44] : memref<10240x64xf32, #tpu.memory_space<vmem_shared>> -> memref<128x64xf32, #tpu.memory_space<vmem_shared>>
      tpu.wait_dma2 semaphore(%run_scoped3A : memref<!tpu.dma_semaphore, #tpu.memory_space<semaphore_mem>>) src(%arg10 : memref<128x64xf32, #tpu.memory_space<vmem>>) dst(%dma_wait3A_45 : memref<128x64xf32, #tpu.memory_space<vmem_shared>>)
      tpu.yield
    }) : () -> ()
    %mul3A_24 = arith.constant 640 : i32
    %mul3A_25 = arith.muli %arg1, %mul3A_24 : i32
    %add3A_26 = arith.constant 512 : i32
    %add3A_27 = arith.addi %mul3A_25, %add3A_26 : i32
    "tpu.region"() ({
      %run_scoped3A = tpu.sem_alloc : memref<!tpu.dma_semaphore, #tpu.memory_space<semaphore_mem>>
      %dma_start3A = arith.constant 0 : i32
      %dma_start3A_40 = tpu.memref_slice %arg11[%add3A_27, %dma_start3A] : memref<10240x64xf32, #tpu.memory_space<vmem_shared>> -> memref<128x64xf32, #tpu.memory_space<vmem_shared>>
      %dma_start3A_41 = arith.constant 0 : i32
      %dma_start3A_42 = tpu.memref_slice %arg11[%add3A_27, %dma_start3A_41] : memref<10240x64xf32, #tpu.memory_space<vmem_shared>> -> memref<128x64xf32, #tpu.memory_space<vmem_shared>>
      tpu.enqueue_dma source(%arg10 : memref<128x64xf32, #tpu.memory_space<vmem>>) target(%dma_start3A_42 : memref<128x64xf32, #tpu.memory_space<vmem_shared>>) target_semaphore(%run_scoped3A : memref<!tpu.dma_semaphore, #tpu.memory_space<semaphore_mem>>)
      %dma_wait3A = arith.constant 0 : i32
      %dma_wait3A_43 = tpu.memref_slice %arg11[%add3A_27, %dma_wait3A] : memref<10240x64xf32, #tpu.memory_space<vmem_shared>> -> memref<128x64xf32, #tpu.memory_space<vmem_shared>>
      %dma_wait3A_44 = arith.constant 0 : i32
      %dma_wait3A_45 = tpu.memref_slice %arg11[%add3A_27, %dma_wait3A_44] : memref<10240x64xf32, #tpu.memory_space<vmem_shared>> -> memref<128x64xf32, #tpu.memory_space<vmem_shared>>
      tpu.wait_dma2 semaphore(%run_scoped3A : memref<!tpu.dma_semaphore, #tpu.memory_space<semaphore_mem>>) src(%arg10 : memref<128x64xf32, #tpu.memory_space<vmem>>) dst(%dma_wait3A_45 : memref<128x64xf32, #tpu.memory_space<vmem_shared>>)
      tpu.yield
    }) : () -> ()
    %barrier3A = arith.constant 0 : index
    tpu.barrier barrier_id(%barrier3A)
    "tpu.region"() ({
      %run_scoped3A = tpu.sem_alloc : memref<!tpu.dma_semaphore, #tpu.memory_space<semaphore_mem>>
      %dma_start3A = arith.constant 0 : i32
      %dma_start3A_40 = arith.constant 0 : i32
      %dma_start3A_41 = tpu.memref_slice %arg2[%add3A, %dma_start3A, %dma_start3A_40] : memref<32x79x128xi32, #tpu.memory_space<hbm>> -> memref<1x79x128xi32, #tpu.memory_space<hbm>>
      %dma_start3A_42 = tpu.memref_squeeze %dma_start3A_41 : memref<1x79x128xi32, #tpu.memory_space<hbm>> -> memref<79x128xi32, #tpu.memory_space<hbm>>
      %dma_start3A_43 = arith.constant 0 : i32
      %dma_start3A_44 = arith.constant 0 : i32
      %dma_start3A_45 = tpu.memref_slice %arg2[%add3A, %dma_start3A_43, %dma_start3A_44] : memref<32x79x128xi32, #tpu.memory_space<hbm>> -> memref<1x79x128xi32, #tpu.memory_space<hbm>>
      %dma_start3A_46 = tpu.memref_squeeze %dma_start3A_45 : memref<1x79x128xi32, #tpu.memory_space<hbm>> -> memref<79x128xi32, #tpu.memory_space<hbm>>
      tpu.enqueue_dma source(%dma_start3A_46 : memref<79x128xi32, #tpu.memory_space<hbm>>) target(%arg7 : memref<79x128xi32, #tpu.memory_space<vmem>>) target_semaphore(%run_scoped3A : memref<!tpu.dma_semaphore, #tpu.memory_space<semaphore_mem>>)
      %dma_wait3A = arith.constant 0 : i32
      %dma_wait3A_47 = arith.constant 0 : i32
      %dma_wait3A_48 = tpu.memref_slice %arg2[%add3A, %dma_wait3A, %dma_wait3A_47] : memref<32x79x128xi32, #tpu.memory_space<hbm>> -> memref<1x79x128xi32, #tpu.memory_space<hbm>>
      %dma_wait3A_49 = tpu.memref_squeeze %dma_wait3A_48 : memref<1x79x128xi32, #tpu.memory_space<hbm>> -> memref<79x128xi32, #tpu.memory_space<hbm>>
      %dma_wait3A_50 = arith.constant 0 : i32
      %dma_wait3A_51 = arith.constant 0 : i32
      %dma_wait3A_52 = tpu.memref_slice %arg2[%add3A, %dma_wait3A_50, %dma_wait3A_51] : memref<32x79x128xi32, #tpu.memory_space<hbm>> -> memref<1x79x128xi32, #tpu.memory_space<hbm>>
      %dma_wait3A_53 = tpu.memref_squeeze %dma_wait3A_52 : memref<1x79x128xi32, #tpu.memory_space<hbm>> -> memref<79x128xi32, #tpu.memory_space<hbm>>
      tpu.wait_dma2 semaphore(%run_scoped3A : memref<!tpu.dma_semaphore, #tpu.memory_space<semaphore_mem>>) src(%dma_wait3A_53 : memref<79x128xi32, #tpu.memory_space<hbm>>) dst(%arg7 : memref<79x128xi32, #tpu.memory_space<vmem>>)
      tpu.yield
    }) : () -> ()
    "tpu.region"() ({
      %run_scoped3A = tpu.sem_alloc : memref<!tpu.dma_semaphore, #tpu.memory_space<semaphore_mem>>
      %dma_start3A = arith.constant 0 : i32
      %dma_start3A_40 = arith.constant 0 : i32
      %dma_start3A_41 = tpu.memref_slice %arg3[%add3A, %dma_start3A, %dma_start3A_40] : memref<32x79x128xi32, #tpu.memory_space<hbm>> -> memref<1x79x128xi32, #tpu.memory_space<hbm>>
      %dma_start3A_42 = tpu.memref_squeeze %dma_start3A_41 : memref<1x79x128xi32, #tpu.memory_space<hbm>> -> memref<79x128xi32, #tpu.memory_space<hbm>>
      %dma_start3A_43 = arith.constant 0 : i32
      %dma_start3A_44 = arith.constant 0 : i32
      %dma_start3A_45 = tpu.memref_slice %arg3[%add3A, %dma_start3A_43, %dma_start3A_44] : memref<32x79x128xi32, #tpu.memory_space<hbm>> -> memref<1x79x128xi32, #tpu.memory_space<hbm>>
      %dma_start3A_46 = tpu.memref_squeeze %dma_start3A_45 : memref<1x79x128xi32, #tpu.memory_space<hbm>> -> memref<79x128xi32, #tpu.memory_space<hbm>>
      tpu.enqueue_dma source(%dma_start3A_46 : memref<79x128xi32, #tpu.memory_space<hbm>>) target(%arg8 : memref<79x128xi32, #tpu.memory_space<vmem>>) target_semaphore(%run_scoped3A : memref<!tpu.dma_semaphore, #tpu.memory_space<semaphore_mem>>)
      %dma_wait3A = arith.constant 0 : i32
      %dma_wait3A_47 = arith.constant 0 : i32
      %dma_wait3A_48 = tpu.memref_slice %arg3[%add3A, %dma_wait3A, %dma_wait3A_47] : memref<32x79x128xi32, #tpu.memory_space<hbm>> -> memref<1x79x128xi32, #tpu.memory_space<hbm>>
      %dma_wait3A_49 = tpu.memref_squeeze %dma_wait3A_48 : memref<1x79x128xi32, #tpu.memory_space<hbm>> -> memref<79x128xi32, #tpu.memory_space<hbm>>
      %dma_wait3A_50 = arith.constant 0 : i32
      %dma_wait3A_51 = arith.constant 0 : i32
      %dma_wait3A_52 = tpu.memref_slice %arg3[%add3A, %dma_wait3A_50, %dma_wait3A_51] : memref<32x79x128xi32, #tpu.memory_space<hbm>> -> memref<1x79x128xi32, #tpu.memory_space<hbm>>
      %dma_wait3A_53 = tpu.memref_squeeze %dma_wait3A_52 : memref<1x79x128xi32, #tpu.memory_space<hbm>> -> memref<79x128xi32, #tpu.memory_space<hbm>>
      tpu.wait_dma2 semaphore(%run_scoped3A : memref<!tpu.dma_semaphore, #tpu.memory_space<semaphore_mem>>) src(%dma_wait3A_53 : memref<79x128xi32, #tpu.memory_space<hbm>>) dst(%arg8 : memref<79x128xi32, #tpu.memory_space<vmem>>)
      tpu.yield
    }) : () -> ()
    "tpu.region"() ({
      %run_scoped3A = tpu.sem_alloc : memref<!tpu.dma_semaphore, #tpu.memory_space<semaphore_mem>>
      %dma_start3A = arith.constant 0 : i32
      %dma_start3A_40 = tpu.memref_slice %arg4[%add3A, %dma_start3A] : memref<32x10112xf32, #tpu.memory_space<hbm>> -> memref<1x10112xf32, #tpu.memory_space<hbm>>
      %dma_start3A_41 = tpu.memref_squeeze %dma_start3A_40 : memref<1x10112xf32, #tpu.memory_space<hbm>> -> memref<10112xf32, #tpu.memory_space<hbm>>
      %dma_start3A_42 = arith.constant 0 : i32
      %dma_start3A_43 = tpu.memref_slice %arg4[%add3A, %dma_start3A_42] : memref<32x10112xf32, #tpu.memory_space<hbm>> -> memref<1x10112xf32, #tpu.memory_space<hbm>>
      %dma_start3A_44 = tpu.memref_squeeze %dma_start3A_43 : memref<1x10112xf32, #tpu.memory_space<hbm>> -> memref<10112xf32, #tpu.memory_space<hbm>>
      tpu.enqueue_dma source(%dma_start3A_44 : memref<10112xf32, #tpu.memory_space<hbm>>) target(%arg9 : memref<10112xf32, #tpu.memory_space<vmem>>) target_semaphore(%run_scoped3A : memref<!tpu.dma_semaphore, #tpu.memory_space<semaphore_mem>>)
      %dma_wait3A = arith.constant 0 : i32
      %dma_wait3A_45 = tpu.memref_slice %arg4[%add3A, %dma_wait3A] : memref<32x10112xf32, #tpu.memory_space<hbm>> -> memref<1x10112xf32, #tpu.memory_space<hbm>>
      %dma_wait3A_46 = tpu.memref_squeeze %dma_wait3A_45 : memref<1x10112xf32, #tpu.memory_space<hbm>> -> memref<10112xf32, #tpu.memory_space<hbm>>
      %dma_wait3A_47 = arith.constant 0 : i32
      %dma_wait3A_48 = tpu.memref_slice %arg4[%add3A, %dma_wait3A_47] : memref<32x10112xf32, #tpu.memory_space<hbm>> -> memref<1x10112xf32, #tpu.memory_space<hbm>>
      %dma_wait3A_49 = tpu.memref_squeeze %dma_wait3A_48 : memref<1x10112xf32, #tpu.memory_space<hbm>> -> memref<10112xf32, #tpu.memory_space<hbm>>
      tpu.wait_dma2 semaphore(%run_scoped3A : memref<!tpu.dma_semaphore, #tpu.memory_space<semaphore_mem>>) src(%dma_wait3A_49 : memref<10112xf32, #tpu.memory_space<hbm>>) dst(%arg9 : memref<10112xf32, #tpu.memory_space<vmem>>)
      tpu.yield
    }) : () -> ()
    %scan3A_28 = arith.constant 0 : i32
    %scan3A_29 = arith.constant 0 : i32
    %scan3A_30 = arith.constant 79 : i32
    %scan3A_31 = arith.addi %scan3A_29, %scan3A_30 : i32
    %scan3A_32 = arith.constant 1 : i32
    %scan3A_33 = scf.for %scan3A_40 = %scan3A_29 to %scan3A_31 step %scan3A_32 iter_args(%scan3A_41 = %scan3A_28) -> (i32)  : i32 {
      %dma_start3A = arith.constant 0 : i32
      %dma_start3A_42 = tpu.memref_slice %arg7[%scan3A_40, %dma_start3A] : memref<79x128xi32, #tpu.memory_space<vmem>> -> memref<1x128xi32, #tpu.memory_space<vmem>>
      %dma_start3A_43 = tpu.memref_squeeze %dma_start3A_42 : memref<1x128xi32, #tpu.memory_space<vmem>> -> memref<128xi32, #tpu.memory_space<vmem>>
      %dma_start3A_44 = arith.constant 0 : i32
      %dma_start3A_45 = arith.constant 0 : i32
      %dma_start3A_46 = tpu.memref_slice %arg5[%dma_start3A_44, %dma_start3A_45] : memref<10000x64xf32, #tpu.memory_space<hbm>> -> memref<10000x64xf32, #tpu.memory_space<hbm>>
      tpu.enqueue_indirect_dma source(%dma_start3A_46 : memref<10000x64xf32, #tpu.memory_space<hbm>>) target(%arg10 : memref<128x64xf32, #tpu.memory_space<vmem>>) offsets(%dma_start3A_43 : memref<128xi32, #tpu.memory_space<vmem>>) semaphore(%arg12 : memref<!tpu.dma_semaphore, #tpu.memory_space<semaphore_mem>>)
      %dma_wait3A = arith.constant 0 : i32
      %dma_wait3A_47 = tpu.memref_slice %arg7[%scan3A_40, %dma_wait3A] : memref<79x128xi32, #tpu.memory_space<vmem>> -> memref<1x128xi32, #tpu.memory_space<vmem>>
      %dma_wait3A_48 = tpu.memref_squeeze %dma_wait3A_47 : memref<1x128xi32, #tpu.memory_space<vmem>> -> memref<128xi32, #tpu.memory_space<vmem>>
      %dma_wait3A_49 = arith.constant 0 : i32
      %dma_wait3A_50 = arith.constant 0 : i32
      %dma_wait3A_51 = tpu.memref_slice %arg5[%dma_wait3A_49, %dma_wait3A_50] : memref<10000x64xf32, #tpu.memory_space<hbm>> -> memref<10000x64xf32, #tpu.memory_space<hbm>>
      tpu.wait_indirect_dma semaphore(%arg12 : memref<!tpu.dma_semaphore, #tpu.memory_space<semaphore_mem>>) src(%dma_wait3A_51 : memref<10000x64xf32, #tpu.memory_space<hbm>>) dst(%arg10 : memref<128x64xf32, #tpu.memory_space<vmem>>)
      %scan3A_52 = arith.constant 0 : i32
      %scan3A_53 = arith.constant 0 : i32
      %scan3A_54 = arith.constant 8 : i32
      %scan3A_55 = arith.addi %scan3A_53, %scan3A_54 : i32
      %scan3A_56 = arith.constant 1 : i32
      %scan3A_57 = scf.for %scan3A_60 = %scan3A_53 to %scan3A_55 step %scan3A_56 iter_args(%scan3A_61 = %scan3A_52) -> (i32)  : i32 {
        %mul3A_62 = arith.constant 128 : i32
        %mul3A_63 = arith.muli %scan3A_40, %mul3A_62 : i32
        %mul3A_64 = arith.constant 16 : i32
        %mul3A_65 = arith.muli %scan3A_60, %mul3A_64 : i32
        %add3A_66 = arith.addi %mul3A_63, %mul3A_65 : i32
        %add3A_67 = arith.constant 0 : i32
        %add3A_68 = arith.addi %add3A_66, %add3A_67 : i32
        %broadcast_in_dim3A_69 = vector.broadcast %add3A_68 : i32 to vector<16xi32>
        %gather3A = tpu.vector_load_idx %arg9[%broadcast_in_dim3A_69] : memref<10112xf32, #tpu.memory_space<vmem>>[vector<16xi32>], vector<16xf32>,
        %mul3A_70 = arith.constant 16 : i32
        %mul3A_71 = arith.muli %scan3A_60, %mul3A_70 : i32
        %add3A_72 = arith.constant 0 : i32
        %add3A_73 = arith.addi %mul3A_71, %add3A_72 : i32
        %get3A = arith.index_cast %add3A_73 : i32 to index
        %get3A_74 = arith.constant 0 : index
        %get3A_75 = tpu.vector_load %arg10[%get3A, %get3A_74] {strides = array<i32>} : memref<128x64xf32, #tpu.memory_space<vmem>>, vector<16xf32>,
        %mul3A_76 = arith.mulf %get3A_75, %gather3A : vector<16xf32>
        %swap3A = arith.index_cast %add3A_73 : i32 to index
        %swap3A_77 = arith.constant 0 : index
        %swap3A_78 = tpu.vector_load %arg10[%swap3A, %swap3A_77] {strides = array<i32>} : memref<128x64xf32, #tpu.memory_space<vmem>>, vector<16xf32>,
        tpu.vector_store %arg10[%swap3A, %swap3A_77], %mul3A_76 {strides = array<i32>} : memref<128x64xf32, #tpu.memory_space<vmem>>, vector<16xf32>,
        %get3A_79 = arith.index_cast %add3A_73 : i32 to index
        %get3A_80 = arith.constant 16 : index
        %get3A_81 = tpu.vector_load %arg10[%get3A_79, %get3A_80] {strides = array<i32>} : memref<128x64xf32, #tpu.memory_space<vmem>>, vector<16xf32>,
        %mul3A_82 = arith.mulf %get3A_81, %gather3A : vector<16xf32>
        %swap3A_83 = arith.index_cast %add3A_73 : i32 to index
        %swap3A_84 = arith.constant 16 : index
        %swap3A_85 = tpu.vector_load %arg10[%swap3A_83, %swap3A_84] {strides = array<i32>} : memref<128x64xf32, #tpu.memory_space<vmem>>, vector<16xf32>,
        tpu.vector_store %arg10[%swap3A_83, %swap3A_84], %mul3A_82 {strides = array<i32>} : memref<128x64xf32, #tpu.memory_space<vmem>>, vector<16xf32>,
        %get3A_86 = arith.index_cast %add3A_73 : i32 to index
        %get3A_87 = arith.constant 32 : index
        %get3A_88 = tpu.vector_load %arg10[%get3A_86, %get3A_87] {strides = array<i32>} : memref<128x64xf32, #tpu.memory_space<vmem>>, vector<16xf32>,
        %mul3A_89 = arith.mulf %get3A_88, %gather3A : vector<16xf32>
        %swap3A_90 = arith.index_cast %add3A_73 : i32 to index
        %swap3A_91 = arith.constant 32 : index
        %swap3A_92 = tpu.vector_load %arg10[%swap3A_90, %swap3A_91] {strides = array<i32>} : memref<128x64xf32, #tpu.memory_space<vmem>>, vector<16xf32>,
        tpu.vector_store %arg10[%swap3A_90, %swap3A_91], %mul3A_89 {strides = array<i32>} : memref<128x64xf32, #tpu.memory_space<vmem>>, vector<16xf32>,
        %get3A_93 = arith.index_cast %add3A_73 : i32 to index
        %get3A_94 = arith.constant 48 : index
        %get3A_95 = tpu.vector_load %arg10[%get3A_93, %get3A_94] {strides = array<i32>} : memref<128x64xf32, #tpu.memory_space<vmem>>, vector<16xf32>,
        %mul3A_96 = arith.mulf %get3A_95, %gather3A : vector<16xf32>
        %swap3A_97 = arith.index_cast %add3A_73 : i32 to index
        %swap3A_98 = arith.constant 48 : index
        %swap3A_99 = tpu.vector_load %arg10[%swap3A_97, %swap3A_98] {strides = array<i32>} : memref<128x64xf32, #tpu.memory_space<vmem>>, vector<16xf32>,
        tpu.vector_store %arg10[%swap3A_97, %swap3A_98], %mul3A_96 {strides = array<i32>} : memref<128x64xf32, #tpu.memory_space<vmem>>, vector<16xf32>,
        %add3A_100 = arith.constant 1 : i32
        %add3A_101 = arith.addi %add3A_66, %add3A_100 : i32
        %broadcast_in_dim3A_102 = vector.broadcast %add3A_101 : i32 to vector<16xi32>
        %gather3A_103 = tpu.vector_load_idx %arg9[%broadcast_in_dim3A_102] : memref<10112xf32, #tpu.memory_space<vmem>>[vector<16xi32>], vector<16xf32>,
        %mul3A_104 = arith.constant 16 : i32
        %mul3A_105 = arith.muli %scan3A_60, %mul3A_104 : i32
        %add3A_106 = arith.constant 1 : i32
        %add3A_107 = arith.addi %mul3A_105, %add3A_106 : i32
        %get3A_108 = arith.index_cast %add3A_107 : i32 to index
        %get3A_109 = arith.constant 0 : index
        %get3A_110 = tpu.vector_load %arg10[%get3A_108, %get3A_109] {strides = array<i32>} : memref<128x64xf32, #tpu.memory_space<vmem>>, vector<16xf32>,
        %mul3A_111 = arith.mulf %get3A_110, %gather3A_103 : vector<16xf32>
        %swap3A_112 = arith.index_cast %add3A_107 : i32 to index
        %swap3A_113 = arith.constant 0 : index
        %swap3A_114 = tpu.vector_load %arg10[%swap3A_112, %swap3A_113] {strides = array<i32>} : memref<128x64xf32, #tpu.memory_space<vmem>>, vector<16xf32>,
        tpu.vector_store %arg10[%swap3A_112, %swap3A_113], %mul3A_111 {strides = array<i32>} : memref<128x64xf32, #tpu.memory_space<vmem>>, vector<16xf32>,
        %get3A_115 = arith.index_cast %add3A_107 : i32 to index
        %get3A_116 = arith.constant 16 : index
        %get3A_117 = tpu.vector_load %arg10[%get3A_115, %get3A_116] {strides = array<i32>} : memref<128x64xf32, #tpu.memory_space<vmem>>, vector<16xf32>,
        %mul3A_118 = arith.mulf %get3A_117, %gather3A_103 : vector<16xf32>
        %swap3A_119 = arith.index_cast %add3A_107 : i32 to index
        %swap3A_120 = arith.constant 16 : index
        %swap3A_121 = tpu.vector_load %arg10[%swap3A_119, %swap3A_120] {strides = array<i32>} : memref<128x64xf32, #tpu.memory_space<vmem>>, vector<16xf32>,
        tpu.vector_store %arg10[%swap3A_119, %swap3A_120], %mul3A_118 {strides = array<i32>} : memref<128x64xf32, #tpu.memory_space<vmem>>, vector<16xf32>,
        %get3A_122 = arith.index_cast %add3A_107 : i32 to index
        %get3A_123 = arith.constant 32 : index
        %get3A_124 = tpu.vector_load %arg10[%get3A_122, %get3A_123] {strides = array<i32>} : memref<128x64xf32, #tpu.memory_space<vmem>>, vector<16xf32>,
        %mul3A_125 = arith.mulf %get3A_124, %gather3A_103 : vector<16xf32>
        %swap3A_126 = arith.index_cast %add3A_107 : i32 to index
        %swap3A_127 = arith.constant 32 : index
        %swap3A_128 = tpu.vector_load %arg10[%swap3A_126, %swap3A_127] {strides = array<i32>} : memref<128x64xf32, #tpu.memory_space<vmem>>, vector<16xf32>,
        tpu.vector_store %arg10[%swap3A_126, %swap3A_127], %mul3A_125 {strides = array<i32>} : memref<128x64xf32, #tpu.memory_space<vmem>>, vector<16xf32>,
        %get3A_129 = arith.index_cast %add3A_107 : i32 to index
        %get3A_130 = arith.constant 48 : index
        %get3A_131 = tpu.vector_load %arg10[%get3A_129, %get3A_130] {strides = array<i32>} : memref<128x64xf32, #tpu.memory_space<vmem>>, vector<16xf32>,
        %mul3A_132 = arith.mulf %get3A_131, %gather3A_103 : vector<16xf32>
        %swap3A_133 = arith.index_cast %add3A_107 : i32 to index
        %swap3A_134 = arith.constant 48 : index
        %swap3A_135 = tpu.vector_load %arg10[%swap3A_133, %swap3A_134] {strides = array<i32>} : memref<128x64xf32, #tpu.memory_space<vmem>>, vector<16xf32>,
        tpu.vector_store %arg10[%swap3A_133, %swap3A_134], %mul3A_132 {strides = array<i32>} : memref<128x64xf32, #tpu.memory_space<vmem>>, vector<16xf32>,
        %add3A_136 = arith.constant 2 : i32
        %add3A_137 = arith.addi %add3A_66, %add3A_136 : i32
        %broadcast_in_dim3A_138 = vector.broadcast %add3A_137 : i32 to vector<16xi32>
        %gather3A_139 = tpu.vector_load_idx %arg9[%broadcast_in_dim3A_138] : memref<10112xf32, #tpu.memory_space<vmem>>[vector<16xi32>], vector<16xf32>,
        %mul3A_140 = arith.constant 16 : i32
        %mul3A_141 = arith.muli %scan3A_60, %mul3A_140 : i32
        %add3A_142 = arith.constant 2 : i32
        %add3A_143 = arith.addi %mul3A_141, %add3A_142 : i32
        %get3A_144 = arith.index_cast %add3A_143 : i32 to index
        %get3A_145 = arith.constant 0 : index
        %get3A_146 = tpu.vector_load %arg10[%get3A_144, %get3A_145] {strides = array<i32>} : memref<128x64xf32, #tpu.memory_space<vmem>>, vector<16xf32>,
        %mul3A_147 = arith.mulf %get3A_146, %gather3A_139 : vector<16xf32>
        %swap3A_148 = arith.index_cast %add3A_143 : i32 to index
        %swap3A_149 = arith.constant 0 : index
        %swap3A_150 = tpu.vector_load %arg10[%swap3A_148, %swap3A_149] {strides = array<i32>} : memref<128x64xf32, #tpu.memory_space<vmem>>, vector<16xf32>,
        tpu.vector_store %arg10[%swap3A_148, %swap3A_149], %mul3A_147 {strides = array<i32>} : memref<128x64xf32, #tpu.memory_space<vmem>>, vector<16xf32>,
        %get3A_151 = arith.index_cast %add3A_143 : i32 to index
        %get3A_152 = arith.constant 16 : index
        %get3A_153 = tpu.vector_load %arg10[%get3A_151, %get3A_152] {strides = array<i32>} : memref<128x64xf32, #tpu.memory_space<vmem>>, vector<16xf32>,
        %mul3A_154 = arith.mulf %get3A_153, %gather3A_139 : vector<16xf32>
        %swap3A_155 = arith.index_cast %add3A_143 : i32 to index
        %swap3A_156 = arith.constant 16 : index
        %swap3A_157 = tpu.vector_load %arg10[%swap3A_155, %swap3A_156] {strides = array<i32>} : memref<128x64xf32, #tpu.memory_space<vmem>>, vector<16xf32>,
        tpu.vector_store %arg10[%swap3A_155, %swap3A_156], %mul3A_154 {strides = array<i32>} : memref<128x64xf32, #tpu.memory_space<vmem>>, vector<16xf32>,
        %get3A_158 = arith.index_cast %add3A_143 : i32 to index
        %get3A_159 = arith.constant 32 : index
        %get3A_160 = tpu.vector_load %arg10[%get3A_158, %get3A_159] {strides = array<i32>} : memref<128x64xf32, #tpu.memory_space<vmem>>, vector<16xf32>,
        %mul3A_161 = arith.mulf %get3A_160, %gather3A_139 : vector<16xf32>
        %swap3A_162 = arith.index_cast %add3A_143 : i32 to index
        %swap3A_163 = arith.constant 32 : index
        %swap3A_164 = tpu.vector_load %arg10[%swap3A_162, %swap3A_163] {strides = array<i32>} : memref<128x64xf32, #tpu.memory_space<vmem>>, vector<16xf32>,
        tpu.vector_store %arg10[%swap3A_162, %swap3A_163], %mul3A_161 {strides = array<i32>} : memref<128x64xf32, #tpu.memory_space<vmem>>, vector<16xf32>,
        %get3A_165 = arith.index_cast %add3A_143 : i32 to index
        %get3A_166 = arith.constant 48 : index
        %get3A_167 = tpu.vector_load %arg10[%get3A_165, %get3A_166] {strides = array<i32>} : memref<128x64xf32, #tpu.memory_space<vmem>>, vector<16xf32>,
        %mul3A_168 = arith.mulf %get3A_167, %gather3A_139 : vector<16xf32>
        %swap3A_169 = arith.index_cast %add3A_143 : i32 to index
        %swap3A_170 = arith.constant 48 : index
        %swap3A_171 = tpu.vector_load %arg10[%swap3A_169, %swap3A_170] {strides = array<i32>} : memref<128x64xf32, #tpu.memory_space<vmem>>, vector<16xf32>,
        tpu.vector_store %arg10[%swap3A_169, %swap3A_170], %mul3A_168 {strides = array<i32>} : memref<128x64xf32, #tpu.memory_space<vmem>>, vector<16xf32>,
        %add3A_172 = arith.constant 3 : i32
        %add3A_173 = arith.addi %add3A_66, %add3A_172 : i32
        %broadcast_in_dim3A_174 = vector.broadcast %add3A_173 : i32 to vector<16xi32>
        %gather3A_175 = tpu.vector_load_idx %arg9[%broadcast_in_dim3A_174] : memref<10112xf32, #tpu.memory_space<vmem>>[vector<16xi32>], vector<16xf32>,
        %mul3A_176 = arith.constant 16 : i32
        %mul3A_177 = arith.muli %scan3A_60, %mul3A_176 : i32
        %add3A_178 = arith.constant 3 : i32
        %add3A_179 = arith.addi %mul3A_177, %add3A_178 : i32
        %get3A_180 = arith.index_cast %add3A_179 : i32 to index
        %get3A_181 = arith.constant 0 : index
        %get3A_182 = tpu.vector_load %arg10[%get3A_180, %get3A_181] {strides = array<i32>} : memref<128x64xf32, #tpu.memory_space<vmem>>, vector<16xf32>,
        %mul3A_183 = arith.mulf %get3A_182, %gather3A_175 : vector<16xf32>
        %swap3A_184 = arith.index_cast %add3A_179 : i32 to index
        %swap3A_185 = arith.constant 0 : index
        %swap3A_186 = tpu.vector_load %arg10[%swap3A_184, %swap3A_185] {strides = array<i32>} : memref<128x64xf32, #tpu.memory_space<vmem>>, vector<16xf32>,
        tpu.vector_store %arg10[%swap3A_184, %swap3A_185], %mul3A_183 {strides = array<i32>} : memref<128x64xf32, #tpu.memory_space<vmem>>, vector<16xf32>,
        %get3A_187 = arith.index_cast %add3A_179 : i32 to index
        %get3A_188 = arith.constant 16 : index
        %get3A_189 = tpu.vector_load %arg10[%get3A_187, %get3A_188] {strides = array<i32>} : memref<128x64xf32, #tpu.memory_space<vmem>>, vector<16xf32>,
        %mul3A_190 = arith.mulf %get3A_189, %gather3A_175 : vector<16xf32>
        %swap3A_191 = arith.index_cast %add3A_179 : i32 to index
        %swap3A_192 = arith.constant 16 : index
        %swap3A_193 = tpu.vector_load %arg10[%swap3A_191, %swap3A_192] {strides = array<i32>} : memref<128x64xf32, #tpu.memory_space<vmem>>, vector<16xf32>,
        tpu.vector_store %arg10[%swap3A_191, %swap3A_192], %mul3A_190 {strides = array<i32>} : memref<128x64xf32, #tpu.memory_space<vmem>>, vector<16xf32>,
        %get3A_194 = arith.index_cast %add3A_179 : i32 to index
        %get3A_195 = arith.constant 32 : index
        %get3A_196 = tpu.vector_load %arg10[%get3A_194, %get3A_195] {strides = array<i32>} : memref<128x64xf32, #tpu.memory_space<vmem>>, vector<16xf32>,
        %mul3A_197 = arith.mulf %get3A_196, %gather3A_175 : vector<16xf32>
        %swap3A_198 = arith.index_cast %add3A_179 : i32 to index
        %swap3A_199 = arith.constant 32 : index
        %swap3A_200 = tpu.vector_load %arg10[%swap3A_198, %swap3A_199] {strides = array<i32>} : memref<128x64xf32, #tpu.memory_space<vmem>>, vector<16xf32>,
        tpu.vector_store %arg10[%swap3A_198, %swap3A_199], %mul3A_197 {strides = array<i32>} : memref<128x64xf32, #tpu.memory_space<vmem>>, vector<16xf32>,
        %get3A_201 = arith.index_cast %add3A_179 : i32 to index
        %get3A_202 = arith.constant 48 : index
        %get3A_203 = tpu.vector_load %arg10[%get3A_201, %get3A_202] {strides = array<i32>} : memref<128x64xf32, #tpu.memory_space<vmem>>, vector<16xf32>,
        %mul3A_204 = arith.mulf %get3A_203, %gather3A_175 : vector<16xf32>
        %swap3A_205 = arith.index_cast %add3A_179 : i32 to index
        %swap3A_206 = arith.constant 48 : index
        %swap3A_207 = tpu.vector_load %arg10[%swap3A_205, %swap3A_206] {strides = array<i32>} : memref<128x64xf32, #tpu.memory_space<vmem>>, vector<16xf32>,
        tpu.vector_store %arg10[%swap3A_205, %swap3A_206], %mul3A_204 {strides = array<i32>} : memref<128x64xf32, #tpu.memory_space<vmem>>, vector<16xf32>,
        %add3A_208 = arith.constant 4 : i32
        %add3A_209 = arith.addi %add3A_66, %add3A_208 : i32
        %broadcast_in_dim3A_210 = vector.broadcast %add3A_209 : i32 to vector<16xi32>
        %gather3A_211 = tpu.vector_load_idx %arg9[%broadcast_in_dim3A_210] : memref<10112xf32, #tpu.memory_space<vmem>>[vector<16xi32>], vector<16xf32>,
        %mul3A_212 = arith.constant 16 : i32
        %mul3A_213 = arith.muli %scan3A_60, %mul3A_212 : i32
        %add3A_214 = arith.constant 4 : i32
        %add3A_215 = arith.addi %mul3A_213, %add3A_214 : i32
        %get3A_216 = arith.index_cast %add3A_215 : i32 to index
        %get3A_217 = arith.constant 0 : index
        %get3A_218 = tpu.vector_load %arg10[%get3A_216, %get3A_217] {strides = array<i32>} : memref<128x64xf32, #tpu.memory_space<vmem>>, vector<16xf32>,
        %mul3A_219 = arith.mulf %get3A_218, %gather3A_211 : vector<16xf32>
        %swap3A_220 = arith.index_cast %add3A_215 : i32 to index
        %swap3A_221 = arith.constant 0 : index
        %swap3A_222 = tpu.vector_load %arg10[%swap3A_220, %swap3A_221] {strides = array<i32>} : memref<128x64xf32, #tpu.memory_space<vmem>>, vector<16xf32>,
        tpu.vector_store %arg10[%swap3A_220, %swap3A_221], %mul3A_219 {strides = array<i32>} : memref<128x64xf32, #tpu.memory_space<vmem>>, vector<16xf32>,
        %get3A_223 = arith.index_cast %add3A_215 : i32 to index
        %get3A_224 = arith.constant 16 : index
        %get3A_225 = tpu.vector_load %arg10[%get3A_223, %get3A_224] {strides = array<i32>} : memref<128x64xf32, #tpu.memory_space<vmem>>, vector<16xf32>,
        %mul3A_226 = arith.mulf %get3A_225, %gather3A_211 : vector<16xf32>
        %swap3A_227 = arith.index_cast %add3A_215 : i32 to index
        %swap3A_228 = arith.constant 16 : index
        %swap3A_229 = tpu.vector_load %arg10[%swap3A_227, %swap3A_228] {strides = array<i32>} : memref<128x64xf32, #tpu.memory_space<vmem>>, vector<16xf32>,
        tpu.vector_store %arg10[%swap3A_227, %swap3A_228], %mul3A_226 {strides = array<i32>} : memref<128x64xf32, #tpu.memory_space<vmem>>, vector<16xf32>,
        %get3A_230 = arith.index_cast %add3A_215 : i32 to index
        %get3A_231 = arith.constant 32 : index
        %get3A_232 = tpu.vector_load %arg10[%get3A_230, %get3A_231] {strides = array<i32>} : memref<128x64xf32, #tpu.memory_space<vmem>>, vector<16xf32>,
        %mul3A_233 = arith.mulf %get3A_232, %gather3A_211 : vector<16xf32>
        %swap3A_234 = arith.index_cast %add3A_215 : i32 to index
        %swap3A_235 = arith.constant 32 : index
        %swap3A_236 = tpu.vector_load %arg10[%swap3A_234, %swap3A_235] {strides = array<i32>} : memref<128x64xf32, #tpu.memory_space<vmem>>, vector<16xf32>,
        tpu.vector_store %arg10[%swap3A_234, %swap3A_235], %mul3A_233 {strides = array<i32>} : memref<128x64xf32, #tpu.memory_space<vmem>>, vector<16xf32>,
        %get3A_237 = arith.index_cast %add3A_215 : i32 to index
        %get3A_238 = arith.constant 48 : index
        %get3A_239 = tpu.vector_load %arg10[%get3A_237, %get3A_238] {strides = array<i32>} : memref<128x64xf32, #tpu.memory_space<vmem>>, vector<16xf32>,
        %mul3A_240 = arith.mulf %get3A_239, %gather3A_211 : vector<16xf32>
        %swap3A_241 = arith.index_cast %add3A_215 : i32 to index
        %swap3A_242 = arith.constant 48 : index
        %swap3A_243 = tpu.vector_load %arg10[%swap3A_241, %swap3A_242] {strides = array<i32>} : memref<128x64xf32, #tpu.memory_space<vmem>>, vector<16xf32>,
        tpu.vector_store %arg10[%swap3A_241, %swap3A_242], %mul3A_240 {strides = array<i32>} : memref<128x64xf32, #tpu.memory_space<vmem>>, vector<16xf32>,
        %add3A_244 = arith.constant 5 : i32
        %add3A_245 = arith.addi %add3A_66, %add3A_244 : i32
        %broadcast_in_dim3A_246 = vector.broadcast %add3A_245 : i32 to vector<16xi32>
        %gather3A_247 = tpu.vector_load_idx %arg9[%broadcast_in_dim3A_246] : memref<10112xf32, #tpu.memory_space<vmem>>[vector<16xi32>], vector<16xf32>,
        %mul3A_248 = arith.constant 16 : i32
        %mul3A_249 = arith.muli %scan3A_60, %mul3A_248 : i32
        %add3A_250 = arith.constant 5 : i32
        %add3A_251 = arith.addi %mul3A_249, %add3A_250 : i32
        %get3A_252 = arith.index_cast %add3A_251 : i32 to index
        %get3A_253 = arith.constant 0 : index
        %get3A_254 = tpu.vector_load %arg10[%get3A_252, %get3A_253] {strides = array<i32>} : memref<128x64xf32, #tpu.memory_space<vmem>>, vector<16xf32>,
        %mul3A_255 = arith.mulf %get3A_254, %gather3A_247 : vector<16xf32>
        %swap3A_256 = arith.index_cast %add3A_251 : i32 to index
        %swap3A_257 = arith.constant 0 : index
        %swap3A_258 = tpu.vector_load %arg10[%swap3A_256, %swap3A_257] {strides = array<i32>} : memref<128x64xf32, #tpu.memory_space<vmem>>, vector<16xf32>,
        tpu.vector_store %arg10[%swap3A_256, %swap3A_257], %mul3A_255 {strides = array<i32>} : memref<128x64xf32, #tpu.memory_space<vmem>>, vector<16xf32>,
        %get3A_259 = arith.index_cast %add3A_251 : i32 to index
        %get3A_260 = arith.constant 16 : index
        %get3A_261 = tpu.vector_load %arg10[%get3A_259, %get3A_260] {strides = array<i32>} : memref<128x64xf32, #tpu.memory_space<vmem>>, vector<16xf32>,
        %mul3A_262 = arith.mulf %get3A_261, %gather3A_247 : vector<16xf32>
        %swap3A_263 = arith.index_cast %add3A_251 : i32 to index
        %swap3A_264 = arith.constant 16 : index
        %swap3A_265 = tpu.vector_load %arg10[%swap3A_263, %swap3A_264] {strides = array<i32>} : memref<128x64xf32, #tpu.memory_space<vmem>>, vector<16xf32>,
        tpu.vector_store %arg10[%swap3A_263, %swap3A_264], %mul3A_262 {strides = array<i32>} : memref<128x64xf32, #tpu.memory_space<vmem>>, vector<16xf32>,
        %get3A_266 = arith.index_cast %add3A_251 : i32 to index
        %get3A_267 = arith.constant 32 : index
        %get3A_268 = tpu.vector_load %arg10[%get3A_266, %get3A_267] {strides = array<i32>} : memref<128x64xf32, #tpu.memory_space<vmem>>, vector<16xf32>,
        %mul3A_269 = arith.mulf %get3A_268, %gather3A_247 : vector<16xf32>
        %swap3A_270 = arith.index_cast %add3A_251 : i32 to index
        %swap3A_271 = arith.constant 32 : index
        %swap3A_272 = tpu.vector_load %arg10[%swap3A_270, %swap3A_271] {strides = array<i32>} : memref<128x64xf32, #tpu.memory_space<vmem>>, vector<16xf32>,
        tpu.vector_store %arg10[%swap3A_270, %swap3A_271], %mul3A_269 {strides = array<i32>} : memref<128x64xf32, #tpu.memory_space<vmem>>, vector<16xf32>,
        %get3A_273 = arith.index_cast %add3A_251 : i32 to index
        %get3A_274 = arith.constant 48 : index
        %get3A_275 = tpu.vector_load %arg10[%get3A_273, %get3A_274] {strides = array<i32>} : memref<128x64xf32, #tpu.memory_space<vmem>>, vector<16xf32>,
        %mul3A_276 = arith.mulf %get3A_275, %gather3A_247 : vector<16xf32>
        %swap3A_277 = arith.index_cast %add3A_251 : i32 to index
        %swap3A_278 = arith.constant 48 : index
        %swap3A_279 = tpu.vector_load %arg10[%swap3A_277, %swap3A_278] {strides = array<i32>} : memref<128x64xf32, #tpu.memory_space<vmem>>, vector<16xf32>,
        tpu.vector_store %arg10[%swap3A_277, %swap3A_278], %mul3A_276 {strides = array<i32>} : memref<128x64xf32, #tpu.memory_space<vmem>>, vector<16xf32>,
        %add3A_280 = arith.constant 6 : i32
        %add3A_281 = arith.addi %add3A_66, %add3A_280 : i32
        %broadcast_in_dim3A_282 = vector.broadcast %add3A_281 : i32 to vector<16xi32>
        %gather3A_283 = tpu.vector_load_idx %arg9[%broadcast_in_dim3A_282] : memref<10112xf32, #tpu.memory_space<vmem>>[vector<16xi32>], vector<16xf32>,
        %mul3A_284 = arith.constant 16 : i32
        %mul3A_285 = arith.muli %scan3A_60, %mul3A_284 : i32
        %add3A_286 = arith.constant 6 : i32
        %add3A_287 = arith.addi %mul3A_285, %add3A_286 : i32
        %get3A_288 = arith.index_cast %add3A_287 : i32 to index
        %get3A_289 = arith.constant 0 : index
        %get3A_290 = tpu.vector_load %arg10[%get3A_288, %get3A_289] {strides = array<i32>} : memref<128x64xf32, #tpu.memory_space<vmem>>, vector<16xf32>,
        %mul3A_291 = arith.mulf %get3A_290, %gather3A_283 : vector<16xf32>
        %swap3A_292 = arith.index_cast %add3A_287 : i32 to index
        %swap3A_293 = arith.constant 0 : index
        %swap3A_294 = tpu.vector_load %arg10[%swap3A_292, %swap3A_293] {strides = array<i32>} : memref<128x64xf32, #tpu.memory_space<vmem>>, vector<16xf32>,
        tpu.vector_store %arg10[%swap3A_292, %swap3A_293], %mul3A_291 {strides = array<i32>} : memref<128x64xf32, #tpu.memory_space<vmem>>, vector<16xf32>,
        %get3A_295 = arith.index_cast %add3A_287 : i32 to index
        %get3A_296 = arith.constant 16 : index
        %get3A_297 = tpu.vector_load %arg10[%get3A_295, %get3A_296] {strides = array<i32>} : memref<128x64xf32, #tpu.memory_space<vmem>>, vector<16xf32>,
        %mul3A_298 = arith.mulf %get3A_297, %gather3A_283 : vector<16xf32>
        %swap3A_299 = arith.index_cast %add3A_287 : i32 to index
        %swap3A_300 = arith.constant 16 : index
        %swap3A_301 = tpu.vector_load %arg10[%swap3A_299, %swap3A_300] {strides = array<i32>} : memref<128x64xf32, #tpu.memory_space<vmem>>, vector<16xf32>,
        tpu.vector_store %arg10[%swap3A_299, %swap3A_300], %mul3A_298 {strides = array<i32>} : memref<128x64xf32, #tpu.memory_space<vmem>>, vector<16xf32>,
        %get3A_302 = arith.index_cast %add3A_287 : i32 to index
        %get3A_303 = arith.constant 32 : index
        %get3A_304 = tpu.vector_load %arg10[%get3A_302, %get3A_303] {strides = array<i32>} : memref<128x64xf32, #tpu.memory_space<vmem>>, vector<16xf32>,
        %mul3A_305 = arith.mulf %get3A_304, %gather3A_283 : vector<16xf32>
        %swap3A_306 = arith.index_cast %add3A_287 : i32 to index
        %swap3A_307 = arith.constant 32 : index
        %swap3A_308 = tpu.vector_load %arg10[%swap3A_306, %swap3A_307] {strides = array<i32>} : memref<128x64xf32, #tpu.memory_space<vmem>>, vector<16xf32>,
        tpu.vector_store %arg10[%swap3A_306, %swap3A_307], %mul3A_305 {strides = array<i32>} : memref<128x64xf32, #tpu.memory_space<vmem>>, vector<16xf32>,
        %get3A_309 = arith.index_cast %add3A_287 : i32 to index
        %get3A_310 = arith.constant 48 : index
        %get3A_311 = tpu.vector_load %arg10[%get3A_309, %get3A_310] {strides = array<i32>} : memref<128x64xf32, #tpu.memory_space<vmem>>, vector<16xf32>,
        %mul3A_312 = arith.mulf %get3A_311, %gather3A_283 : vector<16xf32>
        %swap3A_313 = arith.index_cast %add3A_287 : i32 to index
        %swap3A_314 = arith.constant 48 : index
        %swap3A_315 = tpu.vector_load %arg10[%swap3A_313, %swap3A_314] {strides = array<i32>} : memref<128x64xf32, #tpu.memory_space<vmem>>, vector<16xf32>,
        tpu.vector_store %arg10[%swap3A_313, %swap3A_314], %mul3A_312 {strides = array<i32>} : memref<128x64xf32, #tpu.memory_space<vmem>>, vector<16xf32>,
        %add3A_316 = arith.constant 7 : i32
        %add3A_317 = arith.addi %add3A_66, %add3A_316 : i32
        %broadcast_in_dim3A_318 = vector.broadcast %add3A_317 : i32 to vector<16xi32>
        %gather3A_319 = tpu.vector_load_idx %arg9[%broadcast_in_dim3A_318] : memref<10112xf32, #tpu.memory_space<vmem>>[vector<16xi32>], vector<16xf32>,
        %mul3A_320 = arith.constant 16 : i32
        %mul3A_321 = arith.muli %scan3A_60, %mul3A_320 : i32
        %add3A_322 = arith.constant 7 : i32
        %add3A_323 = arith.addi %mul3A_321, %add3A_322 : i32
        %get3A_324 = arith.index_cast %add3A_323 : i32 to index
        %get3A_325 = arith.constant 0 : index
        %get3A_326 = tpu.vector_load %arg10[%get3A_324, %get3A_325] {strides = array<i32>} : memref<128x64xf32, #tpu.memory_space<vmem>>, vector<16xf32>,
        %mul3A_327 = arith.mulf %get3A_326, %gather3A_319 : vector<16xf32>
        %swap3A_328 = arith.index_cast %add3A_323 : i32 to index
        %swap3A_329 = arith.constant 0 : index
        %swap3A_330 = tpu.vector_load %arg10[%swap3A_328, %swap3A_329] {strides = array<i32>} : memref<128x64xf32, #tpu.memory_space<vmem>>, vector<16xf32>,
        tpu.vector_store %arg10[%swap3A_328, %swap3A_329], %mul3A_327 {strides = array<i32>} : memref<128x64xf32, #tpu.memory_space<vmem>>, vector<16xf32>,
        %get3A_331 = arith.index_cast %add3A_323 : i32 to index
        %get3A_332 = arith.constant 16 : index
        %get3A_333 = tpu.vector_load %arg10[%get3A_331, %get3A_332] {strides = array<i32>} : memref<128x64xf32, #tpu.memory_space<vmem>>, vector<16xf32>,
        %mul3A_334 = arith.mulf %get3A_333, %gather3A_319 : vector<16xf32>
        %swap3A_335 = arith.index_cast %add3A_323 : i32 to index
        %swap3A_336 = arith.constant 16 : index
        %swap3A_337 = tpu.vector_load %arg10[%swap3A_335, %swap3A_336] {strides = array<i32>} : memref<128x64xf32, #tpu.memory_space<vmem>>, vector<16xf32>,
        tpu.vector_store %arg10[%swap3A_335, %swap3A_336], %mul3A_334 {strides = array<i32>} : memref<128x64xf32, #tpu.memory_space<vmem>>, vector<16xf32>,
        %get3A_338 = arith.index_cast %add3A_323 : i32 to index
        %get3A_339 = arith.constant 32 : index
        %get3A_340 = tpu.vector_load %arg10[%get3A_338, %get3A_339] {strides = array<i32>} : memref<128x64xf32, #tpu.memory_space<vmem>>, vector<16xf32>,
        %mul3A_341 = arith.mulf %get3A_340, %gather3A_319 : vector<16xf32>
        %swap3A_342 = arith.index_cast %add3A_323 : i32 to index
        %swap3A_343 = arith.constant 32 : index
        %swap3A_344 = tpu.vector_load %arg10[%swap3A_342, %swap3A_343] {strides = array<i32>} : memref<128x64xf32, #tpu.memory_space<vmem>>, vector<16xf32>,
        tpu.vector_store %arg10[%swap3A_342, %swap3A_343], %mul3A_341 {strides = array<i32>} : memref<128x64xf32, #tpu.memory_space<vmem>>, vector<16xf32>,
        %get3A_345 = arith.index_cast %add3A_323 : i32 to index
        %get3A_346 = arith.constant 48 : index
        %get3A_347 = tpu.vector_load %arg10[%get3A_345, %get3A_346] {strides = array<i32>} : memref<128x64xf32, #tpu.memory_space<vmem>>, vector<16xf32>,
        %mul3A_348 = arith.mulf %get3A_347, %gather3A_319 : vector<16xf32>
        %swap3A_349 = arith.index_cast %add3A_323 : i32 to index
        %swap3A_350 = arith.constant 48 : index
        %swap3A_351 = tpu.vector_load %arg10[%swap3A_349, %swap3A_350] {strides = array<i32>} : memref<128x64xf32, #tpu.memory_space<vmem>>, vector<16xf32>,
        tpu.vector_store %arg10[%swap3A_349, %swap3A_350], %mul3A_348 {strides = array<i32>} : memref<128x64xf32, #tpu.memory_space<vmem>>, vector<16xf32>,
        %add3A_352 = arith.constant 8 : i32
        %add3A_353 = arith.addi %add3A_66, %add3A_352 : i32
        %broadcast_in_dim3A_354 = vector.broadcast %add3A_353 : i32 to vector<16xi32>
        %gather3A_355 = tpu.vector_load_idx %arg9[%broadcast_in_dim3A_354] : memref<10112xf32, #tpu.memory_space<vmem>>[vector<16xi32>], vector<16xf32>,
        %mul3A_356 = arith.constant 16 : i32
        %mul3A_357 = arith.muli %scan3A_60, %mul3A_356 : i32
        %add3A_358 = arith.constant 8 : i32
        %add3A_359 = arith.addi %mul3A_357, %add3A_358 : i32
        %get3A_360 = arith.index_cast %add3A_359 : i32 to index
        %get3A_361 = arith.constant 0 : index
        %get3A_362 = tpu.vector_load %arg10[%get3A_360, %get3A_361] {strides = array<i32>} : memref<128x64xf32, #tpu.memory_space<vmem>>, vector<16xf32>,
        %mul3A_363 = arith.mulf %get3A_362, %gather3A_355 : vector<16xf32>
        %swap3A_364 = arith.index_cast %add3A_359 : i32 to index
        %swap3A_365 = arith.constant 0 : index
        %swap3A_366 = tpu.vector_load %arg10[%swap3A_364, %swap3A_365] {strides = array<i32>} : memref<128x64xf32, #tpu.memory_space<vmem>>, vector<16xf32>,
        tpu.vector_store %arg10[%swap3A_364, %swap3A_365], %mul3A_363 {strides = array<i32>} : memref<128x64xf32, #tpu.memory_space<vmem>>, vector<16xf32>,
        %get3A_367 = arith.index_cast %add3A_359 : i32 to index
        %get3A_368 = arith.constant 16 : index
        %get3A_369 = tpu.vector_load %arg10[%get3A_367, %get3A_368] {strides = array<i32>} : memref<128x64xf32, #tpu.memory_space<vmem>>, vector<16xf32>,
        %mul3A_370 = arith.mulf %get3A_369, %gather3A_355 : vector<16xf32>
        %swap3A_371 = arith.index_cast %add3A_359 : i32 to index
        %swap3A_372 = arith.constant 16 : index
        %swap3A_373 = tpu.vector_load %arg10[%swap3A_371, %swap3A_372] {strides = array<i32>} : memref<128x64xf32, #tpu.memory_space<vmem>>, vector<16xf32>,
        tpu.vector_store %arg10[%swap3A_371, %swap3A_372], %mul3A_370 {strides = array<i32>} : memref<128x64xf32, #tpu.memory_space<vmem>>, vector<16xf32>,
        %get3A_374 = arith.index_cast %add3A_359 : i32 to index
        %get3A_375 = arith.constant 32 : index
        %get3A_376 = tpu.vector_load %arg10[%get3A_374, %get3A_375] {strides = array<i32>} : memref<128x64xf32, #tpu.memory_space<vmem>>, vector<16xf32>,
        %mul3A_377 = arith.mulf %get3A_376, %gather3A_355 : vector<16xf32>
        %swap3A_378 = arith.index_cast %add3A_359 : i32 to index
        %swap3A_379 = arith.constant 32 : index
        %swap3A_380 = tpu.vector_load %arg10[%swap3A_378, %swap3A_379] {strides = array<i32>} : memref<128x64xf32, #tpu.memory_space<vmem>>, vector<16xf32>,
        tpu.vector_store %arg10[%swap3A_378, %swap3A_379], %mul3A_377 {strides = array<i32>} : memref<128x64xf32, #tpu.memory_space<vmem>>, vector<16xf32>,
        %get3A_381 = arith.index_cast %add3A_359 : i32 to index
        %get3A_382 = arith.constant 48 : index
        %get3A_383 = tpu.vector_load %arg10[%get3A_381, %get3A_382] {strides = array<i32>} : memref<128x64xf32, #tpu.memory_space<vmem>>, vector<16xf32>,
        %mul3A_384 = arith.mulf %get3A_383, %gather3A_355 : vector<16xf32>
        %swap3A_385 = arith.index_cast %add3A_359 : i32 to index
        %swap3A_386 = arith.constant 48 : index
        %swap3A_387 = tpu.vector_load %arg10[%swap3A_385, %swap3A_386] {strides = array<i32>} : memref<128x64xf32, #tpu.memory_space<vmem>>, vector<16xf32>,
        tpu.vector_store %arg10[%swap3A_385, %swap3A_386], %mul3A_384 {strides = array<i32>} : memref<128x64xf32, #tpu.memory_space<vmem>>, vector<16xf32>,
        %add3A_388 = arith.constant 9 : i32
        %add3A_389 = arith.addi %add3A_66, %add3A_388 : i32
        %broadcast_in_dim3A_390 = vector.broadcast %add3A_389 : i32 to vector<16xi32>
        %gather3A_391 = tpu.vector_load_idx %arg9[%broadcast_in_dim3A_390] : memref<10112xf32, #tpu.memory_space<vmem>>[vector<16xi32>], vector<16xf32>,
        %mul3A_392 = arith.constant 16 : i32
        %mul3A_393 = arith.muli %scan3A_60, %mul3A_392 : i32
        %add3A_394 = arith.constant 9 : i32
        %add3A_395 = arith.addi %mul3A_393, %add3A_394 : i32
        %get3A_396 = arith.index_cast %add3A_395 : i32 to index
        %get3A_397 = arith.constant 0 : index
        %get3A_398 = tpu.vector_load %arg10[%get3A_396, %get3A_397] {strides = array<i32>} : memref<128x64xf32, #tpu.memory_space<vmem>>, vector<16xf32>,
        %mul3A_399 = arith.mulf %get3A_398, %gather3A_391 : vector<16xf32>
        %swap3A_400 = arith.index_cast %add3A_395 : i32 to index
        %swap3A_401 = arith.constant 0 : index
        %swap3A_402 = tpu.vector_load %arg10[%swap3A_400, %swap3A_401] {strides = array<i32>} : memref<128x64xf32, #tpu.memory_space<vmem>>, vector<16xf32>,
        tpu.vector_store %arg10[%swap3A_400, %swap3A_401], %mul3A_399 {strides = array<i32>} : memref<128x64xf32, #tpu.memory_space<vmem>>, vector<16xf32>,
        %get3A_403 = arith.index_cast %add3A_395 : i32 to index
        %get3A_404 = arith.constant 16 : index
        %get3A_405 = tpu.vector_load %arg10[%get3A_403, %get3A_404] {strides = array<i32>} : memref<128x64xf32, #tpu.memory_space<vmem>>, vector<16xf32>,
        %mul3A_406 = arith.mulf %get3A_405, %gather3A_391 : vector<16xf32>
        %swap3A_407 = arith.index_cast %add3A_395 : i32 to index
        %swap3A_408 = arith.constant 16 : index
        %swap3A_409 = tpu.vector_load %arg10[%swap3A_407, %swap3A_408] {strides = array<i32>} : memref<128x64xf32, #tpu.memory_space<vmem>>, vector<16xf32>,
        tpu.vector_store %arg10[%swap3A_407, %swap3A_408], %mul3A_406 {strides = array<i32>} : memref<128x64xf32, #tpu.memory_space<vmem>>, vector<16xf32>,
        %get3A_410 = arith.index_cast %add3A_395 : i32 to index
        %get3A_411 = arith.constant 32 : index
        %get3A_412 = tpu.vector_load %arg10[%get3A_410, %get3A_411] {strides = array<i32>} : memref<128x64xf32, #tpu.memory_space<vmem>>, vector<16xf32>,
        %mul3A_413 = arith.mulf %get3A_412, %gather3A_391 : vector<16xf32>
        %swap3A_414 = arith.index_cast %add3A_395 : i32 to index
        %swap3A_415 = arith.constant 32 : index
        %swap3A_416 = tpu.vector_load %arg10[%swap3A_414, %swap3A_415] {strides = array<i32>} : memref<128x64xf32, #tpu.memory_space<vmem>>, vector<16xf32>,
        tpu.vector_store %arg10[%swap3A_414, %swap3A_415], %mul3A_413 {strides = array<i32>} : memref<128x64xf32, #tpu.memory_space<vmem>>, vector<16xf32>,
        %get3A_417 = arith.index_cast %add3A_395 : i32 to index
        %get3A_418 = arith.constant 48 : index
        %get3A_419 = tpu.vector_load %arg10[%get3A_417, %get3A_418] {strides = array<i32>} : memref<128x64xf32, #tpu.memory_space<vmem>>, vector<16xf32>,
        %mul3A_420 = arith.mulf %get3A_419, %gather3A_391 : vector<16xf32>
        %swap3A_421 = arith.index_cast %add3A_395 : i32 to index
        %swap3A_422 = arith.constant 48 : index
        %swap3A_423 = tpu.vector_load %arg10[%swap3A_421, %swap3A_422] {strides = array<i32>} : memref<128x64xf32, #tpu.memory_space<vmem>>, vector<16xf32>,
        tpu.vector_store %arg10[%swap3A_421, %swap3A_422], %mul3A_420 {strides = array<i32>} : memref<128x64xf32, #tpu.memory_space<vmem>>, vector<16xf32>,
        %add3A_424 = arith.constant 10 : i32
        %add3A_425 = arith.addi %add3A_66, %add3A_424 : i32
        %broadcast_in_dim3A_426 = vector.broadcast %add3A_425 : i32 to vector<16xi32>
        %gather3A_427 = tpu.vector_load_idx %arg9[%broadcast_in_dim3A_426] : memref<10112xf32, #tpu.memory_space<vmem>>[vector<16xi32>], vector<16xf32>,
        %mul3A_428 = arith.constant 16 : i32
        %mul3A_429 = arith.muli %scan3A_60, %mul3A_428 : i32
        %add3A_430 = arith.constant 10 : i32
        %add3A_431 = arith.addi %mul3A_429, %add3A_430 : i32
        %get3A_432 = arith.index_cast %add3A_431 : i32 to index
        %get3A_433 = arith.constant 0 : index
        %get3A_434 = tpu.vector_load %arg10[%get3A_432, %get3A_433] {strides = array<i32>} : memref<128x64xf32, #tpu.memory_space<vmem>>, vector<16xf32>,
        %mul3A_435 = arith.mulf %get3A_434, %gather3A_427 : vector<16xf32>
        %swap3A_436 = arith.index_cast %add3A_431 : i32 to index
        %swap3A_437 = arith.constant 0 : index
        %swap3A_438 = tpu.vector_load %arg10[%swap3A_436, %swap3A_437] {strides = array<i32>} : memref<128x64xf32, #tpu.memory_space<vmem>>, vector<16xf32>,
        tpu.vector_store %arg10[%swap3A_436, %swap3A_437], %mul3A_435 {strides = array<i32>} : memref<128x64xf32, #tpu.memory_space<vmem>>, vector<16xf32>,
        %get3A_439 = arith.index_cast %add3A_431 : i32 to index
        %get3A_440 = arith.constant 16 : index
        %get3A_441 = tpu.vector_load %arg10[%get3A_439, %get3A_440] {strides = array<i32>} : memref<128x64xf32, #tpu.memory_space<vmem>>, vector<16xf32>,
        %mul3A_442 = arith.mulf %get3A_441, %gather3A_427 : vector<16xf32>
        %swap3A_443 = arith.index_cast %add3A_431 : i32 to index
        %swap3A_444 = arith.constant 16 : index
        %swap3A_445 = tpu.vector_load %arg10[%swap3A_443, %swap3A_444] {strides = array<i32>} : memref<128x64xf32, #tpu.memory_space<vmem>>, vector<16xf32>,
        tpu.vector_store %arg10[%swap3A_443, %swap3A_444], %mul3A_442 {strides = array<i32>} : memref<128x64xf32, #tpu.memory_space<vmem>>, vector<16xf32>,
        %get3A_446 = arith.index_cast %add3A_431 : i32 to index
        %get3A_447 = arith.constant 32 : index
        %get3A_448 = tpu.vector_load %arg10[%get3A_446, %get3A_447] {strides = array<i32>} : memref<128x64xf32, #tpu.memory_space<vmem>>, vector<16xf32>,
        %mul3A_449 = arith.mulf %get3A_448, %gather3A_427 : vector<16xf32>
        %swap3A_450 = arith.index_cast %add3A_431 : i32 to index
        %swap3A_451 = arith.constant 32 : index
        %swap3A_452 = tpu.vector_load %arg10[%swap3A_450, %swap3A_451] {strides = array<i32>} : memref<128x64xf32, #tpu.memory_space<vmem>>, vector<16xf32>,
        tpu.vector_store %arg10[%swap3A_450, %swap3A_451], %mul3A_449 {strides = array<i32>} : memref<128x64xf32, #tpu.memory_space<vmem>>, vector<16xf32>,
        %get3A_453 = arith.index_cast %add3A_431 : i32 to index
        %get3A_454 = arith.constant 48 : index
        %get3A_455 = tpu.vector_load %arg10[%get3A_453, %get3A_454] {strides = array<i32>} : memref<128x64xf32, #tpu.memory_space<vmem>>, vector<16xf32>,
        %mul3A_456 = arith.mulf %get3A_455, %gather3A_427 : vector<16xf32>
        %swap3A_457 = arith.index_cast %add3A_431 : i32 to index
        %swap3A_458 = arith.constant 48 : index
        %swap3A_459 = tpu.vector_load %arg10[%swap3A_457, %swap3A_458] {strides = array<i32>} : memref<128x64xf32, #tpu.memory_space<vmem>>, vector<16xf32>,
        tpu.vector_store %arg10[%swap3A_457, %swap3A_458], %mul3A_456 {strides = array<i32>} : memref<128x64xf32, #tpu.memory_space<vmem>>, vector<16xf32>,
        %add3A_460 = arith.constant 11 : i32
        %add3A_461 = arith.addi %add3A_66, %add3A_460 : i32
        %broadcast_in_dim3A_462 = vector.broadcast %add3A_461 : i32 to vector<16xi32>
        %gather3A_463 = tpu.vector_load_idx %arg9[%broadcast_in_dim3A_462] : memref<10112xf32, #tpu.memory_space<vmem>>[vector<16xi32>], vector<16xf32>,
        %mul3A_464 = arith.constant 16 : i32
        %mul3A_465 = arith.muli %scan3A_60, %mul3A_464 : i32
        %add3A_466 = arith.constant 11 : i32
        %add3A_467 = arith.addi %mul3A_465, %add3A_466 : i32
        %get3A_468 = arith.index_cast %add3A_467 : i32 to index
        %get3A_469 = arith.constant 0 : index
        %get3A_470 = tpu.vector_load %arg10[%get3A_468, %get3A_469] {strides = array<i32>} : memref<128x64xf32, #tpu.memory_space<vmem>>, vector<16xf32>,
        %mul3A_471 = arith.mulf %get3A_470, %gather3A_463 : vector<16xf32>
        %swap3A_472 = arith.index_cast %add3A_467 : i32 to index
        %swap3A_473 = arith.constant 0 : index
        %swap3A_474 = tpu.vector_load %arg10[%swap3A_472, %swap3A_473] {strides = array<i32>} : memref<128x64xf32, #tpu.memory_space<vmem>>, vector<16xf32>,
        tpu.vector_store %arg10[%swap3A_472, %swap3A_473], %mul3A_471 {strides = array<i32>} : memref<128x64xf32, #tpu.memory_space<vmem>>, vector<16xf32>,
        %get3A_475 = arith.index_cast %add3A_467 : i32 to index
        %get3A_476 = arith.constant 16 : index
        %get3A_477 = tpu.vector_load %arg10[%get3A_475, %get3A_476] {strides = array<i32>} : memref<128x64xf32, #tpu.memory_space<vmem>>, vector<16xf32>,
        %mul3A_478 = arith.mulf %get3A_477, %gather3A_463 : vector<16xf32>
        %swap3A_479 = arith.index_cast %add3A_467 : i32 to index
        %swap3A_480 = arith.constant 16 : index
        %swap3A_481 = tpu.vector_load %arg10[%swap3A_479, %swap3A_480] {strides = array<i32>} : memref<128x64xf32, #tpu.memory_space<vmem>>, vector<16xf32>,
        tpu.vector_store %arg10[%swap3A_479, %swap3A_480], %mul3A_478 {strides = array<i32>} : memref<128x64xf32, #tpu.memory_space<vmem>>, vector<16xf32>,
        %get3A_482 = arith.index_cast %add3A_467 : i32 to index
        %get3A_483 = arith.constant 32 : index
        %get3A_484 = tpu.vector_load %arg10[%get3A_482, %get3A_483] {strides = array<i32>} : memref<128x64xf32, #tpu.memory_space<vmem>>, vector<16xf32>,
        %mul3A_485 = arith.mulf %get3A_484, %gather3A_463 : vector<16xf32>
        %swap3A_486 = arith.index_cast %add3A_467 : i32 to index
        %swap3A_487 = arith.constant 32 : index
        %swap3A_488 = tpu.vector_load %arg10[%swap3A_486, %swap3A_487] {strides = array<i32>} : memref<128x64xf32, #tpu.memory_space<vmem>>, vector<16xf32>,
        tpu.vector_store %arg10[%swap3A_486, %swap3A_487], %mul3A_485 {strides = array<i32>} : memref<128x64xf32, #tpu.memory_space<vmem>>, vector<16xf32>,
        %get3A_489 = arith.index_cast %add3A_467 : i32 to index
        %get3A_490 = arith.constant 48 : index
        %get3A_491 = tpu.vector_load %arg10[%get3A_489, %get3A_490] {strides = array<i32>} : memref<128x64xf32, #tpu.memory_space<vmem>>, vector<16xf32>,
        %mul3A_492 = arith.mulf %get3A_491, %gather3A_463 : vector<16xf32>
        %swap3A_493 = arith.index_cast %add3A_467 : i32 to index
        %swap3A_494 = arith.constant 48 : index
        %swap3A_495 = tpu.vector_load %arg10[%swap3A_493, %swap3A_494] {strides = array<i32>} : memref<128x64xf32, #tpu.memory_space<vmem>>, vector<16xf32>,
        tpu.vector_store %arg10[%swap3A_493, %swap3A_494], %mul3A_492 {strides = array<i32>} : memref<128x64xf32, #tpu.memory_space<vmem>>, vector<16xf32>,
        %add3A_496 = arith.constant 12 : i32
        %add3A_497 = arith.addi %add3A_66, %add3A_496 : i32
        %broadcast_in_dim3A_498 = vector.broadcast %add3A_497 : i32 to vector<16xi32>
        %gather3A_499 = tpu.vector_load_idx %arg9[%broadcast_in_dim3A_498] : memref<10112xf32, #tpu.memory_space<vmem>>[vector<16xi32>], vector<16xf32>,
        %mul3A_500 = arith.constant 16 : i32
        %mul3A_501 = arith.muli %scan3A_60, %mul3A_500 : i32
        %add3A_502 = arith.constant 12 : i32
        %add3A_503 = arith.addi %mul3A_501, %add3A_502 : i32
        %get3A_504 = arith.index_cast %add3A_503 : i32 to index
        %get3A_505 = arith.constant 0 : index
        %get3A_506 = tpu.vector_load %arg10[%get3A_504, %get3A_505] {strides = array<i32>} : memref<128x64xf32, #tpu.memory_space<vmem>>, vector<16xf32>,
        %mul3A_507 = arith.mulf %get3A_506, %gather3A_499 : vector<16xf32>
        %swap3A_508 = arith.index_cast %add3A_503 : i32 to index
        %swap3A_509 = arith.constant 0 : index
        %swap3A_510 = tpu.vector_load %arg10[%swap3A_508, %swap3A_509] {strides = array<i32>} : memref<128x64xf32, #tpu.memory_space<vmem>>, vector<16xf32>,
        tpu.vector_store %arg10[%swap3A_508, %swap3A_509], %mul3A_507 {strides = array<i32>} : memref<128x64xf32, #tpu.memory_space<vmem>>, vector<16xf32>,
        %get3A_511 = arith.index_cast %add3A_503 : i32 to index
        %get3A_512 = arith.constant 16 : index
        %get3A_513 = tpu.vector_load %arg10[%get3A_511, %get3A_512] {strides = array<i32>} : memref<128x64xf32, #tpu.memory_space<vmem>>, vector<16xf32>,
        %mul3A_514 = arith.mulf %get3A_513, %gather3A_499 : vector<16xf32>
        %swap3A_515 = arith.index_cast %add3A_503 : i32 to index
        %swap3A_516 = arith.constant 16 : index
        %swap3A_517 = tpu.vector_load %arg10[%swap3A_515, %swap3A_516] {strides = array<i32>} : memref<128x64xf32, #tpu.memory_space<vmem>>, vector<16xf32>,
        tpu.vector_store %arg10[%swap3A_515, %swap3A_516], %mul3A_514 {strides = array<i32>} : memref<128x64xf32, #tpu.memory_space<vmem>>, vector<16xf32>,
        %get3A_518 = arith.index_cast %add3A_503 : i32 to index
        %get3A_519 = arith.constant 32 : index
        %get3A_520 = tpu.vector_load %arg10[%get3A_518, %get3A_519] {strides = array<i32>} : memref<128x64xf32, #tpu.memory_space<vmem>>, vector<16xf32>,
        %mul3A_521 = arith.mulf %get3A_520, %gather3A_499 : vector<16xf32>
        %swap3A_522 = arith.index_cast %add3A_503 : i32 to index
        %swap3A_523 = arith.constant 32 : index
        %swap3A_524 = tpu.vector_load %arg10[%swap3A_522, %swap3A_523] {strides = array<i32>} : memref<128x64xf32, #tpu.memory_space<vmem>>, vector<16xf32>,
        tpu.vector_store %arg10[%swap3A_522, %swap3A_523], %mul3A_521 {strides = array<i32>} : memref<128x64xf32, #tpu.memory_space<vmem>>, vector<16xf32>,
        %get3A_525 = arith.index_cast %add3A_503 : i32 to index
        %get3A_526 = arith.constant 48 : index
        %get3A_527 = tpu.vector_load %arg10[%get3A_525, %get3A_526] {strides = array<i32>} : memref<128x64xf32, #tpu.memory_space<vmem>>, vector<16xf32>,
        %mul3A_528 = arith.mulf %get3A_527, %gather3A_499 : vector<16xf32>
        %swap3A_529 = arith.index_cast %add3A_503 : i32 to index
        %swap3A_530 = arith.constant 48 : index
        %swap3A_531 = tpu.vector_load %arg10[%swap3A_529, %swap3A_530] {strides = array<i32>} : memref<128x64xf32, #tpu.memory_space<vmem>>, vector<16xf32>,
        tpu.vector_store %arg10[%swap3A_529, %swap3A_530], %mul3A_528 {strides = array<i32>} : memref<128x64xf32, #tpu.memory_space<vmem>>, vector<16xf32>,
        %add3A_532 = arith.constant 13 : i32
        %add3A_533 = arith.addi %add3A_66, %add3A_532 : i32
        %broadcast_in_dim3A_534 = vector.broadcast %add3A_533 : i32 to vector<16xi32>
        %gather3A_535 = tpu.vector_load_idx %arg9[%broadcast_in_dim3A_534] : memref<10112xf32, #tpu.memory_space<vmem>>[vector<16xi32>], vector<16xf32>,
        %mul3A_536 = arith.constant 16 : i32
        %mul3A_537 = arith.muli %scan3A_60, %mul3A_536 : i32
        %add3A_538 = arith.constant 13 : i32
        %add3A_539 = arith.addi %mul3A_537, %add3A_538 : i32
        %get3A_540 = arith.index_cast %add3A_539 : i32 to index
        %get3A_541 = arith.constant 0 : index
        %get3A_542 = tpu.vector_load %arg10[%get3A_540, %get3A_541] {strides = array<i32>} : memref<128x64xf32, #tpu.memory_space<vmem>>, vector<16xf32>,
        %mul3A_543 = arith.mulf %get3A_542, %gather3A_535 : vector<16xf32>
        %swap3A_544 = arith.index_cast %add3A_539 : i32 to index
        %swap3A_545 = arith.constant 0 : index
        %swap3A_546 = tpu.vector_load %arg10[%swap3A_544, %swap3A_545] {strides = array<i32>} : memref<128x64xf32, #tpu.memory_space<vmem>>, vector<16xf32>,
        tpu.vector_store %arg10[%swap3A_544, %swap3A_545], %mul3A_543 {strides = array<i32>} : memref<128x64xf32, #tpu.memory_space<vmem>>, vector<16xf32>,
        %get3A_547 = arith.index_cast %add3A_539 : i32 to index
        %get3A_548 = arith.constant 16 : index
        %get3A_549 = tpu.vector_load %arg10[%get3A_547, %get3A_548] {strides = array<i32>} : memref<128x64xf32, #tpu.memory_space<vmem>>, vector<16xf32>,
        %mul3A_550 = arith.mulf %get3A_549, %gather3A_535 : vector<16xf32>
        %swap3A_551 = arith.index_cast %add3A_539 : i32 to index
        %swap3A_552 = arith.constant 16 : index
        %swap3A_553 = tpu.vector_load %arg10[%swap3A_551, %swap3A_552] {strides = array<i32>} : memref<128x64xf32, #tpu.memory_space<vmem>>, vector<16xf32>,
        tpu.vector_store %arg10[%swap3A_551, %swap3A_552], %mul3A_550 {strides = array<i32>} : memref<128x64xf32, #tpu.memory_space<vmem>>, vector<16xf32>,
        %get3A_554 = arith.index_cast %add3A_539 : i32 to index
        %get3A_555 = arith.constant 32 : index
        %get3A_556 = tpu.vector_load %arg10[%get3A_554, %get3A_555] {strides = array<i32>} : memref<128x64xf32, #tpu.memory_space<vmem>>, vector<16xf32>,
        %mul3A_557 = arith.mulf %get3A_556, %gather3A_535 : vector<16xf32>
        %swap3A_558 = arith.index_cast %add3A_539 : i32 to index
        %swap3A_559 = arith.constant 32 : index
        %swap3A_560 = tpu.vector_load %arg10[%swap3A_558, %swap3A_559] {strides = array<i32>} : memref<128x64xf32, #tpu.memory_space<vmem>>, vector<16xf32>,
        tpu.vector_store %arg10[%swap3A_558, %swap3A_559], %mul3A_557 {strides = array<i32>} : memref<128x64xf32, #tpu.memory_space<vmem>>, vector<16xf32>,
        %get3A_561 = arith.index_cast %add3A_539 : i32 to index
        %get3A_562 = arith.constant 48 : index
        %get3A_563 = tpu.vector_load %arg10[%get3A_561, %get3A_562] {strides = array<i32>} : memref<128x64xf32, #tpu.memory_space<vmem>>, vector<16xf32>,
        %mul3A_564 = arith.mulf %get3A_563, %gather3A_535 : vector<16xf32>
        %swap3A_565 = arith.index_cast %add3A_539 : i32 to index
        %swap3A_566 = arith.constant 48 : index
        %swap3A_567 = tpu.vector_load %arg10[%swap3A_565, %swap3A_566] {strides = array<i32>} : memref<128x64xf32, #tpu.memory_space<vmem>>, vector<16xf32>,
        tpu.vector_store %arg10[%swap3A_565, %swap3A_566], %mul3A_564 {strides = array<i32>} : memref<128x64xf32, #tpu.memory_space<vmem>>, vector<16xf32>,
        %add3A_568 = arith.constant 14 : i32
        %add3A_569 = arith.addi %add3A_66, %add3A_568 : i32
        %broadcast_in_dim3A_570 = vector.broadcast %add3A_569 : i32 to vector<16xi32>
        %gather3A_571 = tpu.vector_load_idx %arg9[%broadcast_in_dim3A_570] : memref<10112xf32, #tpu.memory_space<vmem>>[vector<16xi32>], vector<16xf32>,
        %mul3A_572 = arith.constant 16 : i32
        %mul3A_573 = arith.muli %scan3A_60, %mul3A_572 : i32
        %add3A_574 = arith.constant 14 : i32
        %add3A_575 = arith.addi %mul3A_573, %add3A_574 : i32
        %get3A_576 = arith.index_cast %add3A_575 : i32 to index
        %get3A_577 = arith.constant 0 : index
        %get3A_578 = tpu.vector_load %arg10[%get3A_576, %get3A_577] {strides = array<i32>} : memref<128x64xf32, #tpu.memory_space<vmem>>, vector<16xf32>,
        %mul3A_579 = arith.mulf %get3A_578, %gather3A_571 : vector<16xf32>
        %swap3A_580 = arith.index_cast %add3A_575 : i32 to index
        %swap3A_581 = arith.constant 0 : index
        %swap3A_582 = tpu.vector_load %arg10[%swap3A_580, %swap3A_581] {strides = array<i32>} : memref<128x64xf32, #tpu.memory_space<vmem>>, vector<16xf32>,
        tpu.vector_store %arg10[%swap3A_580, %swap3A_581], %mul3A_579 {strides = array<i32>} : memref<128x64xf32, #tpu.memory_space<vmem>>, vector<16xf32>,
        %get3A_583 = arith.index_cast %add3A_575 : i32 to index
        %get3A_584 = arith.constant 16 : index
        %get3A_585 = tpu.vector_load %arg10[%get3A_583, %get3A_584] {strides = array<i32>} : memref<128x64xf32, #tpu.memory_space<vmem>>, vector<16xf32>,
        %mul3A_586 = arith.mulf %get3A_585, %gather3A_571 : vector<16xf32>
        %swap3A_587 = arith.index_cast %add3A_575 : i32 to index
        %swap3A_588 = arith.constant 16 : index
        %swap3A_589 = tpu.vector_load %arg10[%swap3A_587, %swap3A_588] {strides = array<i32>} : memref<128x64xf32, #tpu.memory_space<vmem>>, vector<16xf32>,
        tpu.vector_store %arg10[%swap3A_587, %swap3A_588], %mul3A_586 {strides = array<i32>} : memref<128x64xf32, #tpu.memory_space<vmem>>, vector<16xf32>,
        %get3A_590 = arith.index_cast %add3A_575 : i32 to index
        %get3A_591 = arith.constant 32 : index
        %get3A_592 = tpu.vector_load %arg10[%get3A_590, %get3A_591] {strides = array<i32>} : memref<128x64xf32, #tpu.memory_space<vmem>>, vector<16xf32>,
        %mul3A_593 = arith.mulf %get3A_592, %gather3A_571 : vector<16xf32>
        %swap3A_594 = arith.index_cast %add3A_575 : i32 to index
        %swap3A_595 = arith.constant 32 : index
        %swap3A_596 = tpu.vector_load %arg10[%swap3A_594, %swap3A_595] {strides = array<i32>} : memref<128x64xf32, #tpu.memory_space<vmem>>, vector<16xf32>,
        tpu.vector_store %arg10[%swap3A_594, %swap3A_595], %mul3A_593 {strides = array<i32>} : memref<128x64xf32, #tpu.memory_space<vmem>>, vector<16xf32>,
        %get3A_597 = arith.index_cast %add3A_575 : i32 to index
        %get3A_598 = arith.constant 48 : index
        %get3A_599 = tpu.vector_load %arg10[%get3A_597, %get3A_598] {strides = array<i32>} : memref<128x64xf32, #tpu.memory_space<vmem>>, vector<16xf32>,
        %mul3A_600 = arith.mulf %get3A_599, %gather3A_571 : vector<16xf32>
        %swap3A_601 = arith.index_cast %add3A_575 : i32 to index
        %swap3A_602 = arith.constant 48 : index
        %swap3A_603 = tpu.vector_load %arg10[%swap3A_601, %swap3A_602] {strides = array<i32>} : memref<128x64xf32, #tpu.memory_space<vmem>>, vector<16xf32>,
        tpu.vector_store %arg10[%swap3A_601, %swap3A_602], %mul3A_600 {strides = array<i32>} : memref<128x64xf32, #tpu.memory_space<vmem>>, vector<16xf32>,
        %add3A_604 = arith.constant 15 : i32
        %add3A_605 = arith.addi %add3A_66, %add3A_604 : i32
        %broadcast_in_dim3A_606 = vector.broadcast %add3A_605 : i32 to vector<16xi32>
        %gather3A_607 = tpu.vector_load_idx %arg9[%broadcast_in_dim3A_606] : memref<10112xf32, #tpu.memory_space<vmem>>[vector<16xi32>], vector<16xf32>,
        %mul3A_608 = arith.constant 16 : i32
        %mul3A_609 = arith.muli %scan3A_60, %mul3A_608 : i32
        %add3A_610 = arith.constant 15 : i32
        %add3A_611 = arith.addi %mul3A_609, %add3A_610 : i32
        %get3A_612 = arith.index_cast %add3A_611 : i32 to index
        %get3A_613 = arith.constant 0 : index
        %get3A_614 = tpu.vector_load %arg10[%get3A_612, %get3A_613] {strides = array<i32>} : memref<128x64xf32, #tpu.memory_space<vmem>>, vector<16xf32>,
        %mul3A_615 = arith.mulf %get3A_614, %gather3A_607 : vector<16xf32>
        %swap3A_616 = arith.index_cast %add3A_611 : i32 to index
        %swap3A_617 = arith.constant 0 : index
        %swap3A_618 = tpu.vector_load %arg10[%swap3A_616, %swap3A_617] {strides = array<i32>} : memref<128x64xf32, #tpu.memory_space<vmem>>, vector<16xf32>,
        tpu.vector_store %arg10[%swap3A_616, %swap3A_617], %mul3A_615 {strides = array<i32>} : memref<128x64xf32, #tpu.memory_space<vmem>>, vector<16xf32>,
        %get3A_619 = arith.index_cast %add3A_611 : i32 to index
        %get3A_620 = arith.constant 16 : index
        %get3A_621 = tpu.vector_load %arg10[%get3A_619, %get3A_620] {strides = array<i32>} : memref<128x64xf32, #tpu.memory_space<vmem>>, vector<16xf32>,
        %mul3A_622 = arith.mulf %get3A_621, %gather3A_607 : vector<16xf32>
        %swap3A_623 = arith.index_cast %add3A_611 : i32 to index
        %swap3A_624 = arith.constant 16 : index
        %swap3A_625 = tpu.vector_load %arg10[%swap3A_623, %swap3A_624] {strides = array<i32>} : memref<128x64xf32, #tpu.memory_space<vmem>>, vector<16xf32>,
        tpu.vector_store %arg10[%swap3A_623, %swap3A_624], %mul3A_622 {strides = array<i32>} : memref<128x64xf32, #tpu.memory_space<vmem>>, vector<16xf32>,
        %get3A_626 = arith.index_cast %add3A_611 : i32 to index
        %get3A_627 = arith.constant 32 : index
        %get3A_628 = tpu.vector_load %arg10[%get3A_626, %get3A_627] {strides = array<i32>} : memref<128x64xf32, #tpu.memory_space<vmem>>, vector<16xf32>,
        %mul3A_629 = arith.mulf %get3A_628, %gather3A_607 : vector<16xf32>
        %swap3A_630 = arith.index_cast %add3A_611 : i32 to index
        %swap3A_631 = arith.constant 32 : index
        %swap3A_632 = tpu.vector_load %arg10[%swap3A_630, %swap3A_631] {strides = array<i32>} : memref<128x64xf32, #tpu.memory_space<vmem>>, vector<16xf32>,
        tpu.vector_store %arg10[%swap3A_630, %swap3A_631], %mul3A_629 {strides = array<i32>} : memref<128x64xf32, #tpu.memory_space<vmem>>, vector<16xf32>,
        %get3A_633 = arith.index_cast %add3A_611 : i32 to index
        %get3A_634 = arith.constant 48 : index
        %get3A_635 = tpu.vector_load %arg10[%get3A_633, %get3A_634] {strides = array<i32>} : memref<128x64xf32, #tpu.memory_space<vmem>>, vector<16xf32>,
        %mul3A_636 = arith.mulf %get3A_635, %gather3A_607 : vector<16xf32>
        %swap3A_637 = arith.index_cast %add3A_611 : i32 to index
        %swap3A_638 = arith.constant 48 : index
        %swap3A_639 = tpu.vector_load %arg10[%swap3A_637, %swap3A_638] {strides = array<i32>} : memref<128x64xf32, #tpu.memory_space<vmem>>, vector<16xf32>,
        tpu.vector_store %arg10[%swap3A_637, %swap3A_638], %mul3A_636 {strides = array<i32>} : memref<128x64xf32, #tpu.memory_space<vmem>>, vector<16xf32>,
        %scan3A_640 = arith.constant 0 : i32
        scf.yield %scan3A_640 : i32
      }
      %scan3A_58 = arith.constant 8 : i32
      "tpu.region"() ({
        %run_scoped3A = tpu.sem_alloc : memref<!tpu.dma_semaphore, #tpu.memory_space<semaphore_mem>>
        %dma_start3A_60 = arith.constant 0 : i32
        %dma_start3A_61 = tpu.memref_slice %arg8[%scan3A_40, %dma_start3A_60] : memref<79x128xi32, #tpu.memory_space<vmem>> -> memref<1x128xi32, #tpu.memory_space<vmem>>
        %dma_start3A_62 = tpu.memref_squeeze %dma_start3A_61 : memref<1x128xi32, #tpu.memory_space<vmem>> -> memref<128xi32, #tpu.memory_space<vmem>>
        %dma_start3A_63 = arith.constant 0 : i32
        %dma_start3A_64 = arith.constant 0 : i32
        %dma_start3A_65 = tpu.memref_slice %arg11[%dma_start3A_63, %dma_start3A_64] : memref<10240x64xf32, #tpu.memory_space<vmem_shared>> -> memref<10240x64xf32, #tpu.memory_space<vmem_shared>>
        tpu.enqueue_indirect_dma source(%arg10 : memref<128x64xf32, #tpu.memory_space<vmem>>) target(%dma_start3A_65 : memref<10240x64xf32, #tpu.memory_space<vmem_shared>>) offsets(%dma_start3A_62 : memref<128xi32, #tpu.memory_space<vmem>>) semaphore(%run_scoped3A : memref<!tpu.dma_semaphore, #tpu.memory_space<semaphore_mem>>) {add = true}
        %dma_wait3A_66 = arith.constant 0 : i32
        %dma_wait3A_67 = tpu.memref_slice %arg8[%scan3A_40, %dma_wait3A_66] : memref<79x128xi32, #tpu.memory_space<vmem>> -> memref<1x128xi32, #tpu.memory_space<vmem>>
        %dma_wait3A_68 = tpu.memref_squeeze %dma_wait3A_67 : memref<1x128xi32, #tpu.memory_space<vmem>> -> memref<128xi32, #tpu.memory_space<vmem>>
        %dma_wait3A_69 = arith.constant 0 : i32
        %dma_wait3A_70 = arith.constant 0 : i32
        %dma_wait3A_71 = tpu.memref_slice %arg11[%dma_wait3A_69, %dma_wait3A_70] : memref<10240x64xf32, #tpu.memory_space<vmem_shared>> -> memref<10240x64xf32, #tpu.memory_space<vmem_shared>>
        tpu.wait_indirect_dma semaphore(%run_scoped3A : memref<!tpu.dma_semaphore, #tpu.memory_space<semaphore_mem>>) src(%arg10 : memref<128x64xf32, #tpu.memory_space<vmem>>) dst(%dma_wait3A_71 : memref<10240x64xf32, #tpu.memory_space<vmem_shared>>)
        tpu.yield
      }) : () -> ()
      %scan3A_59 = arith.constant 0 : i32
      scf.yield %scan3A_59 : i32
    }
    %scan3A_34 = arith.constant 79 : i32
    %barrier3A_35 = arith.constant 0 : index
    tpu.barrier barrier_id(%barrier3A_35)
    %mul3A_36 = arith.constant 640 : i32
    %mul3A_37 = arith.muli %arg1, %mul3A_36 : i32
    %mul3A_38 = arith.constant 640 : i32
    %mul3A_39 = arith.muli %arg1, %mul3A_38 : i32
    "tpu.region"() ({
      %run_scoped3A = tpu.sem_alloc : memref<!tpu.dma_semaphore, #tpu.memory_space<semaphore_mem>>
      %dma_start3A = arith.constant 0 : i32
      %dma_start3A_40 = tpu.memref_slice %arg6[%arg0, %mul3A_39, %dma_start3A] : memref<2x10240x64xf32, #tpu.memory_space<hbm>> -> memref<1x640x64xf32, #tpu.memory_space<hbm>>
      %dma_start3A_41 = tpu.memref_squeeze %dma_start3A_40 : memref<1x640x64xf32, #tpu.memory_space<hbm>> -> memref<640x64xf32, #tpu.memory_space<hbm>>
      %dma_start3A_42 = arith.constant 0 : i32
      %dma_start3A_43 = tpu.memref_slice %arg11[%mul3A_37, %dma_start3A_42] : memref<10240x64xf32, #tpu.memory_space<vmem_shared>> -> memref<640x64xf32, #tpu.memory_space<vmem_shared>>
      tpu.enqueue_dma source(%dma_start3A_43 : memref<640x64xf32, #tpu.memory_space<vmem_shared>>) target(%dma_start3A_41 : memref<640x64xf32, #tpu.memory_space<hbm>>) target_semaphore(%run_scoped3A : memref<!tpu.dma_semaphore, #tpu.memory_space<semaphore_mem>>)
      %dma_wait3A = arith.constant 0 : i32
      %dma_wait3A_44 = tpu.memref_slice %arg6[%arg0, %mul3A_39, %dma_wait3A] : memref<2x10240x64xf32, #tpu.memory_space<hbm>> -> memref<1x640x64xf32, #tpu.memory_space<hbm>>
      %dma_wait3A_45 = tpu.memref_squeeze %dma_wait3A_44 : memref<1x640x64xf32, #tpu.memory_space<hbm>> -> memref<640x64xf32, #tpu.memory_space<hbm>>
      %dma_wait3A_46 = arith.constant 0 : i32
      %dma_wait3A_47 = tpu.memref_slice %arg11[%mul3A_37, %dma_wait3A_46] : memref<10240x64xf32, #tpu.memory_space<vmem_shared>> -> memref<640x64xf32, #tpu.memory_space<vmem_shared>>
      tpu.wait_dma2 semaphore(%run_scoped3A : memref<!tpu.dma_semaphore, #tpu.memory_space<semaphore_mem>>) src(%dma_wait3A_47 : memref<640x64xf32, #tpu.memory_space<vmem_shared>>) dst(%dma_wait3A_45 : memref<640x64xf32, #tpu.memory_space<hbm>>)
      tpu.yield
    }) : () -> ()
    return
  }
}

module attributes {stable_mosaic.version = 14 : i64} {
  func.func @_dense1_body(%arg0: i32, %arg1: memref<1000x128xf32, #tpu.memory_space<vmem>>, %arg2: memref<128x64xf32, #tpu.memory_space<vmem>>, %arg3: memref<1000x2xf32, #tpu.memory_space<vmem>>, %arg4: memref<1000x64xf32, #tpu.memory_space<vmem>>, %arg5: memref<1000x1xf32, #tpu.memory_space<vmem>>) attributes {dimension_semantics = [#tpu.dimension_semantics<arbitrary>], iteration_bounds = array<i64: 10>, scalar_prefetch = 0 : i64, scratch_operands = 0 : i64, tpu.core_type = #tpu.core_type<tc>, window_params = [{transform_indices = @transform_0, window_bounds = array<i64: 1000, 128>}, {pipeline_mode = #tpu.pipeline_mode<synchronous>, transform_indices = @transform_1, window_bounds = array<i64: 128, 64>}, {transform_indices = @transform_2, window_bounds = array<i64: 1000, 2>}, {transform_indices = @transform_3, window_bounds = array<i64: 1000, 64>}, {transform_indices = @transform_4, window_bounds = array<i64: 1000, 1>}]} {
    %get3A = arith.constant 0 : index
    %get3A_0 = arith.constant 0 : index
    %get3A_1 = vector.load %arg3[%get3A, %get3A_0] : memref<1000x2xf32, #tpu.memory_space<vmem>>, vector<1000x1xf32>
    %get3A_2 = vector.shape_cast %get3A_1 : vector<1000x1xf32> to vector<1000xf32>
    %get3A_3 = arith.constant 0 : index
    %get3A_4 = arith.constant 1 : index
    %get3A_5 = vector.load %arg3[%get3A_3, %get3A_4] : memref<1000x2xf32, #tpu.memory_space<vmem>>, vector<1000x1xf32>
    %get3A_6 = vector.shape_cast %get3A_5 : vector<1000x1xf32> to vector<1000xf32>
    %add3A = arith.addf %get3A_2, %get3A_6 : vector<1000xf32>
    %add3A_7 = arith.constant 1.000000e+00 : f32
    %add3A_8 = vector.broadcast %add3A_7 : f32 to vector<1000xf32>
    %add3A_9 = arith.addf %add3A, %add3A_8 : vector<1000xf32>
    %gt3A = arith.constant 0.000000e+00 : f32
    %gt3A_10 = vector.broadcast %gt3A : f32 to vector<1000xf32>
    %gt3A_11 = arith.cmpf ogt, %add3A_9, %gt3A_10 : vector<1000xf32>
    %rsqrt3A = math.rsqrt %add3A_9 : vector<1000xf32>
    %jit3A = arith.constant 0.000000e+00 : f32
    %broadcast_in_dim3A = vector.broadcast %jit3A : f32 to vector<1000xf32>
    %select_n3A = arith.select %gt3A_11, %rsqrt3A, %broadcast_in_dim3A : vector<1000xi1>, vector<1000xf32>
    %get3A_12 = arith.constant 0 : index
    %get3A_13 = arith.constant 0 : index
    %get3A_14 = vector.load %arg1[%get3A_12, %get3A_13] : memref<1000x128xf32, #tpu.memory_space<vmem>>, vector<1000x128xf32>
    %get3A_15 = arith.constant 0 : index
    %get3A_16 = arith.constant 0 : index
    %get3A_17 = vector.load %arg2[%get3A_15, %get3A_16] : memref<128x64xf32, #tpu.memory_space<vmem>>, vector<128x64xf32>
    %dot_general3A = arith.constant dense<0.000000e+00> : vector<1000x64xf32>
    %dot_general3A_18 = tpu.matmul %get3A_14, %get3A_17, %dot_general3A {dimension_numbers = #tpu.dot_dimension_numbers<[1], [0], [0], [1], [0, 0, 1, 1], [], []>, transpose_lhs_hint = false} : vector<1000x128xf32>, vector<128x64xf32>, vector<1000x64xf32> -> vector<1000x64xf32>
    %broadcast_in_dim3A_19 = vector.shape_cast %select_n3A : vector<1000xf32> to vector<1000x1xf32>
    %mul3A = vector.broadcast %broadcast_in_dim3A_19 : vector<1000x1xf32> to vector<1000x64xf32>
    %mul3A_20 = arith.mulf %dot_general3A_18, %mul3A : vector<1000x64xf32>
    %swap3A = arith.constant 0 : index
    %swap3A_21 = arith.constant 0 : index
    %swap3A_22 = vector.load %arg4[%swap3A, %swap3A_21] : memref<1000x64xf32, #tpu.memory_space<vmem>>, vector<1000x64xf32>
    tpu.vector_store %arg4[%swap3A, %swap3A_21], %mul3A_20 {strides = array<i32>} : memref<1000x64xf32, #tpu.memory_space<vmem>>, vector<1000x64xf32>,
    %broadcast_in_dim3A_23 = vector.shape_cast %select_n3A : vector<1000xf32> to vector<1000x1xf32>
    %swap3A_24 = arith.constant 0 : index
    %swap3A_25 = arith.constant 0 : index
    %swap3A_26 = vector.load %arg5[%swap3A_24, %swap3A_25] : memref<1000x1xf32, #tpu.memory_space<vmem>>, vector<1000x1xf32>
    tpu.vector_store %arg5[%swap3A_24, %swap3A_25], %broadcast_in_dim3A_23 {strides = array<i32>} : memref<1000x1xf32, #tpu.memory_space<vmem>>, vector<1000x1xf32>,
    return
  }
  func.func @transform_0(%arg0: i32) -> (i32, i32) {
    %c0_i32 = arith.constant 0 : i32
    %c0_i32_0 = arith.constant 0 : i32
    return %arg0, %c0_i32 : i32, i32
  }
  func.func @transform_1(%arg0: i32) -> (i32, i32) {
    %c0_i32 = arith.constant 0 : i32
    %c0_i32_0 = arith.constant 0 : i32
    %c0_i32_1 = arith.constant 0 : i32
    return %c0_i32, %c0_i32_0 : i32, i32
  }
  func.func @transform_2(%arg0: i32) -> (i32, i32) {
    %c0_i32 = arith.constant 0 : i32
    %c0_i32_0 = arith.constant 0 : i32
    return %arg0, %c0_i32 : i32, i32
  }
  func.func @transform_3(%arg0: i32) -> (i32, i32) {
    %c0_i32 = arith.constant 0 : i32
    %c0_i32_0 = arith.constant 0 : i32
    return %arg0, %c0_i32 : i32, i32
  }
  func.func @transform_4(%arg0: i32) -> (i32, i32) {
    %c0_i32 = arith.constant 0 : i32
    %c0_i32_0 = arith.constant 0 : i32
    return %arg0, %c0_i32 : i32, i32
  }
}

module attributes {stable_mosaic.version = 14 : i64} {
  func.func @_dense2_body(%arg0: i32, %arg1: memref<2x1000x64xf32, #tpu.memory_space<vmem>>, %arg2: memref<1000x64xf32, #tpu.memory_space<vmem>>, %arg3: memref<1000x1xf32, #tpu.memory_space<vmem>>, %arg4: memref<1x64xf32, #tpu.memory_space<vmem>>, %arg5: memref<64x1xf32, #tpu.memory_space<vmem>>, %arg6: memref<1000x1xf32, #tpu.memory_space<vmem>>) attributes {dimension_semantics = [#tpu.dimension_semantics<arbitrary>], iteration_bounds = array<i64: 10>, scalar_prefetch = 0 : i64, scratch_operands = 0 : i64, tpu.core_type = #tpu.core_type<tc>, window_params = [{transform_indices = @transform_0, window_bounds = array<i64: 2, 1000, 64>}, {transform_indices = @transform_1, window_bounds = array<i64: 1000, 64>}, {transform_indices = @transform_2, window_bounds = array<i64: 1000, 1>}, {pipeline_mode = #tpu.pipeline_mode<synchronous>, transform_indices = @transform_3, window_bounds = array<i64: 1, 64>}, {pipeline_mode = #tpu.pipeline_mode<synchronous>, transform_indices = @transform_4, window_bounds = array<i64: 64, 1>}, {transform_indices = @transform_5, window_bounds = array<i64: 1000, 1>}]} {
    %get3A = arith.constant 0 : index
    %get3A_0 = arith.constant 0 : index
    %get3A_1 = arith.constant 0 : index
    %get3A_2 = vector.load %arg1[%get3A, %get3A_0, %get3A_1] : memref<2x1000x64xf32, #tpu.memory_space<vmem>>, vector<1x1000x64xf32>
    %get3A_3 = vector.shape_cast %get3A_2 : vector<1x1000x64xf32> to vector<1000x64xf32>
    %get3A_4 = arith.constant 1 : index
    %get3A_5 = arith.constant 0 : index
    %get3A_6 = arith.constant 0 : index
    %get3A_7 = vector.load %arg1[%get3A_4, %get3A_5, %get3A_6] : memref<2x1000x64xf32, #tpu.memory_space<vmem>>, vector<1x1000x64xf32>
    %get3A_8 = vector.shape_cast %get3A_7 : vector<1x1000x64xf32> to vector<1000x64xf32>
    %add3A = arith.addf %get3A_3, %get3A_8 : vector<1000x64xf32>
    %get3A_9 = arith.constant 0 : index
    %get3A_10 = arith.constant 0 : index
    %get3A_11 = vector.load %arg2[%get3A_9, %get3A_10] : memref<1000x64xf32, #tpu.memory_space<vmem>>, vector<1000x64xf32>
    %add3A_12 = arith.addf %add3A, %get3A_11 : vector<1000x64xf32>
    %get3A_13 = arith.constant 0 : index
    %get3A_14 = arith.constant 0 : index
    %get3A_15 = vector.load %arg3[%get3A_13, %get3A_14] : memref<1000x1xf32, #tpu.memory_space<vmem>>, vector<1000x1xf32>
    %mul3A = vector.broadcast %get3A_15 : vector<1000x1xf32> to vector<1000x64xf32>
    %mul3A_16 = arith.mulf %mul3A, %add3A_12 : vector<1000x64xf32>
    %get3A_17 = arith.constant 0 : index
    %get3A_18 = arith.constant 0 : index
    %get3A_19 = vector.load %arg4[%get3A_17, %get3A_18] : memref<1x64xf32, #tpu.memory_space<vmem>>, vector<1x64xf32>
    %add3A_20 = vector.broadcast %get3A_19 : vector<1x64xf32> to vector<1000x64xf32>
    %add3A_21 = arith.addf %mul3A_16, %add3A_20 : vector<1000x64xf32>
    %gt3A = arith.constant 0.000000e+00 : f32
    %gt3A_22 = vector.broadcast %gt3A : f32 to vector<1000x64xf32>
    %gt3A_23 = arith.cmpf ogt, %add3A_21, %gt3A_22 : vector<1000x64xf32>
    %exp3A = math.exp %add3A_21 : vector<1000x64xf32>
    %sub3A = arith.constant 1.000000e+00 : f32
    %sub3A_24 = vector.broadcast %sub3A : f32 to vector<1000x64xf32>
    %sub3A_25 = arith.subf %exp3A, %sub3A_24 : vector<1000x64xf32>
    %select_n3A = arith.select %gt3A_23, %add3A_21, %sub3A_25 : vector<1000x64xi1>, vector<1000x64xf32>
    %get3A_26 = arith.constant 0 : index
    %get3A_27 = arith.constant 0 : index
    %get3A_28 = vector.load %arg5[%get3A_26, %get3A_27] : memref<64x1xf32, #tpu.memory_space<vmem>>, vector<64x1xf32>
    %dot_general3A = arith.constant dense<0.000000e+00> : vector<1000x1xf32>
    %dot_general3A_29 = tpu.matmul %select_n3A, %get3A_28, %dot_general3A {dimension_numbers = #tpu.dot_dimension_numbers<[1], [0], [0], [1], [0, 0, 1, 1], [], []>, transpose_lhs_hint = false} : vector<1000x64xf32>, vector<64x1xf32>, vector<1000x1xf32> -> vector<1000x1xf32>
    %get3A_30 = arith.constant 0 : index
    %get3A_31 = arith.constant 0 : index
    %get3A_32 = vector.load %arg3[%get3A_30, %get3A_31] : memref<1000x1xf32, #tpu.memory_space<vmem>>, vector<1000x1xf32>
    %mul3A_33 = arith.mulf %dot_general3A_29, %get3A_32 : vector<1000x1xf32>
    %swap3A = arith.constant 0 : index
    %swap3A_34 = arith.constant 0 : index
    %swap3A_35 = vector.load %arg6[%swap3A, %swap3A_34] : memref<1000x1xf32, #tpu.memory_space<vmem>>, vector<1000x1xf32>
    tpu.vector_store %arg6[%swap3A, %swap3A_34], %mul3A_33 {strides = array<i32>} : memref<1000x1xf32, #tpu.memory_space<vmem>>, vector<1000x1xf32>,
    return
  }
  func.func @transform_0(%arg0: i32) -> (i32, i32, i32) {
    %c0_i32 = arith.constant 0 : i32
    %c0_i32_0 = arith.constant 0 : i32
    %c0_i32_1 = arith.constant 0 : i32
    return %c0_i32, %arg0, %c0_i32_0 : i32, i32, i32
  }
  func.func @transform_1(%arg0: i32) -> (i32, i32) {
    %c0_i32 = arith.constant 0 : i32
    %c0_i32_0 = arith.constant 0 : i32
    return %arg0, %c0_i32 : i32, i32
  }
  func.func @transform_2(%arg0: i32) -> (i32, i32) {
    %c0_i32 = arith.constant 0 : i32
    %c0_i32_0 = arith.constant 0 : i32
    return %arg0, %c0_i32 : i32, i32
  }
  func.func @transform_3(%arg0: i32) -> (i32, i32) {
    %c0_i32 = arith.constant 0 : i32
    %c0_i32_0 = arith.constant 0 : i32
    %c0_i32_1 = arith.constant 0 : i32
    return %c0_i32, %c0_i32_0 : i32, i32
  }
  func.func @transform_4(%arg0: i32) -> (i32, i32) {
    %c0_i32 = arith.constant 0 : i32
    %c0_i32_0 = arith.constant 0 : i32
    %c0_i32_1 = arith.constant 0 : i32
    return %c0_i32, %c0_i32_0 : i32, i32
  }
  func.func @transform_5(%arg0: i32) -> (i32, i32) {
    %c0_i32 = arith.constant 0 : i32
    %c0_i32_0 = arith.constant 0 : i32
    return %arg0, %c0_i32 : i32, i32
  }
}

module attributes {stable_mosaic.version = 14 : i64} {
  func.func @_final_body(%arg0: i32, %arg1: memref<1000x2xf32, #tpu.memory_space<vmem>>, %arg2: memref<1000x1xf32, #tpu.memory_space<vmem>>, %arg3: memref<1000x1xf32, #tpu.memory_space<vmem>>, %arg4: memref<1x1xf32, #tpu.memory_space<vmem>>, %arg5: memref<1000x1xf32, #tpu.memory_space<vmem>>) attributes {dimension_semantics = [#tpu.dimension_semantics<arbitrary>], iteration_bounds = array<i64: 10>, scalar_prefetch = 0 : i64, scratch_operands = 0 : i64, tpu.core_type = #tpu.core_type<tc>, window_params = [{transform_indices = @transform_0, window_bounds = array<i64: 1000, 2>}, {transform_indices = @transform_1, window_bounds = array<i64: 1000, 1>}, {transform_indices = @transform_2, window_bounds = array<i64: 1000, 1>}, {pipeline_mode = #tpu.pipeline_mode<synchronous>, transform_indices = @transform_3, window_bounds = array<i64: 1, 1>}, {transform_indices = @transform_4, window_bounds = array<i64: 1000, 1>}]} {
    %get3A = arith.constant 0 : index
    %get3A_0 = arith.constant 0 : index
    %get3A_1 = vector.load %arg1[%get3A, %get3A_0] : memref<1000x2xf32, #tpu.memory_space<vmem>>, vector<1000x1xf32>
    %get3A_2 = arith.constant 0 : index
    %get3A_3 = arith.constant 1 : index
    %get3A_4 = vector.load %arg1[%get3A_2, %get3A_3] : memref<1000x2xf32, #tpu.memory_space<vmem>>, vector<1000x1xf32>
    %add3A = arith.addf %get3A_1, %get3A_4 : vector<1000x1xf32>
    %get3A_5 = arith.constant 0 : index
    %get3A_6 = arith.constant 0 : index
    %get3A_7 = vector.load %arg3[%get3A_5, %get3A_6] : memref<1000x1xf32, #tpu.memory_space<vmem>>, vector<1000x1xf32>
    %get3A_8 = arith.constant 0 : index
    %get3A_9 = arith.constant 0 : index
    %get3A_10 = vector.load %arg2[%get3A_8, %get3A_9] : memref<1000x1xf32, #tpu.memory_space<vmem>>, vector<1000x1xf32>
    %add3A_11 = arith.addf %add3A, %get3A_10 : vector<1000x1xf32>
    %mul3A = arith.mulf %get3A_7, %add3A_11 : vector<1000x1xf32>
    %get3A_12 = arith.constant 0 : index
    %get3A_13 = arith.constant 0 : index
    %get3A_14 = vector.load %arg4[%get3A_12, %get3A_13] : memref<1x1xf32, #tpu.memory_space<vmem>>, vector<1x1xf32>
    %add3A_15 = vector.broadcast %get3A_14 : vector<1x1xf32> to vector<1000x1xf32>
    %add3A_16 = arith.addf %mul3A, %add3A_15 : vector<1000x1xf32>
    %neg3A = arith.constant 0.000000e+00 : f32
    %neg3A_17 = vector.broadcast %neg3A : f32 to vector<1000x1xf32>
    %neg3A_18 = arith.subf %neg3A_17, %add3A_16 : vector<1000x1xf32>
    %exp3A = math.exp %neg3A_18 : vector<1000x1xf32>
    %add3A_19 = arith.constant 1.000000e+00 : f32
    %add3A_20 = vector.broadcast %add3A_19 : f32 to vector<1000x1xf32>
    %add3A_21 = arith.addf %add3A_20, %exp3A : vector<1000x1xf32>
    %div3A = arith.constant 1.000000e+00 : f32
    %div3A_22 = vector.broadcast %div3A : f32 to vector<1000x1xf32>
    %div3A_23 = arith.divf %div3A_22, %add3A_21 : vector<1000x1xf32>
    %swap3A = arith.constant 0 : index
    %swap3A_24 = arith.constant 0 : index
    %swap3A_25 = vector.load %arg5[%swap3A, %swap3A_24] : memref<1000x1xf32, #tpu.memory_space<vmem>>, vector<1000x1xf32>
    tpu.vector_store %arg5[%swap3A, %swap3A_24], %div3A_23 {strides = array<i32>} : memref<1000x1xf32, #tpu.memory_space<vmem>>, vector<1000x1xf32>,
    return
  }
  func.func @transform_0(%arg0: i32) -> (i32, i32) {
    %c0_i32 = arith.constant 0 : i32
    %c0_i32_0 = arith.constant 0 : i32
    return %arg0, %c0_i32 : i32, i32
  }
  func.func @transform_1(%arg0: i32) -> (i32, i32) {
    %c0_i32 = arith.constant 0 : i32
    %c0_i32_0 = arith.constant 0 : i32
    return %arg0, %c0_i32 : i32, i32
  }
  func.func @transform_2(%arg0: i32) -> (i32, i32) {
    %c0_i32 = arith.constant 0 : i32
    %c0_i32_0 = arith.constant 0 : i32
    return %arg0, %c0_i32 : i32, i32
  }
  func.func @transform_3(%arg0: i32) -> (i32, i32) {
    %c0_i32 = arith.constant 0 : i32
    %c0_i32_0 = arith.constant 0 : i32
    %c0_i32_1 = arith.constant 0 : i32
    return %c0_i32, %c0_i32_0 : i32, i32
  }
  func.func @transform_4(%arg0: i32) -> (i32, i32) {
    %c0_i32 = arith.constant 0 : i32
    %c0_i32_0 = arith.constant 0 : i32
    return %arg0, %c0_i32 : i32, i32
  }
}

</mosaic_0001>

<sc_bundles>
// kernel: kernel.11.cloned.1.call-start
scs
__scs_entry_jumppad:
0x0: {  	(pc) =	sbr.rel $0x88, $3  }
0x1: {  	(tag) =	ssettag $0x0;
	lr =	simm.s32 $0x1  }
0x2: {  	[smem:$0x3F9A] =	sst lr;
	_ =	strace $0xD0000000  }
0x3: {  	_ = 	snop  }
0x4: {  	_ = 	snop  }
0x5: {  	_ = 	snop  }
0x6: {  	_ = 	snop  }
0x7: {  	_ = 	snop  }
__scs_overlays_trampoline_lowered:
0x8: {  	[smem:$0x3FA9] =	sst s0  }
0x9: {  	[smem:$0x3FAA] =	sst s1  }
0xa: {  	[smem:$0x3FAB] =	sst s2  }
0xb: {  	[smem:$0x3FAC] =	sst s3  }
0xc: {  	[smem:$0x3FAD] =	sst s4  }
0xd: {  	[smem:$0x3FAE] =	sst s5  }
0xe: {  	[smem:$0x3FAF] =	sst s6  }
0xf: {  	[smem:$0x3FB0] =	sst s7  }
0x10: {  	[smem:$0x3FB1] =	sst s8  }
0x11: {  	[smem:$0x3FB2] =	sst s9;
	s0 =	simm.s32 @!p0 $0x0  }
0x12: {  	s1 =	sld [smem:$0x3F98];
	s0 =	simm.s32 @p0 $0x1  }
0x13: {  	[smem:$0x3FB3] =	sst s0;
	s0 =	simm.s32 @!p1 $0x0  }
0x14: {  	s2 =	sld [smem:$0x3F97];
	s0 =	simm.s32 @p1 $0x1  }
0x15: {  	[smem:$0x3FB4] =	sst s0;
	s0 =	simm.s32 @!p2 $0x0  }
0x16: {  	s3 =	sld [smem:$0x3FDB];
	s0 =	simm.s32 @p2 $0x1  }
0x17: {  	s4 =	simm.s32 $0x1BF5;
	[smem:$0x3FB6] =	sst s0  }
0x18: {  	s0 =	sld [smem:$0x3F99];
	_ =	swait.ge [sflag:s4], $0x0  }
0x19: {  	s7 =	sld [smem:$0x3F9A]  }
0x1a: {  	s8 =	sadd.s32 $0xFFFFE003, lr  }
0x1b: {  	s9 =	sadd.s32 $0xFFFFFEF7, lr;
	s5 =	simm.s32 $0xFFFFFFFF;
	p2 =	slt.u32 s8, $0xFFFFF086  }
0x1c: {  	p1 =	slt.u32 s9, $0xF7A;
	s5 =	simm.s32 @!p2 $0x0  }
0x1d: {  	s5 =	simm.s32 @p1 $0x1;
	p0 =	seq.s32 s7, s2  }
0x1e: {  	s7 =	smul.u32 @!p0 $0xF7A, s2;
	p2 =	seq.s32 @!p0 s5, $0x0  }
0x1f: {  	s9 =	smul.u32 $0xF7A, s1;
	s8 =	simm.s32 @!p0 $0x1BF5;
	p2 =	por !p2, p0  }
0x20: {  	[sflag:s8] =	ssyncset.s32 @!p0 $0xFFFFF086;
	s6 =	sadd.s32 @!p0 s3, s7;
	s7 =	simm.s32 @!p0 $0x108  }
0x21: {  	s3 =	sadd.s32 s3, s9;
	s6 =	sadd.s32 @!p0 $0x88, s6;
	s7 =	simm.s32 @p2 $0x1082  }
0x22: {  	[simem:s7], [sflag:s8] =	dma.local @!p0 [hbm:s6], $0xF7A  }
0x23: {  	s9 =	sor.u32 $0xD0000000, s2;
	s6 =	simm.s32 $0x108;
	_ =	swait.ge @!p0 [sflag:s8], $0x0  }
0x24: {  	s3 =	sadd.s32 $0x88, s3;
	s6 =	simm.s32 @!p1 $0x1082;
	[sflag:s4] =	ssyncset.s32 $0xFFFFF086  }
0x25: {  	[simem:s6], [sflag:s4] =	dma.local [hbm:s3], $0xF7A  }
0x26: {  	[smem:$0x3F9A] =	sst s1;
	(tag) =	ssettag s2;
	_ =	strace s9  }
0x27: {  	s1 =	sld [smem:$0x3FAA]  }
0x28: {  	s2 =	sld [smem:$0x3FAB]  }
0x29: {  	s4 =	sld [smem:$0x3FAD]  }
0x2a: {  	p0 =	seq.s32 s5, $0x0;
	s5 =	sld [smem:$0x3FAE]  }
0x2b: {  	s6 =	sld [smem:$0x3FAF]  }
0x2c: {  	s7 =	sld [smem:$0x3FB0]  }
0x2d: {  	s3 =	simm.s32 $0x108;
	s8 =	sld [smem:$0x3FB1]  }
0x2e: {  	s3 =	simm.s32 @!p0 $0x1082;
	s9 =	sld [smem:$0x3FB2]  }
0x2f: {  	lr =	sadd.s32 s0, s3;
	s0 =	sld [smem:$0x3FA9]  }
0x30: {  	s3 =	sld [smem:$0x3FAC]  }
0x31: {  	[smem:$0x3FB5] =	sst s10  }
0x32: {  	s10 =	sld [smem:$0x3FB3];
	_ =	sdelay $0x3  }
0x33: {  	p0 =	seq.s32 s10, $0x1;
	s10 =	sld [smem:$0x3FB5];
	_ =	sdelay $0x3  }
0x34: {  	[smem:$0x3FB5] =	sst s10  }
0x35: {  	s10 =	sld [smem:$0x3FB4];
	_ =	sdelay $0x3  }
0x36: {  	p1 =	seq.s32 s10, $0x1;
	s10 =	sld [smem:$0x3FB5];
	_ =	sdelay $0x3  }
0x37: {  	[smem:$0x3FB5] =	sst s10  }
0x38: {  	s10 =	sld [smem:$0x3FB6]  }
0x39: {  	_ = 	snop;
	(pc) =	sbr.ind lr, $3  }
0x3a: {  	_ = 	snop  }
0x3b: {  	_ = 	snop  }
0x3c: {  	p2 =	seq.s32 s10, $0x1;
	s10 =	sld [smem:$0x3FB5]  }
0x3d: {  	_ =	shalt  }
0x3e: {  	_ =	shalt  }
0x3f: {  	_ =	shalt  }
0x40: {  	_ =	shalt  }
0x41: {  	_ =	shalt  }
0x42: {  	_ =	shalt  }
0x43: {  	_ =	shalt  }
0x44: {  	_ =	shalt  }
0x45: {  	_ =	shalt  }
0x46: {  	_ =	shalt  }
0x47: {  	_ =	shalt  }
0x48: {  	_ =	shalt  }
0x49: {  	_ =	shalt  }
0x4a: {  	_ =	shalt  }
0x4b: {  	_ =	shalt  }
0x4c: {  	_ =	shalt  }
0x4d: {  	_ =	shalt  }
0x4e: {  	_ =	shalt  }
0x4f: {  	_ =	shalt  }
0x50: {  	_ =	shalt  }
0x51: {  	_ =	shalt  }
0x52: {  	_ =	shalt  }
0x53: {  	_ =	shalt  }
0x54: {  	_ =	shalt  }
0x55: {  	_ =	shalt  }
0x56: {  	_ =	shalt  }
0x57: {  	_ =	shalt  }
0x58: {  	_ =	shalt  }
0x59: {  	_ =	shalt  }
0x5a: {  	_ =	shalt  }
0x5b: {  	_ =	shalt  }
0x5c: {  	_ =	shalt  }
0x5d: {  	_ =	shalt  }
0x5e: {  	_ =	shalt  }
0x5f: {  	_ =	shalt  }
0x60: {  	_ =	shalt  }
0x61: {  	_ =	shalt  }
0x62: {  	_ =	shalt  }
0x63: {  	_ =	shalt  }
0x64: {  	_ =	shalt  }
0x65: {  	_ =	shalt  }
0x66: {  	_ =	shalt  }
0x67: {  	_ =	shalt  }
0x68: {  	_ =	shalt  }
0x69: {  	_ =	shalt  }
0x6a: {  	_ =	shalt  }
0x6b: {  	_ =	shalt  }
0x6c: {  	_ =	shalt  }
0x6d: {  	_ =	shalt  }
0x6e: {  	_ =	shalt  }
0x6f: {  	_ =	shalt  }
0x70: {  	_ =	shalt  }
0x71: {  	_ =	shalt  }
0x72: {  	_ =	shalt  }
0x73: {  	_ =	shalt  }
0x74: {  	_ =	shalt  }
0x75: {  	_ =	shalt  }
0x76: {  	_ =	shalt  }
0x77: {  	_ =	shalt  }
0x78: {  	_ =	shalt  }
0x79: {  	_ =	shalt  }
0x7a: {  	_ =	shalt  }
0x7b: {  	_ =	shalt  }
0x7c: {  	_ =	shalt  }
0x7d: {  	_ =	shalt  }
0x7e: {  	_ =	shalt  }
0x7f: {  	_ =	shalt  }
0x80: {  	_ =	shalt  }
0x81: {  	_ =	shalt  }
0x82: {  	_ =	shalt  }
0x83: {  	_ =	shalt  }
0x84: {  	_ =	shalt  }
0x85: {  	_ =	shalt  }
0x86: {  	_ =	shalt  }
0x87: {  	_ =	shalt  }
.Lfunc_end0:
.L_simem_size_0:
called_computation.1_lowered:
.L_overlay_start_0:
0x88: {  	s2 =	sld [smem:$0x3FD9]  }
0x89: {  	s3 =	sld [smem:$0x3FFE];
	_ =	sdelay $0x1  }
0x8a: {  	s1 =	srdreg.scid  }
0x8b: {  	s0 =	sand.u32 $0x1, s1  }
0x8c: {  	s16 =	sshll.u32 s0, $0xA;
	s2 =	sadd.s32 s3, s2  }
0x8d: {  	s2 =	sadd.s32 s2, s16  }
0x8e: {  	[smem:$0x3FC1] =	sst s2  }
0x8f: {  	_ = 	snop  }
0x90: {  	(tm) =	ssettm $0x1  }
0x91: {  	s17 =	sld [smem:$0x3FFB];
	_ =	sdelay $0x3  }
0x92: {  	_ =	strace s17  }
0x93: {  	s2 =	sld [smem:$0x3FFC];
	_ =	sdelay $0x3  }
0x94: {  	_ =	strace s2  }
0x95: {  	s2 =	sld [smem:$0x3FFD];
	_ =	sdelay $0x3  }
0x96: {  	_ =	strace s2  }
0x97: {  	_ =	strace $0x8FFFFFFF  }
0x98: {  	s18 =	sld [smem:$0x3FDB];
	_ =	sdelay $0x1  }
0x99: {  	s19 =	simm.s32 $_scs_section_size  }
0x9a: {  	s4 =	simm.s32 $_size__tile_overlayer_lowered;
	s5 =	simm.s32 $_tile_overlayer_lowered  }
0x9b: {  	s22 =	simm.s32 $0x1BFF;
	s21 =	sshll.u32 s5, $0x1;
	s2 =	sadd.s32 s19, s18  }
0x9c: {  	s6 =	simm.s32 $0x0;
	s20 =	sshll.u32 s4, $0x1;
	s4 =	sadd.s32 s21, s2  }
0x9d: {  	[timem:s6], [sflag:s22] =	dma.local [hbm:s4], s20  }
0x9e: {  	_ =	swait.ge [sflag:s22], s20  }
0x9f: {  	s3 =	ssub.s32 $0x0, s20;
	[sflag:s22] =	ssyncset.done $0x0  }
0xa0: {  	[sflag:s22] =	ssyncadd.s32 s3;
	_ =	sdelay $0x1  }
0xa1: {  	s23 =	simm.s32 $0x1B8B  }
0xa2: {  	_ =	swait.ge [sflag:s23], $0x1  }
0xa3: {  	[sflag:s23] =	ssyncset.done $0x0  }
0xa4: {  	s25 =	simm.s32 $0x1B8E;
	s24 =	sld [smem:$0x3FFE];
	[sflag:s23] =	ssyncadd.s32 $0xFFFFFFFF  }
0xa5: {  	s26 =	simm.s32 $execute0_lowered;
	[smem:$0x3FD2] =	sst s25  }
0xa6: {  	s4 =	sshll.u32 s26, $0x1;
	_ =	strace $0x80000049;
	[dreg:$0x1] =	wrdreg $0xFFFFFFFF  }
0xa7: {  	s28 =	simm.s32 $_size_execute0_lowered;
	s2 =	sadd.s32 s2, s4;
	[dreg:$0x0] =	wrdreg $0x0  }
0xa8: {  	s4 =	sshll.u32 s28, $0x1;
	[dreg:$0x2] =	wrdreg s2  }
0xa9: {  	[dreg:$0x3] =	wrdreg s4  }
0xaa: {  	[dreg:$0x4] =	wrdreg $0xC0  }
0xab: {  	_ =	task [dreg:s6], $0x5FFFF  }
0xac: {  	[dreg:$0x1] =	wrdreg $0xFFFFFFFF  }
0xad: {  	[dreg:$0x0] =	wrdreg $0x60  }
0xae: {  	[dreg:$0x2] =	wrdreg s24  }
0xaf: {  	[dreg:$0x3] =	wrdreg $0x96800  }
0xb0: {  	[dreg:$0x4] =	wrdreg $0x9  }
0xb1: {  	_ =	task.clear_ibuf [dreg:s6], $0x5FFFF;
	_ =	strace $0x90000049  }
0xb2: {  	s29 =	simm.s32 $0x9;
	_ =	strace $0x8000004B  }
0xb3: {  	_ =	swait.ge [sflag:s29], $0x1  }
0xb4: {  	[sflag:s29] =	ssyncadd.s32 $0xFFFFFFFF  }
0xb5: {  	_ =	strace $0x9000004B  }
0xb6: {  	_ =	sfence  }
0xb7: {  	s30 =	sld [smem:$0x0];
	_ =	sdelay $0x2  }
0xb8: {  	s31 =	sshll.u32 s1, $0xD;
	s1 =	sshrl.u32 s1, $0x2  }
0xb9: {  	s3 =	sand.u32 $0x4000, s31;
	s1 =	sadd.s32 s1, s30  }
0xba: {  	s0 =	sor.u32 s3, s0;
	s1 =	sshll.u32 s1, $0x11  }
0xbb: {  	s0 =	sor.u32 s1, s0  }
0xbc: {  	s0 =	sadd.s32 $0x8F2B, s0  }
0xbd: {  	[sflag:s0] =	ssyncadd.remote.s32 $0x1  }
0xbe: {  	_ =	sfence.sel $0xFFFF  }
0xbf: {  	[dreg:$0x0] =	wrdreg $0xFFFFFFFF;
	(pc) =	sbr.abs _section_cstart, $3  }
0xc0: {  	[dreg:$0x1] =	wrdreg $0xFFFFFFFF  }
0xc1: {  	_ =	task.clear_ibuf [dreg:s6], $0x2FFFF;
	_ =	strace $0x9FFFFFFF  }
0xc2: {  	(tm) =	ssettm $0x7FFFFFFF  }
0xc3: {  	_ =	shalt  }
tec
execute0_lowered:
.L_overlay_start_1:
0x0: {  	(tag) =	ssettag $0x1  }
0x1: {  	s6 =	rddreg [dreg:$0x0]  }
0x2: {  	s0 =	srdreg.scid;
	s2 =	rddreg [dreg:$0x1]  }
0x3: {  	s3 =	simm.s32 $0x0;
	s15 =	simm.s32 $0x7680;
	s16 =	simm.s32 $0x2  }
0x4: {  	s18 =	simm.s32 $0x4F00;
	s5 =	sand.u32 $0x1, s0;
	s0 =	stileid.u32  }
0x5: {  	s19 =	simm.s32 $0x80;
	s20 =	simm.s32 $0x1;
	s7 =	smul.u32 $0xA000, s0  }
0x6: {  	[smem:$0x7FF] =	sst s3;
	s1 =	sshll.u32 s5, $0x4;
	s8 =	smul.u32 $0xA0000, s5  }
0x7: {  	s9 =	smul.u32 $0x28000, s0;
	s5 =	ssub.s32 $0x2, s5;
	s1 =	sor.u32 s0, s1  }
0x8: {  	_ =	strace $0x8000004A;
	s30 =	sshrl.u32 s5, $0x1;
	s4 =	smul.u32 $0x4F0, s1  }
0x9: {  	s8 =	sadd.s32 s7, s8;
	s31 =	sshrl.u32 s9, $0x2;
	s14 =	ssub.s32 s5, s30  }
0xa: {  	s5 =	sadd.s32 s7, s2;
	s8 =	sshrl.u32 s8, $0x3;
	s9 =	sadd.s32 s31, s2  }
0xb: {  	s14 =	smax.u32 s14, $0x1;
	s12 =	sadd.s32 s4, s6;
	s4 =	sadd.s32 $0x1F400, s6  }
0xc: {  	s13 =	sadd.s32 s8, s6;
	s6 =	sadd.s32 $0x2000, s9;
	s7 =	sadd.s32 $0x4000, s9  }
0xd: {  	v1 =	vimm.s32 $0x0;
	vm0 =	vcmask $0x300;
	s8 =	sadd.s32 $0x6000, s9;
	s9 =	sadd.s32 $0x8000, s9;
	s10 =	sadd.s32 $0x15600, s12  }
0xe: {  	v0 =	vimm.f32 $0.0e+00;
	v1 =	vsel vm0, $0x3, v1;
	s11 =	sadd.s32 $0x1000, s12;
	s12 =	sadd.s32 $0xAE00, s12;
	s13 =	sadd.s32 $0x32E00, s13  }
.LBB2_1:
0xf: {  	s22 =	simm.s32 $0x100;
	s21 =	simm.s32 $0x0  }
.LBB2_2:
0x10: {  	p0 =	sne.s32 s22, $0x7F00;
	[tilespmem:s21+$0x76B0] =	vst v0;
	s23 =	smov.u32 s22;
	s22 =	sadd.s32 $0x100, s22  }
.Ltmp0:
0x11: {  	[tilespmem:s21+$0x76A0] =	vst v0;
	(pc) =	sbr.rel @p0 .LBB2_2-.Ltmp0, $3  }
0x12: {  	[tilespmem:s21+$0x7680] =	vst v0  }
0x13: {  	[tilespmem:s21+$0x7690] =	vst v0;
	_ =	sdelay $0x1  }
0x14: {  	s21 =	sshra.s32 s23, $0x2  }
0x15: {  	[tilespmem:s21+$0x76B0] =	vst v0  }
0x16: {  	[tilespmem:s21+$0x76A0] =	vst v0  }
0x17: {  	[tilespmem:s21+$0x7680] =	vst v0  }
0x18: {  	[tilespmem:s21+$0x7690] =	vst v0  }
0x19: {  	[spmem:s5] =	stream.linear.scatter [tilespmem:s15], [sflag:$0x2], $0x2000, $0x38;
	[tilespmem:$0x13680] =	vst v63  }
0x1a: {  	_ =	swait.ge [sflag:s16], $0x2000  }
0x1b: {  	[sflag:s16] =	ssyncset.done $0x0  }
0x1c: {  	[sflag:s16] =	ssyncadd.s32 $0xFFFFE000  }
0x1d: {  	[spmem:s6] =	stream.linear.scatter [tilespmem:s15], [sflag:$0x2], $0x2000, $0x38;
	[tilespmem:$0x13680] =	vst v63  }
0x1e: {  	_ =	swait.ge [sflag:s16], $0x2000  }
0x1f: {  	[sflag:s16] =	ssyncset.done $0x0  }
0x20: {  	[sflag:s16] =	ssyncadd.s32 $0xFFFFE000  }
0x21: {  	[spmem:s7] =	stream.linear.scatter [tilespmem:s15], [sflag:$0x2], $0x2000, $0x38;
	[tilespmem:$0x13680] =	vst v63  }
0x22: {  	_ =	swait.ge [sflag:s16], $0x2000  }
0x23: {  	[sflag:s16] =	ssyncset.done $0x0  }
0x24: {  	[sflag:s16] =	ssyncadd.s32 $0xFFFFE000  }
0x25: {  	[spmem:s8] =	stream.linear.scatter [tilespmem:s15], [sflag:$0x2], $0x2000, $0x38;
	[tilespmem:$0x13680] =	vst v63  }
0x26: {  	_ =	swait.ge [sflag:s16], $0x2000  }
0x27: {  	[sflag:s16] =	ssyncset.done $0x0  }
0x28: {  	[sflag:s16] =	ssyncadd.s32 $0xFFFFE000  }
0x29: {  	[spmem:s9] =	stream.linear.scatter [tilespmem:s15], [sflag:$0x2], $0x2000, $0x38;
	[tilespmem:$0x13680] =	vst v63  }
0x2a: {  	_ =	swait.ge [sflag:s16], $0x2000  }
0x2b: {  	[sflag:s16] =	ssyncset.done $0x0  }
0x2c: {  	[sflag:s16] =	ssyncadd.s32 $0xFFFFE000  }
0x2d: {  	s21 =	simm.s32 $0x0;
	[bflag:$0x0] =	sbarrier.arrive $0xFFFF  }
0x2e: {  	[tilespmem:s21], [sflag:$0x2] =	stream.linear.gather [hbm4b:s10+s21], $0x2780, $0x38;
	[tilespmem:$0x13680] =	vst v63  }
0x2f: {  	_ =	swait.ge [sflag:s16], $0x2780  }
0x30: {  	[sflag:s16] =	ssyncset.done $0x0  }
0x31: {  	s1 =	simm.s32 $0x2780;
	[sflag:s16] =	ssyncadd.s32 $0xFFFFD880  }
0x32: {  	[tilespmem:s1], [sflag:$0x2] =	stream.linear.gather [hbm4b:s11+s21], $0x2780, $0x38;
	[tilespmem:$0x13680] =	vst v63  }
0x33: {  	_ =	swait.ge [sflag:s16], $0x2780  }
0x34: {  	[sflag:s16] =	ssyncset.done $0x0  }
0x35: {  	[sflag:s16] =	ssyncadd.s32 $0xFFFFD880  }
0x36: {  	[tilespmem:s18], [sflag:$0x2] =	stream.linear.gather [hbm4b:s12+s21], $0x2780, $0x38;
	[tilespmem:$0x13680] =	vst v63  }
0x37: {  	_ =	swait.ge [sflag:s16], $0x2780  }
0x38: {  	[sflag:s16] =	ssyncset.done $0x0  }
0x39: {  	s22 =	simm.s32 $0x0;
	[sflag:s16] =	ssyncadd.s32 $0xFFFFD880  }
.LBB2_4:
0x3a: {  	s25 =	sadd.s32 $0x0, s21  }
0x3b: {  	v2 =	vmov s25  }
0x3c: {  	v2 =	vshrl.u32 v2, $0x3  }
0x3d: {  	v2 =	vshll.u32 v2, v1  }
0x3e: {  	s23 =	sshll.u32 s22, $0x7;
	v3 =	vbroadcast v2, $0x0  }
0x3f: {  	[tilespmem:s15], [sflag:$0x1] =	stream.indirect.gather [hbm4b:s4+s19], $0x40, s23, s19, $0xb8;
	[tilespmem:$0x13680] =	vst v63  }
0x40: {  	_ =	swait.ge [sflag:s20], $0x2000  }
0x41: {  	[sflag:s20] =	ssyncset.done $0x0  }
0x42: {  	s24 =	simm.s32 $0x7880;
	[sflag:s20] =	ssyncadd.s32 $0xFFFFE000  }
0x43: {  	v4 =	vld [tilespmem:s24+$0xFFFFFE30]  }
0x44: {  	v3 =	vld.idx.msk [tilespmem:v3+s18+$0x0], $0xffff  }
0x45: {  	v5 =	vld [tilespmem:s24+$0xFFFFFE00]  }
0x46: {  	v6 =	vld [tilespmem:s24+$0xFFFFFE10]  }
0x47: {  	v7 =	vld [tilespmem:s24+$0xFFFFFE20]  }
0x48: {  	v8 =	vadd.s32 $0x1, v2  }
0x49: {  	v8 =	vbroadcast v8, $0x0;
	v4 =	vmul.f32 v4, v3  }
0x4a: {  	v5 =	vmul.f32 v5, v3  }
0x4b: {  	v6 =	vmul.f32 v6, v3;
	[tilespmem:s24+$0xFFFFFE30] =	vst v4  }
0x4c: {  	v3 =	vmul.f32 v7, v3;
	[tilespmem:s24+$0xFFFFFE00] =	vst v5  }
0x4d: {  	[tilespmem:s24+$0xFFFFFE10] =	vst v6  }
0x4e: {  	[tilespmem:s24+$0xFFFFFE20] =	vst v3;
	v4 =	vld [tilespmem:s24+$0xFFFFFE40]  }
0x4f: {  	v3 =	vld.idx.msk [tilespmem:v8+s18+$0x0], $0xffff  }
0x50: {  	v5 =	vld [tilespmem:s24+$0xFFFFFE50]  }
0x51: {  	v6 =	vld [tilespmem:s24+$0xFFFFFE70]  }
0x52: {  	v7 =	vld [tilespmem:s24+$0xFFFFFE60]  }
0x53: {  	v8 =	vadd.s32 $0x2, v2  }
0x54: {  	v8 =	vbroadcast v8, $0x0;
	v4 =	vmul.f32 v4, v3  }
0x55: {  	v5 =	vmul.f32 v5, v3  }
0x56: {  	v6 =	vmul.f32 v6, v3;
	[tilespmem:s24+$0xFFFFFE40] =	vst v4  }
0x57: {  	v3 =	vmul.f32 v7, v3;
	[tilespmem:s24+$0xFFFFFE50] =	vst v5  }
0x58: {  	[tilespmem:s24+$0xFFFFFE70] =	vst v6  }
0x59: {  	[tilespmem:s24+$0xFFFFFE60] =	vst v3;
	v4 =	vld [tilespmem:s24+$0xFFFFFE80]  }
0x5a: {  	v3 =	vld.idx.msk [tilespmem:v8+s18+$0x0], $0xffff  }
0x5b: {  	v5 =	vld [tilespmem:s24+$0xFFFFFE90]  }
0x5c: {  	v6 =	vld [tilespmem:s24+$0xFFFFFEB0]  }
0x5d: {  	v7 =	vld [tilespmem:s24+$0xFFFFFEA0]  }
0x5e: {  	v8 =	vadd.s32 $0x3, v2  }
0x5f: {  	v8 =	vbroadcast v8, $0x0;
	v4 =	vmul.f32 v4, v3  }
0x60: {  	v5 =	vmul.f32 v5, v3  }
0x61: {  	v6 =	vmul.f32 v6, v3;
	[tilespmem:s24+$0xFFFFFE80] =	vst v4  }
0x62: {  	v3 =	vmul.f32 v7, v3;
	[tilespmem:s24+$0xFFFFFE90] =	vst v5  }
0x63: {  	[tilespmem:s24+$0xFFFFFEB0] =	vst v6  }
0x64: {  	[tilespmem:s24+$0xFFFFFEA0] =	vst v3;
	v4 =	vld [tilespmem:s24+$0xFFFFFEC0]  }
0x65: {  	v3 =	vld.idx.msk [tilespmem:v8+s18+$0x0], $0xffff  }
0x66: {  	v5 =	vld [tilespmem:s24+$0xFFFFFEE0]  }
0x67: {  	v6 =	vld [tilespmem:s24+$0xFFFFFED0]  }
0x68: {  	v7 =	vld [tilespmem:s24+$0xFFFFFEF0]  }
0x69: {  	v8 =	vadd.s32 $0x4, v2  }
0x6a: {  	v8 =	vbroadcast v8, $0x0;
	v4 =	vmul.f32 v4, v3  }
0x6b: {  	v5 =	vmul.f32 v5, v3  }
0x6c: {  	v6 =	vmul.f32 v6, v3;
	[tilespmem:s24+$0xFFFFFEC0] =	vst v4  }
0x6d: {  	v3 =	vmul.f32 v7, v3;
	[tilespmem:s24+$0xFFFFFEE0] =	vst v5  }
0x6e: {  	[tilespmem:s24+$0xFFFFFED0] =	vst v6  }
0x6f: {  	[tilespmem:s24+$0xFFFFFEF0] =	vst v3;
	v4 =	vld [tilespmem:s24+$0xFFFFFF00]  }
0x70: {  	v3 =	vld.idx.msk [tilespmem:v8+s18+$0x0], $0xffff  }
0x71: {  	v5 =	vld [tilespmem:s24+$0xFFFFFF30]  }
0x72: {  	v6 =	vld [tilespmem:s24+$0xFFFFFF10]  }
0x73: {  	v7 =	vld [tilespmem:s24+$0xFFFFFF20]  }
0x74: {  	v8 =	vadd.s32 $0x5, v2  }
0x75: {  	v8 =	vbroadcast v8, $0x0;
	v4 =	vmul.f32 v4, v3  }
0x76: {  	v5 =	vmul.f32 v5, v3  }
0x77: {  	v6 =	vmul.f32 v6, v3;
	[tilespmem:s24+$0xFFFFFF00] =	vst v4  }
0x78: {  	v3 =	vmul.f32 v7, v3;
	[tilespmem:s24+$0xFFFFFF30] =	vst v5  }
0x79: {  	[tilespmem:s24+$0xFFFFFF10] =	vst v6  }
0x7a: {  	[tilespmem:s24+$0xFFFFFF20] =	vst v3;
	v4 =	vld [tilespmem:s24+$0xFFFFFF40]  }
0x7b: {  	v3 =	vld.idx.msk [tilespmem:v8+s18+$0x0], $0xffff  }
0x7c: {  	v5 =	vld [tilespmem:s24+$0xFFFFFF50]  }
0x7d: {  	v6 =	vld [tilespmem:s24+$0xFFFFFF70]  }
0x7e: {  	v7 =	vld [tilespmem:s24+$0xFFFFFF60]  }
0x7f: {  	v8 =	vadd.s32 $0x6, v2  }
0x80: {  	v8 =	vbroadcast v8, $0x0;
	v4 =	vmul.f32 v4, v3  }
0x81: {  	v5 =	vmul.f32 v5, v3  }
0x82: {  	v6 =	vmul.f32 v6, v3;
	[tilespmem:s24+$0xFFFFFF40] =	vst v4  }
0x83: {  	v3 =	vmul.f32 v7, v3;
	[tilespmem:s24+$0xFFFFFF50] =	vst v5  }
0x84: {  	[tilespmem:s24+$0xFFFFFF70] =	vst v6  }
0x85: {  	[tilespmem:s24+$0xFFFFFF60] =	vst v3;
	v4 =	vld [tilespmem:s24+$0xFFFFFF80]  }
0x86: {  	v3 =	vld.idx.msk [tilespmem:v8+s18+$0x0], $0xffff  }
0x87: {  	v5 =	vld [tilespmem:s24+$0xFFFFFF90]  }
0x88: {  	v6 =	vld [tilespmem:s24+$0xFFFFFFB0]  }
0x89: {  	v7 =	vld [tilespmem:s24+$0xFFFFFFA0]  }
0x8a: {  	v2 =	vadd.s32 $0x7, v2  }
0x8b: {  	v2 =	vbroadcast v2, $0x0;
	v4 =	vmul.f32 v4, v3  }
0x8c: {  	v5 =	vmul.f32 v5, v3  }
0x8d: {  	v6 =	vmul.f32 v6, v3;
	[tilespmem:s24+$0xFFFFFF80] =	vst v4  }
0x8e: {  	v3 =	vmul.f32 v7, v3;
	[tilespmem:s24+$0xFFFFFF90] =	vst v5  }
0x8f: {  	[tilespmem:s24+$0xFFFFFFB0] =	vst v6  }
0x90: {  	[tilespmem:s24+$0xFFFFFFA0] =	vst v3;
	v3 =	vld [tilespmem:s24+$0xFFFFFFC0]  }
0x91: {  	v2 =	vld.idx.msk [tilespmem:v2+s18+$0x0], $0xffff  }
0x92: {  	s26 =	sadd.s32 $0x8, s25;
	v4 =	vld [tilespmem:s24+$0xFFFFFFE0]  }
0x93: {  	v5 =	vmov s26;
	v6 =	vld [tilespmem:s24+$0xFFFFFFD0]  }
0x94: {  	v7 =	vld [tilespmem:s24+$0xFFFFFFF0];
	v5 =	vshrl.u32 v5, $0x3  }
0x95: {  	v5 =	vshll.u32 v5, v1  }
0x96: {  	v5 =	vbroadcast v5, $0x0;
	v3 =	vmul.f32 v3, v2  }
0x97: {  	v4 =	vmul.f32 v4, v2  }
0x98: {  	v6 =	vmul.f32 v6, v2;
	[tilespmem:s24+$0xFFFFFFC0] =	vst v3  }
0x99: {  	v2 =	vmul.f32 v7, v2;
	[tilespmem:s24+$0xFFFFFFE0] =	vst v4  }
0x9a: {  	[tilespmem:s24+$0xFFFFFFD0] =	vst v6  }
0x9b: {  	[tilespmem:s24+$0xFFFFFFF0] =	vst v2;
	v3 =	vld [tilespmem:s24+$0x0]  }
0x9c: {  	s17 =	sadd.s32 $0x9, s25;
	v2 =	vld.idx.msk [tilespmem:v5+s18+$0x0], $0xffff  }
0x9d: {  	v4 =	vmov s17;
	v5 =	vld [tilespmem:s24+$0x20]  }
0x9e: {  	v6 =	vld [tilespmem:s24+$0x10];
	v4 =	vshrl.u32 v4, $0x3  }
0x9f: {  	v7 =	vld [tilespmem:s24+$0x30];
	v4 =	vshll.u32 v4, v1  }
0xa0: {  	v4 =	vadd.s32 $0x1, v4  }
0xa1: {  	v4 =	vbroadcast v4, $0x0;
	v3 =	vmul.f32 v3, v2  }
0xa2: {  	v5 =	vmul.f32 v5, v2  }
0xa3: {  	v6 =	vmul.f32 v6, v2;
	[tilespmem:s24+$0x0] =	vst v3  }
0xa4: {  	v2 =	vmul.f32 v7, v2;
	[tilespmem:s24+$0x20] =	vst v5  }
0xa5: {  	[tilespmem:s24+$0x10] =	vst v6  }
0xa6: {  	[tilespmem:s24+$0x30] =	vst v2;
	v3 =	vld [tilespmem:s24+$0x40]  }
0xa7: {  	s28 =	sadd.s32 $0xA, s25;
	v2 =	vld.idx.msk [tilespmem:v4+s18+$0x0], $0xffff  }
0xa8: {  	v5 =	vld [tilespmem:s24+$0x50];
	v4 =	vmov s28  }
0xa9: {  	v6 =	vld [tilespmem:s24+$0x70];
	v4 =	vshrl.u32 v4, $0x3  }
0xaa: {  	v7 =	vld [tilespmem:s24+$0x60];
	v4 =	vshll.u32 v4, v1  }
0xab: {  	v4 =	vadd.s32 $0x2, v4  }
0xac: {  	v4 =	vbroadcast v4, $0x0;
	v3 =	vmul.f32 v3, v2  }
0xad: {  	v5 =	vmul.f32 v5, v2  }
0xae: {  	v6 =	vmul.f32 v6, v2;
	[tilespmem:s24+$0x40] =	vst v3  }
0xaf: {  	v2 =	vmul.f32 v7, v2;
	[tilespmem:s24+$0x50] =	vst v5  }
0xb0: {  	[tilespmem:s24+$0x70] =	vst v6  }
0xb1: {  	[tilespmem:s24+$0x60] =	vst v2;
	v3 =	vld [tilespmem:s24+$0x80]  }
0xb2: {  	s29 =	sadd.s32 $0xB, s25;
	v2 =	vld.idx.msk [tilespmem:v4+s18+$0x0], $0xffff  }
0xb3: {  	v5 =	vmov s29;
	v4 =	vld [tilespmem:s24+$0x90]  }
0xb4: {  	v6 =	vld [tilespmem:s24+$0xB0];
	v5 =	vshrl.u32 v5, $0x3  }
0xb5: {  	v7 =	vld [tilespmem:s24+$0xA0];
	v5 =	vshll.u32 v5, v1  }
0xb6: {  	v5 =	vadd.s32 $0x3, v5  }
0xb7: {  	v5 =	vbroadcast v5, $0x0;
	v3 =	vmul.f32 v3, v2  }
0xb8: {  	v4 =	vmul.f32 v4, v2  }
0xb9: {  	v6 =	vmul.f32 v6, v2;
	[tilespmem:s24+$0x80] =	vst v3  }
0xba: {  	v2 =	vmul.f32 v7, v2;
	[tilespmem:s24+$0x90] =	vst v4  }
0xbb: {  	[tilespmem:s24+$0xB0] =	vst v6  }
0xbc: {  	[tilespmem:s24+$0xA0] =	vst v2;
	v2 =	vld [tilespmem:s24+$0xC0]  }
0xbd: {  	s30 =	sadd.s32 $0xC, s25;
	v5 =	vld.idx.msk [tilespmem:v5+s18+$0x0], $0xffff  }
0xbe: {  	v3 =	vmov s30;
	v4 =	vld [tilespmem:s24+$0xE0]  }
0xbf: {  	v6 =	vld [tilespmem:s24+$0xF0];
	v3 =	vshrl.u32 v3, $0x3  }
0xc0: {  	s31 =	sadd.s32 $0xD, s25;
	s28 =	sadd.s32 $0xE, s25;
	v3 =	vshll.u32 v3, v1  }
0xc1: {  	v10 =	vld [tilespmem:s24+$0xD0];
	v8 =	vmov s28;
	v7 =	vmov s31;
	v9 =	vadd.s32 $0x4, v3  }
0xc2: {  	s25 =	sadd.s32 $0xF, s25;
	v3 =	vshrl.u32 v7, $0x3;
	v7 =	vshrl.u32 v8, $0x3;
	v2 =	vmul.f32 v2, v5  }
0xc3: {  	v8 =	vmov s25;
	v3 =	vshll.u32 v3, v1;
	v11 =	vmul.f32 v4, v5  }
0xc4: {  	v7 =	vshll.u32 v7, v1;
	v8 =	vshrl.u32 v8, $0x3;
	v12 =	vmul.f32 v6, v5;
	[tilespmem:s24+$0xC0] =	vst v2  }
0xc5: {  	v4 =	vadd.s32 $0x5, v3;
	v3 =	vadd.s32 $0x6, v7;
	v2 =	vshll.u32 v8, v1;
	[tilespmem:s24+$0xE0] =	vst v11  }
0xc6: {  	s26 =	simm.s32 $0x7880;
	s25 =	simm.s32 $0x10;
	v6 =	vmul.f32 v10, v5;
	v5 =	vbroadcast v9, $0x0;
	[tilespmem:s24+$0xF0] =	vst v12;
	v2 =	vadd.s32 $0x7, v2  }
.LBB2_5:
0xc7: {  	p0 =	sne.s32 s25, $0x70  }
0xc8: {  	[tilespmem:s24+$0xD0] =	vst v6;
	s26 =	sadd.s32 $0x400, s26;
	s28 =	smov.u32 s25;
	s25 =	sadd.s32 $0x10, s25  }
0xc9: {  	_ =	sdelay $0x1  }
0xca: {  	v6 =	vld [tilespmem:s24+$0x130]  }
0xcb: {  	v7 =	vld [tilespmem:s24+$0x110]  }
0xcc: {  	v5 =	vld.idx.msk [tilespmem:v5+s18+$0x0], $0xffff  }
0xcd: {  	v8 =	vld [tilespmem:s24+$0x100]  }
0xce: {  	v9 =	vld [tilespmem:s24+$0x120];
	_ =	sdelay $0x2  }
0xcf: {  	v4 =	vbroadcast v4, $0x0  }
0xd0: {  	v6 =	vmul.f32 v6, v5;
	v8 =	vmul.f32 v8, v5  }
0xd1: {  	v7 =	vmul.f32 v7, v5;
	v5 =	vmul.f32 v9, v5  }
0xd2: {  	[tilespmem:s24+$0x130] =	vst v6  }
0xd3: {  	[tilespmem:s24+$0x100] =	vst v8  }
0xd4: {  	[tilespmem:s24+$0x110] =	vst v7;
	v6 =	vld [tilespmem:s24+$0x140]  }
0xd5: {  	[tilespmem:s24+$0x120] =	vst v5;
	v5 =	vld [tilespmem:s24+$0x170]  }
0xd6: {  	v4 =	vld.idx.msk [tilespmem:v4+s18+$0x0], $0xffff  }
0xd7: {  	v7 =	vld [tilespmem:s24+$0x150]  }
0xd8: {  	v8 =	vld [tilespmem:s24+$0x160];
	_ =	sdelay $0x2  }
0xd9: {  	v3 =	vbroadcast v3, $0x0  }
0xda: {  	v6 =	vmul.f32 v6, v4;
	v7 =	vmul.f32 v7, v4  }
0xdb: {  	v8 =	vmul.f32 v8, v4;
	v4 =	vmul.f32 v5, v4  }
0xdc: {  	[tilespmem:s24+$0x140] =	vst v6  }
0xdd: {  	[tilespmem:s24+$0x150] =	vst v7  }
0xde: {  	[tilespmem:s24+$0x170] =	vst v4;
	v4 =	vld [tilespmem:s24+$0x180]  }
0xdf: {  	[tilespmem:s24+$0x160] =	vst v8;
	v5 =	vld [tilespmem:s24+$0x1B0]  }
0xe0: {  	v3 =	vld.idx.msk [tilespmem:v3+s18+$0x0], $0xffff  }
0xe1: {  	v6 =	vld [tilespmem:s24+$0x190]  }
0xe2: {  	v7 =	vld [tilespmem:s24+$0x1A0];
	_ =	sdelay $0x2  }
0xe3: {  	v2 =	vbroadcast v2, $0x0  }
0xe4: {  	v4 =	vmul.f32 v4, v3;
	v6 =	vmul.f32 v6, v3  }
0xe5: {  	v7 =	vmul.f32 v7, v3;
	v3 =	vmul.f32 v5, v3  }
0xe6: {  	[tilespmem:s24+$0x180] =	vst v4  }
0xe7: {  	[tilespmem:s24+$0x190] =	vst v6  }
0xe8: {  	[tilespmem:s24+$0x1B0] =	vst v3  }
0xe9: {  	[tilespmem:s24+$0x1A0] =	vst v7;
	v3 =	vld [tilespmem:s24+$0x1F0]  }
0xea: {  	v2 =	vld.idx.msk [tilespmem:v2+s18+$0x0], $0xffff  }
0xeb: {  	v4 =	vld [tilespmem:s24+$0x1C0]  }
0xec: {  	s28 =	sadd.s32 s28, s21;
	v5 =	vld [tilespmem:s24+$0x1D0]  }
0xed: {  	s29 =	sadd.s32 $0x8, s28;
	s30 =	sadd.s32 $0x9, s28;
	s31 =	sadd.s32 $0xA, s28;
	v6 =	vmov s28;
	v7 =	vld [tilespmem:s24+$0x1E0]  }
0xee: {  	s1 =	sadd.s32 $0xD, s28;
	v9 =	vmov s30;
	s30 =	sadd.s32 $0xC, s28;
	v8 =	vmov s29;
	s29 =	sadd.s32 $0xB, s28;
	v6 =	vshrl.u32 v6, $0x3  }
0xef: {  	s17 =	sadd.s32 $0xE, s28;
	s28 =	sadd.s32 $0xF, s28;
	v14 =	vshll.u32 v6, v1;
	v6 =	vshrl.u32 v8, $0x3;
	v8 =	vshrl.u32 v9, $0x3  }
0xf0: {  	v15 =	vbroadcast v14, $0x0;
	v16 =	vadd.s32 $0x1, v14;
	v4 =	vmul.f32 v4, v2  }
0xf1: {  	v17 =	vadd.s32 $0x3, v14;
	v3 =	vmul.f32 v3, v2;
	v5 =	vmul.f32 v5, v2  }
0xf2: {  	v13 =	vadd.s32 $0x4, v14;
	v12 =	vadd.s32 $0x5, v14;
	[tilespmem:s24+$0x1C0] =	vst v4;
	v2 =	vmul.f32 v7, v2  }
0xf3: {  	v11 =	vadd.s32 $0x6, v14;
	v10 =	vadd.s32 $0x7, v14;
	v9 =	vshll.u32 v6, v1;
	[tilespmem:s24+$0x1F0] =	vst v3  }
0xf4: {  	v6 =	vmov s29;
	v4 =	vmov s31;
	v3 =	vshll.u32 v8, v1;
	v18 =	vld [tilespmem:s26+$0xFFFFFE20];
	[tilespmem:s24+$0x1D0] =	vst v5  }
0xf5: {  	v8 =	vadd.s32 $0x1, v3;
	v3 =	vshrl.u32 v4, $0x3;
	v4 =	vshrl.u32 v6, $0x3;
	v19 =	vld [tilespmem:s26+$0xFFFFFE30];
	[tilespmem:s24+$0x1E0] =	vst v2;
	s24 =	smov.u32 s26  }
0xf6: {  	v5 =	vmov s30;
	v3 =	vshll.u32 v3, v1;
	v4 =	vshll.u32 v4, v1;
	v2 =	vld.idx.msk [tilespmem:v15+s18+$0x0], $0xffff  }
0xf7: {  	v7 =	vadd.s32 $0x2, v3;
	v6 =	vadd.s32 $0x3, v4;
	v3 =	vshrl.u32 v5, $0x3;
	v15 =	vld [tilespmem:s26+$0xFFFFFE00]  }
0xf8: {  	v21 =	vmov s17;
	v4 =	vmov s1;
	v3 =	vshll.u32 v3, v1;
	v20 =	vld [tilespmem:s26+$0xFFFFFE10]  }
0xf9: {  	v5 =	vadd.s32 $0x4, v3;
	v3 =	vshrl.u32 v4, $0x3;
	v4 =	vshrl.u32 v21, $0x3  }
0xfa: {  	v22 =	vmov s28;
	v3 =	vshll.u32 v3, v1;
	v21 =	vshll.u32 v4, v1  }
0xfb: {  	v16 =	vbroadcast v16, $0x0;
	v4 =	vadd.s32 $0x5, v3;
	v3 =	vadd.s32 $0x6, v21  }
0xfc: {  	v21 =	vshrl.u32 v22, $0x3;
	v19 =	vmul.f32 v19, v2;
	v15 =	vmul.f32 v15, v2  }
0xfd: {  	v18 =	vmul.f32 v18, v2;
	v20 =	vmul.f32 v20, v2;
	v2 =	vshll.u32 v21, v1  }
0xfe: {  	[tilespmem:s26+$0xFFFFFE30] =	vst v19;
	v2 =	vadd.s32 $0x7, v2  }
0xff: {  	[tilespmem:s26+$0xFFFFFE00] =	vst v15  }
0x100: {  	[tilespmem:s26+$0xFFFFFE10] =	vst v20;
	v15 =	vld [tilespmem:s26+$0xFFFFFE70]  }
0x101: {  	[tilespmem:s26+$0xFFFFFE20] =	vst v18;
	v18 =	vld [tilespmem:s26+$0xFFFFFE50]  }
0x102: {  	v16 =	vld.idx.msk [tilespmem:v16+s18+$0x0], $0xffff  }
0x103: {  	v19 =	vld [tilespmem:s26+$0xFFFFFE40]  }
0x104: {  	v20 =	vld [tilespmem:s26+$0xFFFFFE60];
	_ =	sdelay $0x1  }
0x105: {  	v14 =	vadd.s32 $0x2, v14  }
0x106: {  	v14 =	vbroadcast v14, $0x0  }
0x107: {  	v18 =	vmul.f32 v18, v16;
	v19 =	vmul.f32 v19, v16  }
0x108: {  	v15 =	vmul.f32 v15, v16;
	v20 =	vmul.f32 v20, v16  }
0x109: {  	[tilespmem:s26+$0xFFFFFE40] =	vst v19  }
0x10a: {  	[tilespmem:s26+$0xFFFFFE50] =	vst v18  }
0x10b: {  	[tilespmem:s26+$0xFFFFFE70] =	vst v15;
	v15 =	vld [tilespmem:s26+$0xFFFFFEB0]  }
0x10c: {  	[tilespmem:s26+$0xFFFFFE60] =	vst v20;
	v16 =	vld [tilespmem:s26+$0xFFFFFE90]  }
0x10d: {  	v14 =	vld.idx.msk [tilespmem:v14+s18+$0x0], $0xffff  }
0x10e: {  	v18 =	vld [tilespmem:s26+$0xFFFFFE80]  }
0x10f: {  	v19 =	vld [tilespmem:s26+$0xFFFFFEA0];
	_ =	sdelay $0x2  }
0x110: {  	v17 =	vbroadcast v17, $0x0  }
0x111: {  	v16 =	vmul.f32 v16, v14;
	v18 =	vmul.f32 v18, v14  }
0x112: {  	v19 =	vmul.f32 v19, v14;
	v14 =	vmul.f32 v15, v14  }
0x113: {  	[tilespmem:s26+$0xFFFFFE80] =	vst v18  }
0x114: {  	[tilespmem:s26+$0xFFFFFE90] =	vst v16  }
0x115: {  	[tilespmem:s26+$0xFFFFFEB0] =	vst v14;
	v14 =	vld [tilespmem:s26+$0xFFFFFEF0]  }
0x116: {  	[tilespmem:s26+$0xFFFFFEA0] =	vst v19;
	v15 =	vld [tilespmem:s26+$0xFFFFFED0]  }
0x117: {  	v16 =	vld.idx.msk [tilespmem:v17+s18+$0x0], $0xffff  }
0x118: {  	v17 =	vld [tilespmem:s26+$0xFFFFFEC0]  }
0x119: {  	v18 =	vld [tilespmem:s26+$0xFFFFFEE0];
	_ =	sdelay $0x2  }
0x11a: {  	v13 =	vbroadcast v13, $0x0  }
0x11b: {  	v15 =	vmul.f32 v15, v16;
	v17 =	vmul.f32 v17, v16  }
0x11c: {  	v14 =	vmul.f32 v14, v16;
	v18 =	vmul.f32 v18, v16  }
0x11d: {  	[tilespmem:s26+$0xFFFFFEC0] =	vst v17  }
0x11e: {  	[tilespmem:s26+$0xFFFFFEE0] =	vst v18  }
0x11f: {  	[tilespmem:s26+$0xFFFFFED0] =	vst v15;
	v15 =	vld [tilespmem:s26+$0xFFFFFF30]  }
0x120: {  	[tilespmem:s26+$0xFFFFFEF0] =	vst v14;
	v14 =	vld [tilespmem:s26+$0xFFFFFF10]  }
0x121: {  	v13 =	vld.idx.msk [tilespmem:v13+s18+$0x0], $0xffff  }
0x122: {  	v16 =	vld [tilespmem:s26+$0xFFFFFF00]  }
0x123: {  	v17 =	vld [tilespmem:s26+$0xFFFFFF20];
	_ =	sdelay $0x2  }
0x124: {  	v12 =	vbroadcast v12, $0x0  }
0x125: {  	v14 =	vmul.f32 v14, v13;
	v16 =	vmul.f32 v16, v13  }
0x126: {  	v17 =	vmul.f32 v17, v13;
	v13 =	vmul.f32 v15, v13  }
0x127: {  	[tilespmem:s26+$0xFFFFFF00] =	vst v16  }
0x128: {  	[tilespmem:s26+$0xFFFFFF30] =	vst v13  }
0x129: {  	[tilespmem:s26+$0xFFFFFF10] =	vst v14;
	v13 =	vld [tilespmem:s26+$0xFFFFFF70]  }
0x12a: {  	[tilespmem:s26+$0xFFFFFF20] =	vst v17;
	v14 =	vld [tilespmem:s26+$0xFFFFFF50]  }
0x12b: {  	v12 =	vld.idx.msk [tilespmem:v12+s18+$0x0], $0xffff  }
0x12c: {  	v15 =	vld [tilespmem:s26+$0xFFFFFF40]  }
0x12d: {  	v16 =	vld [tilespmem:s26+$0xFFFFFF60];
	_ =	sdelay $0x2  }
0x12e: {  	v11 =	vbroadcast v11, $0x0  }
0x12f: {  	v14 =	vmul.f32 v14, v12;
	v15 =	vmul.f32 v15, v12  }
0x130: {  	v16 =	vmul.f32 v16, v12;
	v12 =	vmul.f32 v13, v12  }
0x131: {  	[tilespmem:s26+$0xFFFFFF40] =	vst v15  }
0x132: {  	[tilespmem:s26+$0xFFFFFF50] =	vst v14  }
0x133: {  	[tilespmem:s26+$0xFFFFFF70] =	vst v12;
	v12 =	vld [tilespmem:s26+$0xFFFFFFB0]  }
0x134: {  	[tilespmem:s26+$0xFFFFFF60] =	vst v16;
	v13 =	vld [tilespmem:s26+$0xFFFFFF90]  }
0x135: {  	v11 =	vld.idx.msk [tilespmem:v11+s18+$0x0], $0xffff  }
0x136: {  	v14 =	vld [tilespmem:s26+$0xFFFFFF80]  }
0x137: {  	v15 =	vld [tilespmem:s26+$0xFFFFFFA0];
	_ =	sdelay $0x2  }
0x138: {  	v10 =	vbroadcast v10, $0x0  }
0x139: {  	v13 =	vmul.f32 v13, v11;
	v14 =	vmul.f32 v14, v11  }
0x13a: {  	v15 =	vmul.f32 v15, v11;
	v11 =	vmul.f32 v12, v11  }
0x13b: {  	[tilespmem:s26+$0xFFFFFF80] =	vst v14  }
0x13c: {  	[tilespmem:s26+$0xFFFFFF90] =	vst v13  }
0x13d: {  	[tilespmem:s26+$0xFFFFFFB0] =	vst v11;
	v11 =	vld [tilespmem:s26+$0xFFFFFFF0]  }
0x13e: {  	[tilespmem:s26+$0xFFFFFFA0] =	vst v15;
	v12 =	vld [tilespmem:s26+$0xFFFFFFD0]  }
0x13f: {  	v10 =	vld.idx.msk [tilespmem:v10+s18+$0x0], $0xffff  }
0x140: {  	v13 =	vld [tilespmem:s26+$0xFFFFFFC0]  }
0x141: {  	v14 =	vld [tilespmem:s26+$0xFFFFFFE0];
	_ =	sdelay $0x2  }
0x142: {  	v9 =	vbroadcast v9, $0x0  }
0x143: {  	v12 =	vmul.f32 v12, v10;
	v13 =	vmul.f32 v13, v10  }
0x144: {  	v14 =	vmul.f32 v14, v10;
	v10 =	vmul.f32 v11, v10  }
0x145: {  	[tilespmem:s26+$0xFFFFFFC0] =	vst v13  }
0x146: {  	[tilespmem:s26+$0xFFFFFFE0] =	vst v14  }
0x147: {  	[tilespmem:s26+$0xFFFFFFD0] =	vst v12;
	v11 =	vld [tilespmem:s26+$0x30]  }
0x148: {  	[tilespmem:s26+$0xFFFFFFF0] =	vst v10;
	v10 =	vld [tilespmem:s26+$0x10]  }
0x149: {  	v9 =	vld.idx.msk [tilespmem:v9+s18+$0x0], $0xffff  }
0x14a: {  	v12 =	vld [tilespmem:s26+$0x0]  }
0x14b: {  	v13 =	vld [tilespmem:s26+$0x20];
	_ =	sdelay $0x2  }
0x14c: {  	v8 =	vbroadcast v8, $0x0  }
0x14d: {  	v10 =	vmul.f32 v10, v9;
	v12 =	vmul.f32 v12, v9  }
0x14e: {  	v13 =	vmul.f32 v13, v9;
	v9 =	vmul.f32 v11, v9  }
0x14f: {  	[tilespmem:s26+$0x0] =	vst v12  }
0x150: {  	[tilespmem:s26+$0x20] =	vst v13  }
0x151: {  	[tilespmem:s26+$0x10] =	vst v10;
	v10 =	vld [tilespmem:s26+$0x70]  }
0x152: {  	[tilespmem:s26+$0x30] =	vst v9;
	v9 =	vld [tilespmem:s26+$0x50]  }
0x153: {  	v8 =	vld.idx.msk [tilespmem:v8+s18+$0x0], $0xffff  }
0x154: {  	v11 =	vld [tilespmem:s26+$0x40]  }
0x155: {  	v12 =	vld [tilespmem:s26+$0x60];
	_ =	sdelay $0x2  }
0x156: {  	v7 =	vbroadcast v7, $0x0  }
0x157: {  	v9 =	vmul.f32 v9, v8;
	v11 =	vmul.f32 v11, v8  }
0x158: {  	v12 =	vmul.f32 v12, v8;
	v8 =	vmul.f32 v10, v8  }
0x159: {  	[tilespmem:s26+$0x40] =	vst v11  }
0x15a: {  	[tilespmem:s26+$0x50] =	vst v9  }
0x15b: {  	[tilespmem:s26+$0x70] =	vst v8;
	v8 =	vld [tilespmem:s26+$0xB0]  }
0x15c: {  	[tilespmem:s26+$0x60] =	vst v12;
	v9 =	vld [tilespmem:s26+$0x90]  }
0x15d: {  	v7 =	vld.idx.msk [tilespmem:v7+s18+$0x0], $0xffff  }
0x15e: {  	v10 =	vld [tilespmem:s26+$0x80]  }
0x15f: {  	v11 =	vld [tilespmem:s26+$0xA0];
	_ =	sdelay $0x2  }
0x160: {  	v6 =	vbroadcast v6, $0x0  }
0x161: {  	v9 =	vmul.f32 v9, v7;
	v10 =	vmul.f32 v10, v7  }
0x162: {  	v11 =	vmul.f32 v11, v7;
	v7 =	vmul.f32 v8, v7  }
0x163: {  	[tilespmem:s26+$0x80] =	vst v10  }
0x164: {  	[tilespmem:s26+$0x90] =	vst v9  }
0x165: {  	[tilespmem:s26+$0xB0] =	vst v7;
	v7 =	vld [tilespmem:s26+$0xF0]  }
0x166: {  	[tilespmem:s26+$0xA0] =	vst v11;
	v8 =	vld [tilespmem:s26+$0xC0]  }
0x167: {  	v9 =	vld.idx.msk [tilespmem:v6+s18+$0x0], $0xffff  }
0x168: {  	v6 =	vld [tilespmem:s26+$0xD0]  }
0x169: {  	v10 =	vld [tilespmem:s26+$0xE0];
	_ =	sdelay $0x3  }
.Ltmp1:
0x16a: {  	v8 =	vmul.f32 v8, v9;
	v6 =	vmul.f32 v6, v9;
	(pc) =	sbr.rel @p0 .LBB2_5-.Ltmp1, $4  }
0x16b: {  	v7 =	vmul.f32 v7, v9;
	v10 =	vmul.f32 v10, v9  }
0x16c: {  	[tilespmem:s26+$0xC0] =	vst v8  }
0x16d: {  	[tilespmem:s26+$0xE0] =	vst v10  }
0x16e: {  	v5 =	vbroadcast v5, $0x0;
	[tilespmem:s26+$0xF0] =	vst v7  }
0x16f: {  	_ =	sdelay $0x3  }
0x170: {  	[tilespmem:s24+$0xD0] =	vst v6;
	v52 =	vld [tilespmem:s24+$0x130]  }
0x171: {  	v5 =	vld.idx.msk [tilespmem:v5+s18+$0x0], $0xffff  }
0x172: {  	v7 =	vld [tilespmem:s24+$0x100]  }
0x173: {  	v8 =	vld [tilespmem:s24+$0x110]  }
0x174: {  	v9 =	vld [tilespmem:s24+$0x120];
	_ =	sdelay $0x1  }
0x175: {  	v4 =	vbroadcast v4, $0x0;
	v6 =	vmul.f32 v52, v5  }
0x176: {  	v7 =	vmul.f32 v7, v5  }
0x177: {  	v8 =	vmul.f32 v8, v5;
	[tilespmem:s24+$0x130] =	vst v6  }
0x178: {  	v5 =	vmul.f32 v9, v5;
	[tilespmem:s24+$0x100] =	vst v7  }
0x179: {  	[tilespmem:s24+$0x110] =	vst v8  }
0x17a: {  	v53 =	vld [tilespmem:s24+$0x140];
	[tilespmem:s24+$0x120] =	vst v5  }
0x17b: {  	v4 =	vld.idx.msk [tilespmem:v4+s18+$0x0], $0xffff  }
0x17c: {  	v54 =	vld [tilespmem:s24+$0x150]  }
0x17d: {  	v55 =	vld [tilespmem:s24+$0x170]  }
0x17e: {  	v56 =	vld [tilespmem:s24+$0x160];
	_ =	sdelay $0x1  }
0x17f: {  	v3 =	vbroadcast v3, $0x0;
	v6 =	vmul.f32 v53, v4  }
0x180: {  	v5 =	vmul.f32 v54, v4  }
0x181: {  	v7 =	vmul.f32 v55, v4;
	[tilespmem:s24+$0x140] =	vst v6  }
0x182: {  	v4 =	vmul.f32 v56, v4;
	[tilespmem:s24+$0x150] =	vst v5  }
0x183: {  	[tilespmem:s24+$0x170] =	vst v7  }
0x184: {  	v57 =	vld [tilespmem:s24+$0x180];
	[tilespmem:s24+$0x160] =	vst v4  }
0x185: {  	v3 =	vld.idx.msk [tilespmem:v3+s18+$0x0], $0xffff  }
0x186: {  	v58 =	vld [tilespmem:s24+$0x190]  }
0x187: {  	v59 =	vld [tilespmem:s24+$0x1B0]  }
0x188: {  	v60 =	vld [tilespmem:s24+$0x1A0];
	_ =	sdelay $0x1  }
0x189: {  	v2 =	vbroadcast v2, $0x0;
	v5 =	vmul.f32 v57, v3  }
0x18a: {  	v4 =	vmul.f32 v58, v3  }
0x18b: {  	v6 =	vmul.f32 v59, v3;
	[tilespmem:s24+$0x180] =	vst v5  }
0x18c: {  	v3 =	vmul.f32 v60, v3;
	[tilespmem:s24+$0x190] =	vst v4  }
0x18d: {  	[tilespmem:s24+$0x1B0] =	vst v6  }
0x18e: {  	[tilespmem:s24+$0x1A0] =	vst v3;
	v3 =	vld [tilespmem:s24+$0x1C0]  }
0x18f: {  	v2 =	vld.idx.msk [tilespmem:v2+s18+$0x0], $0xffff  }
0x190: {  	v61 =	vld [tilespmem:s24+$0x1F0]  }
0x191: {  	v62 =	vld [tilespmem:s24+$0x1D0]  }
0x192: {  	v63 =	vld [tilespmem:s24+$0x1E0];
	_ =	sdelay $0x1  }
0x193: {  	v3 =	vmul.f32 v3, v2  }
0x194: {  	v4 =	vmul.f32 v61, v2  }
0x195: {  	v5 =	vmul.f32 v62, v2;
	[tilespmem:s24+$0x1C0] =	vst v3  }
0x196: {  	s22 =	sadd.s32 $0x1, s22;
	v2 =	vmul.f32 v63, v2;
	[tilespmem:s24+$0x1F0] =	vst v4  }
0x197: {  	p0 =	sne.s32 s22, $0x4F;
	[tilespmem:s24+$0x1D0] =	vst v5  }
.Ltmp2:
0x198: {  	s1 =	sadd.s32 $0x2780, s23;
	[tilespmem:s24+$0x1E0] =	vst v2;
	(pc) =	sbr.rel @p0 .LBB2_4-.Ltmp2, $4  }
0x199: {  	[spmem:s2] =	stream.indirect.scatter.add.f32 [tilespmem:s15], [sflag:$0x2], $0x40, s1, s19, $0xb8;
	[tilespmem:$0x13680] =	vst v63  }
0x19a: {  	_ =	swait.ge [sflag:s16], $0x2000  }
0x19b: {  	[sflag:s16] =	ssyncset.done $0x0  }
0x19c: {  	s21 =	sadd.s32 $0x80, s21;
	[sflag:s16] =	ssyncadd.s32 $0xFFFFE000  }
0x19d: {  	s3 =	sadd.s32 $0x1, s3  }
0x19e: {  	s1 =	sshll.u32 s0, $0x6;
	[bflag:$0x0] =	sbarrier.arrive $0xFFFF;
	p0 =	sne.s32 s3, s14  }
.Ltmp3:
0x19f: {  	s17 =	sshrl.u32 s5, $0x3;
	s1 =	sor.u32 $0x1C02, s1;
	(pc) =	sbr.rel @p0 .LBB2_1-.Ltmp3, $4  }
0x1a0: {  	[hbm:s13], [sflag:s1] =	dma.local [spmem:s17], $0x1400  }
0x1a1: {  	_ =	swait.ge [sflag:s16], $0x1400  }
0x1a2: {  	[sflag:s16] =	ssyncset.done $0x0  }
0x1a3: {  	[sflag:s16] =	ssyncadd.s32 $0xFFFFEC00  }
0x1a4: {  	_ =	sfence.sel $0x180000  }
0x1a5: {  	[bflag:$0x0] =	sbarrier.arrive $0xFFFF  }
0x1a6: {  	_ =	strace $0x9000004A  }
0x1a7: {  	[bflag:$0x2] =	sbarrier.arrive $0xFFFF  }
0x1a8: {  	p0 =	sne.s32 s0, $0x0;
	s0 =	rddreg [dreg:$0x2]  }
0x1a9: {  	s0 =	sadd.s32 @!p0 $0x100000, s0  }
0x1aa: {  	[sflag:s0] =	ssyncadd.tile.s32 @!p0 $0x1;
	_ =	shalt  }
.Lfunc_end2:
_tile_overlayer_lowered:
.L_overlay_start_2:
0x1ab: {  	(tag) =	ssettag $0x2  }
0x1ac: {  	s0 =	rddreg [dreg:$0x0];
	s2 =	stileid.u32  }
0x1ad: {  	s1 =	rddreg [dreg:$0x1];
	p0 =	sne.s32 s2, $0x0  }
0x1ae: {  	s3 =	rddreg [dreg:$0x2];
	[bflag:$0x3] =	sbarrier.arrive $0xFFFF;
	s2 =	simm.s32 @!p0 $0x1C02  }
0x1af: {  	[timem:s3], [sflag:s2] =	dma.local @!p0 [hbm:s0], s1  }
0x1b0: {  	s0 =	simm.s32 @!p0 $0x2  }
0x1b1: {  	_ =	swait.ge @!p0 [sflag:s0], s1  }
0x1b2: {  	s1 =	ssub.s32 @!p0 $0x0, s1;
	[sflag:s0] =	ssyncset.done @!p0 $0x0  }
0x1b3: {  	[sflag:s0] =	ssyncadd.s32 @!p0 s1  }
0x1b4: {  	[bflag:$0x3] =	sbarrier.arrive $0xFFFF  }
0x1b5: {  	_ =	shalt  }

// kernel: kernel.14.cloned.1.call-start
scs
__scs_entry_jumppad:
0x0: {  	(pc) =	sbr.rel $0x88, $3  }
0x1: {  	(tag) =	ssettag $0x0;
	lr =	simm.s32 $0x1  }
0x2: {  	[smem:$0x3F9A] =	sst lr;
	_ =	strace $0xD0000000  }
0x3: {  	_ = 	snop  }
0x4: {  	_ = 	snop  }
0x5: {  	_ = 	snop  }
0x6: {  	_ = 	snop  }
0x7: {  	_ = 	snop  }
__scs_overlays_trampoline_lowered:
0x8: {  	[smem:$0x3FA9] =	sst s0  }
0x9: {  	[smem:$0x3FAA] =	sst s1  }
0xa: {  	[smem:$0x3FAB] =	sst s2  }
0xb: {  	[smem:$0x3FAC] =	sst s3  }
0xc: {  	[smem:$0x3FAD] =	sst s4  }
0xd: {  	[smem:$0x3FAE] =	sst s5  }
0xe: {  	[smem:$0x3FAF] =	sst s6  }
0xf: {  	[smem:$0x3FB0] =	sst s7  }
0x10: {  	[smem:$0x3FB1] =	sst s8  }
0x11: {  	[smem:$0x3FB2] =	sst s9;
	s0 =	simm.s32 @!p0 $0x0  }
0x12: {  	s1 =	sld [smem:$0x3F98];
	s0 =	simm.s32 @p0 $0x1  }
0x13: {  	[smem:$0x3FB3] =	sst s0;
	s0 =	simm.s32 @!p1 $0x0  }
0x14: {  	s2 =	sld [smem:$0x3F97];
	s0 =	simm.s32 @p1 $0x1  }
0x15: {  	[smem:$0x3FB4] =	sst s0;
	s0 =	simm.s32 @!p2 $0x0  }
0x16: {  	s3 =	sld [smem:$0x3FDB];
	s0 =	simm.s32 @p2 $0x1  }
0x17: {  	s4 =	simm.s32 $0x1BF5;
	[smem:$0x3FB6] =	sst s0  }
0x18: {  	s0 =	sld [smem:$0x3F99];
	_ =	swait.ge [sflag:s4], $0x0  }
0x19: {  	s7 =	sld [smem:$0x3F9A]  }
0x1a: {  	s8 =	sadd.s32 $0xFFFFE003, lr  }
0x1b: {  	s9 =	sadd.s32 $0xFFFFFEF7, lr;
	s5 =	simm.s32 $0xFFFFFFFF;
	p2 =	slt.u32 s8, $0xFFFFF086  }
0x1c: {  	p1 =	slt.u32 s9, $0xF7A;
	s5 =	simm.s32 @!p2 $0x0  }
0x1d: {  	s5 =	simm.s32 @p1 $0x1;
	p0 =	seq.s32 s7, s2  }
0x1e: {  	s7 =	smul.u32 @!p0 $0xF7A, s2;
	p2 =	seq.s32 @!p0 s5, $0x0  }
0x1f: {  	s9 =	smul.u32 $0xF7A, s1;
	s8 =	simm.s32 @!p0 $0x1BF5;
	p2 =	por !p2, p0  }
0x20: {  	[sflag:s8] =	ssyncset.s32 @!p0 $0xFFFFF086;
	s6 =	sadd.s32 @!p0 s3, s7;
	s7 =	simm.s32 @!p0 $0x108  }
0x21: {  	s3 =	sadd.s32 s3, s9;
	s6 =	sadd.s32 @!p0 $0x88, s6;
	s7 =	simm.s32 @p2 $0x1082  }
0x22: {  	[simem:s7], [sflag:s8] =	dma.local @!p0 [hbm:s6], $0xF7A  }
0x23: {  	s9 =	sor.u32 $0xD0000000, s2;
	s6 =	simm.s32 $0x108;
	_ =	swait.ge @!p0 [sflag:s8], $0x0  }
0x24: {  	s3 =	sadd.s32 $0x88, s3;
	s6 =	simm.s32 @!p1 $0x1082;
	[sflag:s4] =	ssyncset.s32 $0xFFFFF086  }
0x25: {  	[simem:s6], [sflag:s4] =	dma.local [hbm:s3], $0xF7A  }
0x26: {  	[smem:$0x3F9A] =	sst s1;
	(tag) =	ssettag s2;
	_ =	strace s9  }
0x27: {  	s1 =	sld [smem:$0x3FAA]  }
0x28: {  	s2 =	sld [smem:$0x3FAB]  }
0x29: {  	s4 =	sld [smem:$0x3FAD]  }
0x2a: {  	p0 =	seq.s32 s5, $0x0;
	s5 =	sld [smem:$0x3FAE]  }
0x2b: {  	s6 =	sld [smem:$0x3FAF]  }
0x2c: {  	s7 =	sld [smem:$0x3FB0]  }
0x2d: {  	s3 =	simm.s32 $0x108;
	s8 =	sld [smem:$0x3FB1]  }
0x2e: {  	s3 =	simm.s32 @!p0 $0x1082;
	s9 =	sld [smem:$0x3FB2]  }
0x2f: {  	lr =	sadd.s32 s0, s3;
	s0 =	sld [smem:$0x3FA9]  }
0x30: {  	s3 =	sld [smem:$0x3FAC]  }
0x31: {  	[smem:$0x3FB5] =	sst s10  }
0x32: {  	s10 =	sld [smem:$0x3FB3];
	_ =	sdelay $0x3  }
0x33: {  	p0 =	seq.s32 s10, $0x1;
	s10 =	sld [smem:$0x3FB5];
	_ =	sdelay $0x3  }
0x34: {  	[smem:$0x3FB5] =	sst s10  }
0x35: {  	s10 =	sld [smem:$0x3FB4];
	_ =	sdelay $0x3  }
0x36: {  	p1 =	seq.s32 s10, $0x1;
	s10 =	sld [smem:$0x3FB5];
	_ =	sdelay $0x3  }
0x37: {  	[smem:$0x3FB5] =	sst s10  }
0x38: {  	s10 =	sld [smem:$0x3FB6]  }
0x39: {  	_ = 	snop;
	(pc) =	sbr.ind lr, $3  }
0x3a: {  	_ = 	snop  }
0x3b: {  	_ = 	snop  }
0x3c: {  	p2 =	seq.s32 s10, $0x1;
	s10 =	sld [smem:$0x3FB5]  }
0x3d: {  	_ =	shalt  }
0x3e: {  	_ =	shalt  }
0x3f: {  	_ =	shalt  }
0x40: {  	_ =	shalt  }
0x41: {  	_ =	shalt  }
0x42: {  	_ =	shalt  }
0x43: {  	_ =	shalt  }
0x44: {  	_ =	shalt  }
0x45: {  	_ =	shalt  }
0x46: {  	_ =	shalt  }
0x47: {  	_ =	shalt  }
0x48: {  	_ =	shalt  }
0x49: {  	_ =	shalt  }
0x4a: {  	_ =	shalt  }
0x4b: {  	_ =	shalt  }
0x4c: {  	_ =	shalt  }
0x4d: {  	_ =	shalt  }
0x4e: {  	_ =	shalt  }
0x4f: {  	_ =	shalt  }
0x50: {  	_ =	shalt  }
0x51: {  	_ =	shalt  }
0x52: {  	_ =	shalt  }
0x53: {  	_ =	shalt  }
0x54: {  	_ =	shalt  }
0x55: {  	_ =	shalt  }
0x56: {  	_ =	shalt  }
0x57: {  	_ =	shalt  }
0x58: {  	_ =	shalt  }
0x59: {  	_ =	shalt  }
0x5a: {  	_ =	shalt  }
0x5b: {  	_ =	shalt  }
0x5c: {  	_ =	shalt  }
0x5d: {  	_ =	shalt  }
0x5e: {  	_ =	shalt  }
0x5f: {  	_ =	shalt  }
0x60: {  	_ =	shalt  }
0x61: {  	_ =	shalt  }
0x62: {  	_ =	shalt  }
0x63: {  	_ =	shalt  }
0x64: {  	_ =	shalt  }
0x65: {  	_ =	shalt  }
0x66: {  	_ =	shalt  }
0x67: {  	_ =	shalt  }
0x68: {  	_ =	shalt  }
0x69: {  	_ =	shalt  }
0x6a: {  	_ =	shalt  }
0x6b: {  	_ =	shalt  }
0x6c: {  	_ =	shalt  }
0x6d: {  	_ =	shalt  }
0x6e: {  	_ =	shalt  }
0x6f: {  	_ =	shalt  }
0x70: {  	_ =	shalt  }
0x71: {  	_ =	shalt  }
0x72: {  	_ =	shalt  }
0x73: {  	_ =	shalt  }
0x74: {  	_ =	shalt  }
0x75: {  	_ =	shalt  }
0x76: {  	_ =	shalt  }
0x77: {  	_ =	shalt  }
0x78: {  	_ =	shalt  }
0x79: {  	_ =	shalt  }
0x7a: {  	_ =	shalt  }
0x7b: {  	_ =	shalt  }
0x7c: {  	_ =	shalt  }
0x7d: {  	_ =	shalt  }
0x7e: {  	_ =	shalt  }
0x7f: {  	_ =	shalt  }
0x80: {  	_ =	shalt  }
0x81: {  	_ =	shalt  }
0x82: {  	_ =	shalt  }
0x83: {  	_ =	shalt  }
0x84: {  	_ =	shalt  }
0x85: {  	_ =	shalt  }
0x86: {  	_ =	shalt  }
0x87: {  	_ =	shalt  }
.Lfunc_end0:
.L_simem_size_0:
called_computation.2_lowered:
.L_overlay_start_0:
0x88: {  	s2 =	sld [smem:$0x3FD9]  }
0x89: {  	s3 =	sld [smem:$0x3FFE];
	_ =	sdelay $0x1  }
0x8a: {  	s1 =	srdreg.scid  }
0x8b: {  	s0 =	sand.u32 $0x1, s1  }
0x8c: {  	s16 =	sshll.u32 s0, $0xA;
	s2 =	sadd.s32 s3, s2  }
0x8d: {  	s2 =	sadd.s32 s2, s16  }
0x8e: {  	[smem:$0x3FC1] =	sst s2  }
0x8f: {  	_ = 	snop  }
0x90: {  	(tm) =	ssettm $0x1  }
0x91: {  	s17 =	sld [smem:$0x3FFB];
	_ =	sdelay $0x3  }
0x92: {  	_ =	strace s17  }
0x93: {  	s2 =	sld [smem:$0x3FFC];
	_ =	sdelay $0x3  }
0x94: {  	_ =	strace s2  }
0x95: {  	s2 =	sld [smem:$0x3FFD];
	_ =	sdelay $0x3  }
0x96: {  	_ =	strace s2  }
0x97: {  	_ =	strace $0x8FFFFFFF  }
0x98: {  	s18 =	sld [smem:$0x3FDB];
	_ =	sdelay $0x1  }
0x99: {  	s19 =	simm.s32 $_scs_section_size  }
0x9a: {  	s4 =	simm.s32 $_size__tile_overlayer_lowered;
	s5 =	simm.s32 $_tile_overlayer_lowered  }
0x9b: {  	s22 =	simm.s32 $0x1BFF;
	s21 =	sshll.u32 s5, $0x1;
	s2 =	sadd.s32 s19, s18  }
0x9c: {  	s6 =	simm.s32 $0x0;
	s20 =	sshll.u32 s4, $0x1;
	s4 =	sadd.s32 s21, s2  }
0x9d: {  	[timem:s6], [sflag:s22] =	dma.local [hbm:s4], s20  }
0x9e: {  	_ =	swait.ge [sflag:s22], s20  }
0x9f: {  	s3 =	ssub.s32 $0x0, s20;
	[sflag:s22] =	ssyncset.done $0x0  }
0xa0: {  	[sflag:s22] =	ssyncadd.s32 s3;
	_ =	sdelay $0x1  }
0xa1: {  	s23 =	simm.s32 $0x1B8B  }
0xa2: {  	_ =	swait.ge [sflag:s23], $0x1  }
0xa3: {  	[sflag:s23] =	ssyncset.done $0x0  }
0xa4: {  	s25 =	simm.s32 $0x1B8E;
	s24 =	sld [smem:$0x3FFE];
	[sflag:s23] =	ssyncadd.s32 $0xFFFFFFFF  }
0xa5: {  	s26 =	simm.s32 $execute0_lowered;
	[smem:$0x3FD2] =	sst s25  }
0xa6: {  	s4 =	sshll.u32 s26, $0x1;
	_ =	strace $0x8000004C;
	[dreg:$0x1] =	wrdreg $0xFFFFFFFF  }
0xa7: {  	s28 =	simm.s32 $_size_execute0_lowered;
	s2 =	sadd.s32 s2, s4;
	[dreg:$0x0] =	wrdreg $0x0  }
0xa8: {  	s4 =	sshll.u32 s28, $0x1;
	[dreg:$0x2] =	wrdreg s2  }
0xa9: {  	[dreg:$0x3] =	wrdreg s4  }
0xaa: {  	[dreg:$0x4] =	wrdreg $0xC0  }
0xab: {  	_ =	task [dreg:s6], $0x5FFFF  }
0xac: {  	[dreg:$0x1] =	wrdreg $0xFFFFFFFF  }
0xad: {  	[dreg:$0x0] =	wrdreg $0x60  }
0xae: {  	[dreg:$0x2] =	wrdreg s24  }
0xaf: {  	[dreg:$0x3] =	wrdreg $0xEE800  }
0xb0: {  	[dreg:$0x4] =	wrdreg $0x9  }
0xb1: {  	_ =	task.clear_ibuf [dreg:s6], $0x5FFFF;
	_ =	strace $0x9000004C  }
0xb2: {  	s29 =	simm.s32 $0x9;
	_ =	strace $0x8000004E  }
0xb3: {  	_ =	swait.ge [sflag:s29], $0x1  }
0xb4: {  	[sflag:s29] =	ssyncadd.s32 $0xFFFFFFFF  }
0xb5: {  	_ =	strace $0x9000004E  }
0xb6: {  	_ =	sfence  }
0xb7: {  	s30 =	sld [smem:$0x0];
	_ =	sdelay $0x2  }
0xb8: {  	s31 =	sshll.u32 s1, $0xD;
	s1 =	sshrl.u32 s1, $0x2  }
0xb9: {  	s3 =	sand.u32 $0x4000, s31;
	s1 =	sadd.s32 s1, s30  }
0xba: {  	s0 =	sor.u32 s3, s0;
	s1 =	sshll.u32 s1, $0x11  }
0xbb: {  	s0 =	sor.u32 s1, s0  }
0xbc: {  	s0 =	sadd.s32 $0x8F2B, s0  }
0xbd: {  	[sflag:s0] =	ssyncadd.remote.s32 $0x1  }
0xbe: {  	_ =	sfence.sel $0xFFFF  }
0xbf: {  	[dreg:$0x0] =	wrdreg $0xFFFFFFFF;
	(pc) =	sbr.abs _section_cstart, $3  }
0xc0: {  	[dreg:$0x1] =	wrdreg $0xFFFFFFFF  }
0xc1: {  	_ =	task.clear_ibuf [dreg:s6], $0x2FFFF;
	_ =	strace $0x9FFFFFFF  }
0xc2: {  	(tm) =	ssettm $0x7FFFFFFF  }
0xc3: {  	_ =	shalt  }
tec
execute0_lowered:
.L_overlay_start_1:
0x0: {  	(tag) =	ssettag $0x1  }
0x1: {  	s4 =	rddreg [dreg:$0x0]  }
0x2: {  	s0 =	srdreg.scid;
	s8 =	rddreg [dreg:$0x1];
	s2 =	simm.s32 $0x0  }
0x3: {  	s13 =	simm.s32 $0x7700;
	s14 =	simm.s32 $0x2780;
	s15 =	simm.s32 $0x9E80  }
0x4: {  	s16 =	simm.s32 $0x280;
	s3 =	sand.u32 $0x1, s0;
	s0 =	stileid.u32  }
0x5: {  	s17 =	simm.s32 $0x2800;
	s18 =	simm.s32 $0xC680;
	s9 =	smul.u32 $0x280, s0  }
0x6: {  	s19 =	simm.s32 $0x0;
	s1 =	sshll.u32 s3, $0x4;
	s6 =	smul.u32 $0x2800, s3  }
0x7: {  	[smem:$0x7FF] =	sst s2;
	s10 =	smul.u32 $0xA000, s0;
	s1 =	sor.u32 s0, s1  }
0x8: {  	s30 =	ssub.s32 $0x2, s3;
	s3 =	sadd.s32 $0x14C00, s4;
	s5 =	smul.u32 $0x4F0, s1  }
0x9: {  	s31 =	sshrl.u32 s30, $0x1;
	s1 =	rddreg [dreg:$0x2];
	s29 =	sadd.s32 s9, s6  }
0xa: {  	_ =	strace $0x8000004D;
	s7 =	sadd.s32 s5, s4;
	s5 =	sshrl.u32 s29, $0x3  }
0xb: {  	s12 =	ssub.s32 s30, s31;
	s10 =	sshrl.u32 s10, $0x2;
	s11 =	sadd.s32 s5, s4  }
0xc: {  	s4 =	sadd.s32 $0x1000, s7;
	s5 =	sadd.s32 $0xAE00, s7;
	s6 =	sadd.s32 $0x15600, s7  }
0xd: {  	s7 =	sadd.s32 s10, s8;
	s8 =	sadd.s32 s9, s8;
	s10 =	smax.u32 s12, $0x1  }
0xe: {  	v0 =	vimm.f32 $0.0e+00;
	s12 =	simm.s32 $0x1;
	s9 =	sadd.s32 $0x1F400, s11;
	s11 =	simm.s32 $0x4F80  }
.LBB2_1:
0xf: {  	s20 =	simm.s32 $0x40;
	s21 =	simm.s32 $0x0  }
.LBB2_2:
0x10: {  	p0 =	sne.s32 s20, $0x9FC0;
	[tilespmem:s21+$0x9E80] =	vst v0;
	s21 =	smov.u32 s20;
	s20 =	sadd.s32 $0x40, s20  }
.Ltmp0:
0x11: {  	(pc) =	sbr.rel @p0 .LBB2_2-.Ltmp0, $2  }
0x12: {  	_ =	sdelay $0x2  }
0x13: {  	s21 =	sshra.s32 s21, $0x2  }
0x14: {  	[tilespmem:s21+$0x9E80] =	vst v0;
	s20 =	simm.s32 $0x0  }
0x15: {  	[tilespmem:s11], [sflag:$0x1] =	stream.linear.gather [hbm4b:s4+s20], $0x2780, $0x38;
	[tilespmem:$0x11680] =	vst v63  }
0x16: {  	_ =	swait.ge [sflag:s12], $0x2780  }
0x17: {  	[sflag:s12] =	ssyncset.done $0x0  }
0x18: {  	[sflag:s12] =	ssyncadd.s32 $0xFFFFD880  }
0x19: {  	[tilespmem:s13], [sflag:$0x1] =	stream.linear.gather [hbm4b:s5+s20], $0x2780, $0x38;
	[tilespmem:$0x11680] =	vst v63  }
0x1a: {  	_ =	swait.ge [sflag:s12], $0x2780  }
0x1b: {  	[sflag:s12] =	ssyncset.done $0x0  }
0x1c: {  	[sflag:s12] =	ssyncadd.s32 $0xFFFFD880  }
0x1d: {  	[tilespmem:s20], [sflag:$0x1] =	stream.linear.gather [hbm4b:s6+s20], $0x2780, $0x38;
	[tilespmem:$0x11680] =	vst v63  }
0x1e: {  	_ =	swait.ge [sflag:s12], $0x2780  }
0x1f: {  	[sflag:s12] =	ssyncset.done $0x0  }
0x20: {  	[sflag:s12] =	ssyncadd.s32 $0xFFFFD880  }
0x21: {  	[tilespmem:s14], [sflag:$0x1] =	stream.linear.gather [hbm4b:s3+s20], $0x2800, $0x38;
	[tilespmem:$0x11680] =	vst v63  }
0x22: {  	_ =	swait.ge [sflag:s12], $0x2800  }
0x23: {  	[sflag:s12] =	ssyncset.done $0x0  }
0x24: {  	s21 =	simm.s32 $0x0;
	s20 =	simm.s32 $0x40;
	[sflag:s12] =	ssyncadd.s32 $0xFFFFD800  }
.LBB2_4:
0x25: {  	p0 =	sne.s32 s20, $0x9DC0;
	v1 =	vld [tilespmem:s21+$0x0];
	_ =	sdelay $0x6  }
0x26: {  	v2 =	vld [tilespmem:s21+$0x4F80]  }
0x27: {  	v1 =	vld.idx.msk [tilespmem:v1+s14+$0x0], $0xffff  }
0x28: {  	v3 =	vld [tilespmem:s21+$0x7700];
	_ =	sdelay $0x2  }
.Ltmp1:
0x29: {  	(pc) =	sbr.rel @p0 .LBB2_4-.Ltmp1, $3  }
0x2a: {  	_ = 	snop  }
0x2b: {  	v1 =	vmul.f32 v1, v3;
	_ =	sdelay $0x1  }
0x2c: {  	s21 =	sshra.s32 s20, $0x2;
	s20 =	sadd.s32 $0x40, s20;
	[tilespmem:v2+s15+$0x0] =	vst.idx.add.f32.msk $0xffff, v1  }
0x2d: {  	v1 =	vld [tilespmem:s21+$0x0];
	_ =	sdelay $0x5  }
0x2e: {  	v2 =	vld [tilespmem:s21+$0x4F80]  }
0x2f: {  	v3 =	vld [tilespmem:s21+$0x7700]  }
0x30: {  	v1 =	vld.idx.msk [tilespmem:v1+s14+$0x0], $0xffff;
	_ =	sdelay $0x4  }
0x31: {  	v1 =	vmul.f32 v1, v3;
	_ =	sdelay $0x1  }
0x32: {  	[tilespmem:v2+s15+$0x0] =	vst.idx.add.f32.msk $0xffff, v1  }
0x33: {  	[spmem:s7] =	stream.linear.scatter [tilespmem:s15], [sflag:$0x1], $0x2800, $0x38;
	[tilespmem:$0x11680] =	vst v63  }
0x34: {  	_ =	swait.ge [sflag:s12], $0x2800  }
0x35: {  	[sflag:s12] =	ssyncset.done $0x0  }
0x36: {  	[sflag:s12] =	ssyncadd.s32 $0xFFFFD800  }
0x37: {  	[bflag:$0x0] =	sbarrier.arrive $0xFFFF  }
0x38: {  	[tilespmem:s18], [sflag:$0x1] =	stream.strided.gather [spmem:s8], $0x2800, s17, s16, $0x38;
	[tilespmem:$0x11680] =	vst v63  }
0x39: {  	_ =	swait.ge [sflag:s12], $0x2800  }
0x3a: {  	[sflag:s12] =	ssyncset.done $0x0  }
0x3b: {  	s21 =	simm.s32 $0x0;
	[sflag:s12] =	ssyncadd.s32 $0xFFFFD800  }
0x3c: {  	v1 =	vld [tilespmem:s21+$0xC680]  }
0x3d: {  	v2 =	vld [tilespmem:s21+$0xC900];
	_ =	sdelay $0x1  }
0x3e: {  	v3 =	vld [tilespmem:s21+$0xCB80];
	_ =	sdelay $0x1  }
0x3f: {  	v4 =	vld [tilespmem:s21+$0xCE00]  }
0x40: {  	v1 =	vadd.f32 v2, v1  }
0x41: {  	v2 =	vld [tilespmem:s21+$0xD080]  }
0x42: {  	v1 =	vadd.f32 v3, v1  }
0x43: {  	v3 =	vld [tilespmem:s21+$0xD300]  }
0x44: {  	v1 =	vadd.f32 v4, v1  }
0x45: {  	v4 =	vld [tilespmem:s21+$0xD580]  }
0x46: {  	v1 =	vadd.f32 v2, v1  }
0x47: {  	v2 =	vld [tilespmem:s21+$0xD800]  }
0x48: {  	s20 =	simm.s32 $0x10;
	v5 =	vld [tilespmem:s21+$0xDA80];
	v1 =	vadd.f32 v3, v1  }
0x49: {  	v6 =	vld [tilespmem:s20+$0xC680]  }
0x4a: {  	v3 =	vld [tilespmem:s21+$0xDD00];
	v1 =	vadd.f32 v4, v1  }
0x4b: {  	v4 =	vld [tilespmem:s20+$0xC900]  }
0x4c: {  	v7 =	vld [tilespmem:s20+$0xCB80];
	v1 =	vadd.f32 v2, v1  }
0x4d: {  	v2 =	vld [tilespmem:s21+$0xDF80]  }
0x4e: {  	v8 =	vld [tilespmem:s20+$0xCE00];
	v1 =	vadd.f32 v5, v1  }
0x4f: {  	v5 =	vld [tilespmem:s21+$0xE200]  }
0x50: {  	v4 =	vadd.f32 v4, v6;
	v6 =	vld [tilespmem:s20+$0xD080];
	v1 =	vadd.f32 v3, v1  }
0x51: {  	v3 =	vld [tilespmem:s21+$0xE480]  }
0x52: {  	v4 =	vadd.f32 v7, v4;
	v7 =	vld [tilespmem:s20+$0xD300];
	v1 =	vadd.f32 v2, v1  }
0x53: {  	v2 =	vld [tilespmem:s21+$0xE700]  }
0x54: {  	v9 =	vld [tilespmem:s20+$0xD580];
	v4 =	vadd.f32 v8, v4;
	v1 =	vadd.f32 v5, v1  }
0x55: {  	v8 =	vld [tilespmem:s21+$0xE980]  }
0x56: {  	v5 =	vadd.f32 v6, v4;
	v4 =	vld [tilespmem:s20+$0xD800];
	v6 =	vadd.f32 v3, v1  }
0x57: {  	v3 =	vld [tilespmem:s21+$0xEC00]  }
0x58: {  	v1 =	vld [tilespmem:s20+$0xDD00];
	v7 =	vadd.f32 v7, v5;
	v10 =	vadd.f32 v2, v6  }
0x59: {  	s22 =	simm.s32 $0x20;
	v5 =	vld [tilespmem:s20+$0xDA80]  }
0x5a: {  	s23 =	simm.s32 $0xC0;
	v2 =	vld [tilespmem:s22+$0xC680];
	v6 =	vadd.f32 v9, v7;
	v7 =	vadd.f32 v8, v10  }
.LBB2_6:
0x5b: {  	p0 =	sne.s32 s23, $0x9C0;
	v8 =	vld [tilespmem:s22+$0xC900]  }
0x5c: {  	v4 =	vadd.f32 v4, v6;
	v6 =	vld [tilespmem:s20+$0xDF80];
	v3 =	vadd.f32 v3, v7  }
0x5d: {  	v7 =	vld [tilespmem:s22+$0xCB80]  }
0x5e: {  	v4 =	vadd.f32 v5, v4;
	v5 =	vld [tilespmem:s20+$0xE200];
	[tilespmem:s21+$0x9E80] =	vst v3;
	s21 =	smov.u32 s20;
	s20 =	smov.u32 s22  }
0x5f: {  	v3 =	vld [tilespmem:s20+$0xCE00]  }
0x60: {  	v2 =	vadd.f32 v8, v2;
	v1 =	vadd.f32 v1, v4;
	v4 =	vld [tilespmem:s21+$0xE480]  }
0x61: {  	v8 =	vld [tilespmem:s20+$0xD080]  }
0x62: {  	v2 =	vadd.f32 v7, v2;
	v1 =	vadd.f32 v6, v1;
	v6 =	vld [tilespmem:s21+$0xE700]  }
0x63: {  	v7 =	vld [tilespmem:s20+$0xD300]  }
0x64: {  	v2 =	vadd.f32 v3, v2;
	v1 =	vadd.f32 v5, v1;
	v9 =	vld [tilespmem:s21+$0xE980]  }
0x65: {  	v10 =	vld [tilespmem:s20+$0xD580]  }
.Ltmp2:
0x66: {  	v2 =	vadd.f32 v8, v2;
	v5 =	vadd.f32 v4, v1;
	v3 =	vld [tilespmem:s21+$0xEC00];
	(pc) =	sbr.rel @p0 .LBB2_6-.Ltmp2, $4  }
0x67: {  	v4 =	vld [tilespmem:s20+$0xD800]  }
0x68: {  	v7 =	vadd.f32 v7, v2;
	v1 =	vld [tilespmem:s20+$0xDD00];
	v8 =	vadd.f32 v6, v5  }
0x69: {  	s22 =	sshra.s32 s23, $0x2;
	v5 =	vld [tilespmem:s20+$0xDA80]  }
0x6a: {  	s23 =	sadd.s32 $0x40, s23;
	v2 =	vld [tilespmem:s22+$0xC680];
	v6 =	vadd.f32 v10, v7;
	v7 =	vadd.f32 v9, v8  }
0x6b: {  	v8 =	vld [tilespmem:s22+$0xC900]  }
0x6c: {  	v9 =	vld [tilespmem:s20+$0xDF80];
	v3 =	vadd.f32 v3, v7  }
0x6d: {  	v52 =	vld [tilespmem:s22+$0xCB80]  }
0x6e: {  	v10 =	vld [tilespmem:s20+$0xE200];
	v4 =	vadd.f32 v4, v6;
	[tilespmem:s21+$0x9E80] =	vst v3  }
0x6f: {  	v3 =	vld [tilespmem:s22+$0xCE00]  }
0x70: {  	v4 =	vadd.f32 v5, v4;
	v2 =	vadd.f32 v8, v2  }
0x71: {  	v53 =	vld [tilespmem:s22+$0xD080]  }
0x72: {  	v54 =	vld [tilespmem:s20+$0xE480];
	v1 =	vadd.f32 v1, v4;
	v2 =	vadd.f32 v52, v2  }
0x73: {  	v55 =	vld [tilespmem:s22+$0xD300]  }
0x74: {  	v56 =	vld [tilespmem:s20+$0xE700];
	v1 =	vadd.f32 v9, v1;
	v2 =	vadd.f32 v3, v2  }
0x75: {  	v3 =	vld [tilespmem:s22+$0xD580]  }
0x76: {  	v57 =	vld [tilespmem:s20+$0xE980];
	v1 =	vadd.f32 v10, v1;
	v2 =	vadd.f32 v53, v2  }
0x77: {  	v58 =	vld [tilespmem:s22+$0xD800]  }
0x78: {  	v59 =	vld [tilespmem:s20+$0xEC00];
	v1 =	vadd.f32 v54, v1;
	v2 =	vadd.f32 v55, v2  }
0x79: {  	v60 =	vld [tilespmem:s22+$0xDA80]  }
0x7a: {  	v1 =	vadd.f32 v56, v1;
	v2 =	vadd.f32 v3, v2  }
0x7b: {  	v3 =	vld [tilespmem:s22+$0xDD00]  }
0x7c: {  	v1 =	vadd.f32 v57, v1;
	v2 =	vadd.f32 v58, v2  }
0x7d: {  	v61 =	vld [tilespmem:s22+$0xDF80]  }
0x7e: {  	v1 =	vadd.f32 v59, v1;
	v2 =	vadd.f32 v60, v2  }
0x7f: {  	v62 =	vld [tilespmem:s22+$0xE200]  }
0x80: {  	[tilespmem:s20+$0x9E80] =	vst v1;
	v1 =	vadd.f32 v3, v2  }
0x81: {  	v2 =	vld [tilespmem:s22+$0xE480]  }
0x82: {  	v1 =	vadd.f32 v61, v1  }
0x83: {  	v3 =	vld [tilespmem:s22+$0xE700]  }
0x84: {  	v1 =	vadd.f32 v62, v1  }
0x85: {  	v63 =	vld [tilespmem:s22+$0xE980]  }
0x86: {  	v1 =	vadd.f32 v2, v1  }
0x87: {  	v2 =	vld [tilespmem:s22+$0xEC00]  }
0x88: {  	v1 =	vadd.f32 v3, v1;
	_ =	sdelay $0x1  }
0x89: {  	v1 =	vadd.f32 v63, v1;
	_ =	sdelay $0x1  }
0x8a: {  	s19 =	sadd.s32 $0x1, s19;
	v1 =	vadd.f32 v2, v1  }
0x8b: {  	p0 =	sne.s32 s19, s10  }
.Ltmp3:
0x8c: {  	[tilespmem:s22+$0x9E80] =	vst v1;
	(pc) =	sbr.rel @p0 .LBB2_1-.Ltmp3, $4  }
0x8d: {  	[hbm4b:s9+s2] =	stream.linear.scatter [tilespmem:s15], [sflag:$0x1], $0x280, $0x38;
	[tilespmem:$0x11680] =	vst v63  }
0x8e: {  	_ =	swait.ge [sflag:s12], $0x280  }
0x8f: {  	[sflag:s12] =	ssyncset.done $0x0  }
0x90: {  	[sflag:s12] =	ssyncadd.s32 $0xFFFFFD80  }
0x91: {  	_ =	sfence.sel $0x180000  }
0x92: {  	[bflag:$0x0] =	sbarrier.arrive $0xFFFF  }
0x93: {  	p0 =	sne.s32 s0, $0x0;
	_ =	strace $0x9000004D  }
0x94: {  	s0 =	sadd.s32 @!p0 $0x100000, s1;
	[bflag:$0x2] =	sbarrier.arrive $0xFFFF  }
0x95: {  	[sflag:s0] =	ssyncadd.tile.s32 @!p0 $0x1;
	_ =	shalt  }
.Lfunc_end2:
_tile_overlayer_lowered:
.L_overlay_start_2:
0x96: {  	(tag) =	ssettag $0x2  }
0x97: {  	s0 =	rddreg [dreg:$0x0];
	s2 =	stileid.u32  }
0x98: {  	s1 =	rddreg [dreg:$0x1];
	p0 =	sne.s32 s2, $0x0  }
0x99: {  	s3 =	rddreg [dreg:$0x2];
	[bflag:$0x3] =	sbarrier.arrive $0xFFFF;
	s2 =	simm.s32 @!p0 $0x1C01  }
0x9a: {  	[timem:s3], [sflag:s2] =	dma.local @!p0 [hbm:s0], s1  }
0x9b: {  	s0 =	simm.s32 @!p0 $0x1  }
0x9c: {  	_ =	swait.ge @!p0 [sflag:s0], s1  }
0x9d: {  	s1 =	ssub.s32 @!p0 $0x0, s1;
	[sflag:s0] =	ssyncset.done @!p0 $0x0  }
0x9e: {  	[sflag:s0] =	ssyncadd.s32 @!p0 s1  }
0x9f: {  	[bflag:$0x3] =	sbarrier.arrive $0xFFFF  }
0xa0: {  	_ =	shalt  }

// kernel: kernel.8.cloned.1.call-start
scs
__scs_entry_jumppad:
0x0: {  	(pc) =	sbr.rel $0x88, $3  }
0x1: {  	(tag) =	ssettag $0x0;
	lr =	simm.s32 $0x1  }
0x2: {  	[smem:$0x3F9A] =	sst lr;
	_ =	strace $0xD0000000  }
0x3: {  	_ = 	snop  }
0x4: {  	_ = 	snop  }
0x5: {  	_ = 	snop  }
0x6: {  	_ = 	snop  }
0x7: {  	_ = 	snop  }
__scs_overlays_trampoline_lowered:
0x8: {  	[smem:$0x3FA9] =	sst s0  }
0x9: {  	[smem:$0x3FAA] =	sst s1  }
0xa: {  	[smem:$0x3FAB] =	sst s2  }
0xb: {  	[smem:$0x3FAC] =	sst s3  }
0xc: {  	[smem:$0x3FAD] =	sst s4  }
0xd: {  	[smem:$0x3FAE] =	sst s5  }
0xe: {  	[smem:$0x3FAF] =	sst s6  }
0xf: {  	[smem:$0x3FB0] =	sst s7  }
0x10: {  	[smem:$0x3FB1] =	sst s8  }
0x11: {  	[smem:$0x3FB2] =	sst s9;
	s0 =	simm.s32 @!p0 $0x0  }
0x12: {  	s1 =	sld [smem:$0x3F98];
	s0 =	simm.s32 @p0 $0x1  }
0x13: {  	[smem:$0x3FB3] =	sst s0;
	s0 =	simm.s32 @!p1 $0x0  }
0x14: {  	s2 =	sld [smem:$0x3F97];
	s0 =	simm.s32 @p1 $0x1  }
0x15: {  	[smem:$0x3FB4] =	sst s0;
	s0 =	simm.s32 @!p2 $0x0  }
0x16: {  	s3 =	sld [smem:$0x3FDB];
	s0 =	simm.s32 @p2 $0x1  }
0x17: {  	s4 =	simm.s32 $0x1BF5;
	[smem:$0x3FB6] =	sst s0  }
0x18: {  	s0 =	sld [smem:$0x3F99];
	_ =	swait.ge [sflag:s4], $0x0  }
0x19: {  	s7 =	sld [smem:$0x3F9A]  }
0x1a: {  	s8 =	sadd.s32 $0xFFFFE003, lr  }
0x1b: {  	s9 =	sadd.s32 $0xFFFFFEF7, lr;
	s5 =	simm.s32 $0xFFFFFFFF;
	p2 =	slt.u32 s8, $0xFFFFF086  }
0x1c: {  	p1 =	slt.u32 s9, $0xF7A;
	s5 =	simm.s32 @!p2 $0x0  }
0x1d: {  	s5 =	simm.s32 @p1 $0x1;
	p0 =	seq.s32 s7, s2  }
0x1e: {  	s7 =	smul.u32 @!p0 $0xF7A, s2;
	p2 =	seq.s32 @!p0 s5, $0x0  }
0x1f: {  	s9 =	smul.u32 $0xF7A, s1;
	s8 =	simm.s32 @!p0 $0x1BF5;
	p2 =	por !p2, p0  }
0x20: {  	[sflag:s8] =	ssyncset.s32 @!p0 $0xFFFFF086;
	s6 =	sadd.s32 @!p0 s3, s7;
	s7 =	simm.s32 @!p0 $0x108  }
0x21: {  	s3 =	sadd.s32 s3, s9;
	s6 =	sadd.s32 @!p0 $0x88, s6;
	s7 =	simm.s32 @p2 $0x1082  }
0x22: {  	[simem:s7], [sflag:s8] =	dma.local @!p0 [hbm:s6], $0xF7A  }
0x23: {  	s9 =	sor.u32 $0xD0000000, s2;
	s6 =	simm.s32 $0x108;
	_ =	swait.ge @!p0 [sflag:s8], $0x0  }
0x24: {  	s3 =	sadd.s32 $0x88, s3;
	s6 =	simm.s32 @!p1 $0x1082;
	[sflag:s4] =	ssyncset.s32 $0xFFFFF086  }
0x25: {  	[simem:s6], [sflag:s4] =	dma.local [hbm:s3], $0xF7A  }
0x26: {  	[smem:$0x3F9A] =	sst s1;
	(tag) =	ssettag s2;
	_ =	strace s9  }
0x27: {  	s1 =	sld [smem:$0x3FAA]  }
0x28: {  	s2 =	sld [smem:$0x3FAB]  }
0x29: {  	s4 =	sld [smem:$0x3FAD]  }
0x2a: {  	p0 =	seq.s32 s5, $0x0;
	s5 =	sld [smem:$0x3FAE]  }
0x2b: {  	s6 =	sld [smem:$0x3FAF]  }
0x2c: {  	s7 =	sld [smem:$0x3FB0]  }
0x2d: {  	s3 =	simm.s32 $0x108;
	s8 =	sld [smem:$0x3FB1]  }
0x2e: {  	s3 =	simm.s32 @!p0 $0x1082;
	s9 =	sld [smem:$0x3FB2]  }
0x2f: {  	lr =	sadd.s32 s0, s3;
	s0 =	sld [smem:$0x3FA9]  }
0x30: {  	s3 =	sld [smem:$0x3FAC]  }
0x31: {  	[smem:$0x3FB5] =	sst s10  }
0x32: {  	s10 =	sld [smem:$0x3FB3];
	_ =	sdelay $0x3  }
0x33: {  	p0 =	seq.s32 s10, $0x1;
	s10 =	sld [smem:$0x3FB5];
	_ =	sdelay $0x3  }
0x34: {  	[smem:$0x3FB5] =	sst s10  }
0x35: {  	s10 =	sld [smem:$0x3FB4];
	_ =	sdelay $0x3  }
0x36: {  	p1 =	seq.s32 s10, $0x1;
	s10 =	sld [smem:$0x3FB5];
	_ =	sdelay $0x3  }
0x37: {  	[smem:$0x3FB5] =	sst s10  }
0x38: {  	s10 =	sld [smem:$0x3FB6]  }
0x39: {  	_ = 	snop;
	(pc) =	sbr.ind lr, $3  }
0x3a: {  	_ = 	snop  }
0x3b: {  	_ = 	snop  }
0x3c: {  	p2 =	seq.s32 s10, $0x1;
	s10 =	sld [smem:$0x3FB5]  }
0x3d: {  	_ =	shalt  }
0x3e: {  	_ =	shalt  }
0x3f: {  	_ =	shalt  }
0x40: {  	_ =	shalt  }
0x41: {  	_ =	shalt  }
0x42: {  	_ =	shalt  }
0x43: {  	_ =	shalt  }
0x44: {  	_ =	shalt  }
0x45: {  	_ =	shalt  }
0x46: {  	_ =	shalt  }
0x47: {  	_ =	shalt  }
0x48: {  	_ =	shalt  }
0x49: {  	_ =	shalt  }
0x4a: {  	_ =	shalt  }
0x4b: {  	_ =	shalt  }
0x4c: {  	_ =	shalt  }
0x4d: {  	_ =	shalt  }
0x4e: {  	_ =	shalt  }
0x4f: {  	_ =	shalt  }
0x50: {  	_ =	shalt  }
0x51: {  	_ =	shalt  }
0x52: {  	_ =	shalt  }
0x53: {  	_ =	shalt  }
0x54: {  	_ =	shalt  }
0x55: {  	_ =	shalt  }
0x56: {  	_ =	shalt  }
0x57: {  	_ =	shalt  }
0x58: {  	_ =	shalt  }
0x59: {  	_ =	shalt  }
0x5a: {  	_ =	shalt  }
0x5b: {  	_ =	shalt  }
0x5c: {  	_ =	shalt  }
0x5d: {  	_ =	shalt  }
0x5e: {  	_ =	shalt  }
0x5f: {  	_ =	shalt  }
0x60: {  	_ =	shalt  }
0x61: {  	_ =	shalt  }
0x62: {  	_ =	shalt  }
0x63: {  	_ =	shalt  }
0x64: {  	_ =	shalt  }
0x65: {  	_ =	shalt  }
0x66: {  	_ =	shalt  }
0x67: {  	_ =	shalt  }
0x68: {  	_ =	shalt  }
0x69: {  	_ =	shalt  }
0x6a: {  	_ =	shalt  }
0x6b: {  	_ =	shalt  }
0x6c: {  	_ =	shalt  }
0x6d: {  	_ =	shalt  }
0x6e: {  	_ =	shalt  }
0x6f: {  	_ =	shalt  }
0x70: {  	_ =	shalt  }
0x71: {  	_ =	shalt  }
0x72: {  	_ =	shalt  }
0x73: {  	_ =	shalt  }
0x74: {  	_ =	shalt  }
0x75: {  	_ =	shalt  }
0x76: {  	_ =	shalt  }
0x77: {  	_ =	shalt  }
0x78: {  	_ =	shalt  }
0x79: {  	_ =	shalt  }
0x7a: {  	_ =	shalt  }
0x7b: {  	_ =	shalt  }
0x7c: {  	_ =	shalt  }
0x7d: {  	_ =	shalt  }
0x7e: {  	_ =	shalt  }
0x7f: {  	_ =	shalt  }
0x80: {  	_ =	shalt  }
0x81: {  	_ =	shalt  }
0x82: {  	_ =	shalt  }
0x83: {  	_ =	shalt  }
0x84: {  	_ =	shalt  }
0x85: {  	_ =	shalt  }
0x86: {  	_ =	shalt  }
0x87: {  	_ =	shalt  }
.Lfunc_end0:
.L_simem_size_0:
called_computation_lowered:
.L_overlay_start_0:
0x88: {  	s2 =	sld [smem:$0x3FD9]  }
0x89: {  	s3 =	sld [smem:$0x3FFE];
	_ =	sdelay $0x1  }
0x8a: {  	s1 =	srdreg.scid  }
0x8b: {  	s0 =	sand.u32 $0x1, s1  }
0x8c: {  	s16 =	sshll.u32 s0, $0xA;
	s2 =	sadd.s32 s3, s2  }
0x8d: {  	s2 =	sadd.s32 s2, s16  }
0x8e: {  	[smem:$0x3FC1] =	sst s2  }
0x8f: {  	_ = 	snop  }
0x90: {  	(tm) =	ssettm $0x1  }
0x91: {  	s17 =	sld [smem:$0x3FFB];
	_ =	sdelay $0x3  }
0x92: {  	_ =	strace s17  }
0x93: {  	s2 =	sld [smem:$0x3FFC];
	_ =	sdelay $0x3  }
0x94: {  	_ =	strace s2  }
0x95: {  	s2 =	sld [smem:$0x3FFD];
	_ =	sdelay $0x3  }
0x96: {  	_ =	strace s2  }
0x97: {  	_ =	strace $0x8FFFFFFF  }
0x98: {  	s18 =	sld [smem:$0x3FDB];
	_ =	sdelay $0x1  }
0x99: {  	s19 =	simm.s32 $_scs_section_size  }
0x9a: {  	s4 =	simm.s32 $_size__tile_overlayer_lowered;
	s5 =	simm.s32 $_tile_overlayer_lowered  }
0x9b: {  	s22 =	simm.s32 $0x1BFF;
	s21 =	sshll.u32 s5, $0x1;
	s2 =	sadd.s32 s19, s18  }
0x9c: {  	s6 =	simm.s32 $0x0;
	s20 =	sshll.u32 s4, $0x1;
	s4 =	sadd.s32 s21, s2  }
0x9d: {  	[timem:s6], [sflag:s22] =	dma.local [hbm:s4], s20  }
0x9e: {  	_ =	swait.ge [sflag:s22], s20  }
0x9f: {  	s3 =	ssub.s32 $0x0, s20;
	[sflag:s22] =	ssyncset.done $0x0  }
0xa0: {  	[sflag:s22] =	ssyncadd.s32 s3;
	_ =	sdelay $0x1  }
0xa1: {  	s23 =	simm.s32 $0x1B8B  }
0xa2: {  	_ =	swait.ge [sflag:s23], $0x1  }
0xa3: {  	[sflag:s23] =	ssyncset.done $0x0  }
0xa4: {  	s25 =	simm.s32 $0x1B8E;
	s24 =	sld [smem:$0x3FFE];
	[sflag:s23] =	ssyncadd.s32 $0xFFFFFFFF  }
0xa5: {  	s26 =	simm.s32 $execute0_lowered;
	[smem:$0x3FD2] =	sst s25  }
0xa6: {  	s4 =	sshll.u32 s26, $0x1;
	_ =	strace $0x80000046;
	[dreg:$0x1] =	wrdreg $0xFFFFFFFF  }
0xa7: {  	s28 =	simm.s32 $_size_execute0_lowered;
	s2 =	sadd.s32 s2, s4;
	[dreg:$0x0] =	wrdreg $0x0  }
0xa8: {  	s4 =	sshll.u32 s28, $0x1;
	[dreg:$0x2] =	wrdreg s2  }
0xa9: {  	[dreg:$0x3] =	wrdreg s4  }
0xaa: {  	[dreg:$0x4] =	wrdreg $0xC0  }
0xab: {  	_ =	task [dreg:s6], $0x5FFFF  }
0xac: {  	[dreg:$0x1] =	wrdreg $0xFFFFFFFF  }
0xad: {  	[dreg:$0x0] =	wrdreg $0x60  }
0xae: {  	[dreg:$0x2] =	wrdreg s24  }
0xaf: {  	[dreg:$0x3] =	wrdreg $0x9F000  }
0xb0: {  	[dreg:$0x4] =	wrdreg $0x9  }
0xb1: {  	_ =	task.clear_ibuf [dreg:s6], $0x5FFFF;
	_ =	strace $0x90000046  }
0xb2: {  	s29 =	simm.s32 $0x9;
	_ =	strace $0x80000048  }
0xb3: {  	_ =	swait.ge [sflag:s29], $0x1  }
0xb4: {  	[sflag:s29] =	ssyncadd.s32 $0xFFFFFFFF  }
0xb5: {  	_ =	strace $0x90000048  }
0xb6: {  	_ =	sfence  }
0xb7: {  	s30 =	sld [smem:$0x0];
	_ =	sdelay $0x2  }
0xb8: {  	s31 =	sshll.u32 s1, $0xD;
	s1 =	sshrl.u32 s1, $0x2  }
0xb9: {  	s3 =	sand.u32 $0x4000, s31;
	s1 =	sadd.s32 s1, s30  }
0xba: {  	s0 =	sor.u32 s3, s0;
	s1 =	sshll.u32 s1, $0x11  }
0xbb: {  	s0 =	sor.u32 s1, s0  }
0xbc: {  	s0 =	sadd.s32 $0x8F2B, s0  }
0xbd: {  	[sflag:s0] =	ssyncadd.remote.s32 $0x1  }
0xbe: {  	_ =	sfence.sel $0xFFFF  }
0xbf: {  	[dreg:$0x0] =	wrdreg $0xFFFFFFFF;
	(pc) =	sbr.abs _section_cstart, $3  }
0xc0: {  	[dreg:$0x1] =	wrdreg $0xFFFFFFFF  }
0xc1: {  	_ =	task.clear_ibuf [dreg:s6], $0x2FFFF;
	_ =	strace $0x9FFFFFFF  }
0xc2: {  	(tm) =	ssettm $0x7FFFFFFF  }
0xc3: {  	_ =	shalt  }
tec
execute0_lowered:
.L_overlay_start_1:
0x0: {  	(tag) =	ssettag $0x1  }
0x1: {  	s3 =	rddreg [dreg:$0x0]  }
0x2: {  	s6 =	rddreg [dreg:$0x1];
	s2 =	srdreg.scid  }
0x3: {  	s1 =	stileid.u32;
	s0 =	rddreg [dreg:$0x2];
	s11 =	simm.s32 $0x4F00  }
0x4: {  	s12 =	simm.s32 $0x280;
	s13 =	simm.s32 $0x2800;
	s14 =	simm.s32 $0x7700  }
0x5: {  	s15 =	simm.s32 $0x0;
	s4 =	sand.u32 $0x1, s2;
	s7 =	smul.u32 $0x280, s1  }
0x6: {  	s2 =	simm.s32 $0x0;
	s9 =	smul.u32 $0xA000, s1;
	s5 =	sshll.u32 s4, $0x4  }
0x7: {  	s8 =	smul.u32 $0x2800, s4;
	[smem:$0x7FF] =	sst s2;
	s5 =	sor.u32 s1, s5  }
0x8: {  	s4 =	ssub.s32 $0x2, s4;
	_ =	strace $0x80000047;
	s5 =	smul.u32 $0x4F0, s5  }
0x9: {  	s31 =	sshrl.u32 s4, $0x1;
	s9 =	sshrl.u32 s9, $0x2;
	s8 =	sadd.s32 s7, s8  }
0xa: {  	s10 =	ssub.s32 s4, s31;
	s8 =	sshrl.u32 s8, $0x3;
	s5 =	sadd.s32 s5, s3  }
0xb: {  	s8 =	sadd.s32 s8, s3;
	s3 =	sadd.s32 $0x1000, s5;
	s4 =	sadd.s32 $0xAE00, s5  }
0xc: {  	s5 =	sadd.s32 s9, s6;
	s6 =	sadd.s32 s7, s6;
	s7 =	sadd.s32 $0x14C00, s8  }
0xd: {  	v0 =	vimm.f32 $0.0e+00;
	s8 =	smax.u32 s10, $0x1;
	s9 =	simm.s32 $0x1;
	s10 =	simm.s32 $0x2780  }
.LBB2_1:
0xe: {  	s16 =	simm.s32 $0x40;
	s17 =	simm.s32 $0x0  }
.LBB2_2:
0xf: {  	p0 =	sne.s32 s16, $0x9FC0;
	[tilespmem:s17+$0x4F00] =	vst v0;
	s17 =	smov.u32 s16;
	s16 =	sadd.s32 $0x40, s16  }
.Ltmp0:
0x10: {  	(pc) =	sbr.rel @p0 .LBB2_2-.Ltmp0, $2  }
0x11: {  	_ =	sdelay $0x2  }
0x12: {  	s17 =	sshra.s32 s17, $0x2  }
0x13: {  	[tilespmem:s17+$0x4F00] =	vst v0;
	s16 =	simm.s32 $0x0  }
0x14: {  	[tilespmem:s16], [sflag:$0x1] =	stream.linear.gather [hbm4b:s3+s16], $0x2780, $0x38;
	[tilespmem:$0xC700] =	vst v63  }
0x15: {  	_ =	swait.ge [sflag:s9], $0x2780  }
0x16: {  	[sflag:s9] =	ssyncset.done $0x0  }
0x17: {  	[sflag:s9] =	ssyncadd.s32 $0xFFFFD880  }
0x18: {  	[tilespmem:s10], [sflag:$0x1] =	stream.linear.gather [hbm4b:s4+s16], $0x2780, $0x38;
	[tilespmem:$0xC700] =	vst v63  }
0x19: {  	s30 =	sand.u32 $0xFE00, s16;
	_ =	swait.ge [sflag:s9], $0x2780  }
0x1a: {  	s17 =	sshrl.u32 s30, $0x2;
	s16 =	sand.u32 $0x70, s16;
	[sflag:s9] =	ssyncset.done $0x0  }
0x1b: {  	s17 =	sor.u32 s16, s17;
	[sflag:s9] =	ssyncadd.s32 $0xFFFFD880  }
0x1c: {  	v1 =	vld [tilespmem:s17+$0x0];
	_ =	sdelay $0x1  }
0x1d: {  	s31 =	simm.s32 $0x0  }
0x1e: {  	v2 =	vld [tilespmem:s31+$0x2780];
	_ =	sdelay $0x1  }
0x1f: {  	s16 =	simm.s32 $0x40  }
0x20: {  	s18 =	simm.s32 $0x80;
	s19 =	sand.u32 $0xFE00, s16;
	s17 =	simm.s32 $0x10  }
.LBB2_4:
0x21: {  	p0 =	sne.s32 s18, $0x9DC0;
	s20 =	sand.u32 $0x70, s17;
	s19 =	sshrl.u32 s19, $0x2  }
0x22: {  	s19 =	sor.u32 s20, s19;
	[tilespmem:v1+s11+$0x0] =	vst.idx.add.f32.msk $0xffff, v2  }
0x23: {  	v1 =	vld [tilespmem:s19+$0x0];
	_ =	sdelay $0x1  }
.Ltmp1:
0x24: {  	s19 =	sshra.s32 s16, $0x2;
	s16 =	smov.u32 s18;
	(pc) =	sbr.rel @p0 .LBB2_4-.Ltmp1, $2  }
0x25: {  	v2 =	vld [tilespmem:s19+$0x2780];
	_ =	sdelay $0x2  }
0x26: {  	s17 =	sadd.s32 $0x10, s17;
	s18 =	sadd.s32 $0x40, s18;
	s19 =	sand.u32 $0xFE00, s16  }
0x27: {  	_ =	sdelay $0x2  }
0x28: {  	s17 =	sand.u32 $0x70, s17;
	s18 =	sshrl.u32 s19, $0x2  }
0x29: {  	s17 =	sor.u32 s17, s18;
	[tilespmem:v1+s11+$0x0] =	vst.idx.add.f32.msk $0xffff, v2  }
0x2a: {  	v1 =	vld [tilespmem:s17+$0x0];
	_ =	sdelay $0x1  }
0x2b: {  	s16 =	sshra.s32 s16, $0x2  }
0x2c: {  	v2 =	vld [tilespmem:s16+$0x2780];
	_ =	sdelay $0x4  }
0x2d: {  	[tilespmem:v1+s11+$0x0] =	vst.idx.add.f32.msk $0xffff, v2  }
0x2e: {  	[spmem:s5] =	stream.linear.scatter [tilespmem:s11], [sflag:$0x1], $0x2800, $0x38;
	[tilespmem:$0xC700] =	vst v63  }
0x2f: {  	_ =	swait.ge [sflag:s9], $0x2800  }
0x30: {  	[sflag:s9] =	ssyncset.done $0x0  }
0x31: {  	[sflag:s9] =	ssyncadd.s32 $0xFFFFD800  }
0x32: {  	[bflag:$0x0] =	sbarrier.arrive $0xFFFF  }
0x33: {  	[tilespmem:s14], [sflag:$0x1] =	stream.strided.gather [spmem:s6], $0x2800, s13, s12, $0x38;
	[tilespmem:$0xC700] =	vst v63  }
0x34: {  	_ =	swait.ge [sflag:s9], $0x2800  }
0x35: {  	[sflag:s9] =	ssyncset.done $0x0  }
0x36: {  	s17 =	simm.s32 $0x0;
	[sflag:s9] =	ssyncadd.s32 $0xFFFFD800  }
0x37: {  	v1 =	vld [tilespmem:s17+$0x7700]  }
0x38: {  	v2 =	vld [tilespmem:s17+$0x7980];
	_ =	sdelay $0x1  }
0x39: {  	v3 =	vld [tilespmem:s17+$0x7C00];
	_ =	sdelay $0x1  }
0x3a: {  	v4 =	vld [tilespmem:s17+$0x7E80]  }
0x3b: {  	v1 =	vadd.f32 v2, v1  }
0x3c: {  	v2 =	vld [tilespmem:s17+$0x8100]  }
0x3d: {  	v1 =	vadd.f32 v3, v1  }
0x3e: {  	v3 =	vld [tilespmem:s17+$0x8380]  }
0x3f: {  	v1 =	vadd.f32 v4, v1  }
0x40: {  	v4 =	vld [tilespmem:s17+$0x8600]  }
0x41: {  	v1 =	vadd.f32 v2, v1  }
0x42: {  	v2 =	vld [tilespmem:s17+$0x8880]  }
0x43: {  	s16 =	simm.s32 $0x10;
	v5 =	vld [tilespmem:s17+$0x8B00];
	v1 =	vadd.f32 v3, v1  }
0x44: {  	v6 =	vld [tilespmem:s16+$0x7700]  }
0x45: {  	v3 =	vld [tilespmem:s17+$0x8D80];
	v1 =	vadd.f32 v4, v1  }
0x46: {  	v4 =	vld [tilespmem:s16+$0x7980]  }
0x47: {  	v7 =	vld [tilespmem:s16+$0x7C00];
	v1 =	vadd.f32 v2, v1  }
0x48: {  	v2 =	vld [tilespmem:s17+$0x9000]  }
0x49: {  	v8 =	vld [tilespmem:s16+$0x7E80];
	v1 =	vadd.f32 v5, v1  }
0x4a: {  	v5 =	vld [tilespmem:s17+$0x9280]  }
0x4b: {  	v4 =	vadd.f32 v4, v6;
	v6 =	vld [tilespmem:s16+$0x8100];
	v1 =	vadd.f32 v3, v1  }
0x4c: {  	v3 =	vld [tilespmem:s17+$0x9500]  }
0x4d: {  	v4 =	vadd.f32 v7, v4;
	v7 =	vld [tilespmem:s16+$0x8380];
	v1 =	vadd.f32 v2, v1  }
0x4e: {  	v2 =	vld [tilespmem:s17+$0x9780]  }
0x4f: {  	v9 =	vld [tilespmem:s16+$0x8600];
	v4 =	vadd.f32 v8, v4;
	v1 =	vadd.f32 v5, v1  }
0x50: {  	v8 =	vld [tilespmem:s17+$0x9A00]  }
0x51: {  	v5 =	vadd.f32 v6, v4;
	v4 =	vld [tilespmem:s16+$0x8880];
	v6 =	vadd.f32 v3, v1  }
0x52: {  	v3 =	vld [tilespmem:s17+$0x9C80]  }
0x53: {  	v1 =	vld [tilespmem:s16+$0x8D80];
	v7 =	vadd.f32 v7, v5;
	v10 =	vadd.f32 v2, v6  }
0x54: {  	s18 =	simm.s32 $0x20;
	v5 =	vld [tilespmem:s16+$0x8B00]  }
0x55: {  	s19 =	simm.s32 $0xC0;
	v2 =	vld [tilespmem:s18+$0x7700];
	v6 =	vadd.f32 v9, v7;
	v7 =	vadd.f32 v8, v10  }
.LBB2_6:
0x56: {  	p0 =	sne.s32 s19, $0x9C0;
	v8 =	vld [tilespmem:s18+$0x7980]  }
0x57: {  	v4 =	vadd.f32 v4, v6;
	v6 =	vld [tilespmem:s16+$0x9000];
	v3 =	vadd.f32 v3, v7  }
0x58: {  	v7 =	vld [tilespmem:s18+$0x7C00]  }
0x59: {  	v4 =	vadd.f32 v5, v4;
	v5 =	vld [tilespmem:s16+$0x9280];
	[tilespmem:s17+$0x4F00] =	vst v3;
	s17 =	smov.u32 s16;
	s16 =	smov.u32 s18  }
0x5a: {  	v3 =	vld [tilespmem:s16+$0x7E80]  }
0x5b: {  	v2 =	vadd.f32 v8, v2;
	v1 =	vadd.f32 v1, v4;
	v4 =	vld [tilespmem:s17+$0x9500]  }
0x5c: {  	v8 =	vld [tilespmem:s16+$0x8100]  }
0x5d: {  	v2 =	vadd.f32 v7, v2;
	v1 =	vadd.f32 v6, v1;
	v6 =	vld [tilespmem:s17+$0x9780]  }
0x5e: {  	v7 =	vld [tilespmem:s16+$0x8380]  }
0x5f: {  	v2 =	vadd.f32 v3, v2;
	v1 =	vadd.f32 v5, v1;
	v9 =	vld [tilespmem:s17+$0x9A00]  }
0x60: {  	v10 =	vld [tilespmem:s16+$0x8600]  }
.Ltmp2:
0x61: {  	v2 =	vadd.f32 v8, v2;
	v5 =	vadd.f32 v4, v1;
	v3 =	vld [tilespmem:s17+$0x9C80];
	(pc) =	sbr.rel @p0 .LBB2_6-.Ltmp2, $4  }
0x62: {  	v4 =	vld [tilespmem:s16+$0x8880]  }
0x63: {  	v7 =	vadd.f32 v7, v2;
	v1 =	vld [tilespmem:s16+$0x8D80];
	v8 =	vadd.f32 v6, v5  }
0x64: {  	s18 =	sshra.s32 s19, $0x2;
	v5 =	vld [tilespmem:s16+$0x8B00]  }
0x65: {  	s19 =	sadd.s32 $0x40, s19;
	v2 =	vld [tilespmem:s18+$0x7700];
	v6 =	vadd.f32 v10, v7;
	v7 =	vadd.f32 v9, v8  }
0x66: {  	v8 =	vld [tilespmem:s18+$0x7980]  }
0x67: {  	v9 =	vld [tilespmem:s16+$0x9000];
	v3 =	vadd.f32 v3, v7  }
0x68: {  	v52 =	vld [tilespmem:s18+$0x7C00]  }
0x69: {  	v10 =	vld [tilespmem:s16+$0x9280];
	v4 =	vadd.f32 v4, v6;
	[tilespmem:s17+$0x4F00] =	vst v3  }
0x6a: {  	v3 =	vld [tilespmem:s18+$0x7E80]  }
0x6b: {  	v4 =	vadd.f32 v5, v4;
	v2 =	vadd.f32 v8, v2  }
0x6c: {  	v53 =	vld [tilespmem:s18+$0x8100]  }
0x6d: {  	v54 =	vld [tilespmem:s16+$0x9500];
	v1 =	vadd.f32 v1, v4;
	v2 =	vadd.f32 v52, v2  }
0x6e: {  	v55 =	vld [tilespmem:s18+$0x8380]  }
0x6f: {  	v56 =	vld [tilespmem:s16+$0x9780];
	v1 =	vadd.f32 v9, v1;
	v2 =	vadd.f32 v3, v2  }
0x70: {  	v3 =	vld [tilespmem:s18+$0x8600]  }
0x71: {  	v57 =	vld [tilespmem:s16+$0x9A00];
	v1 =	vadd.f32 v10, v1;
	v2 =	vadd.f32 v53, v2  }
0x72: {  	v58 =	vld [tilespmem:s18+$0x8880]  }
0x73: {  	v59 =	vld [tilespmem:s16+$0x9C80];
	v1 =	vadd.f32 v54, v1;
	v2 =	vadd.f32 v55, v2  }
0x74: {  	v60 =	vld [tilespmem:s18+$0x8B00]  }
0x75: {  	v1 =	vadd.f32 v56, v1;
	v2 =	vadd.f32 v3, v2  }
0x76: {  	v3 =	vld [tilespmem:s18+$0x8D80]  }
0x77: {  	v1 =	vadd.f32 v57, v1;
	v2 =	vadd.f32 v58, v2  }
0x78: {  	v61 =	vld [tilespmem:s18+$0x9000]  }
0x79: {  	v1 =	vadd.f32 v59, v1;
	v2 =	vadd.f32 v60, v2  }
0x7a: {  	v62 =	vld [tilespmem:s18+$0x9280]  }
0x7b: {  	[tilespmem:s16+$0x4F00] =	vst v1;
	v1 =	vadd.f32 v3, v2  }
0x7c: {  	v2 =	vld [tilespmem:s18+$0x9500]  }
0x7d: {  	v1 =	vadd.f32 v61, v1  }
0x7e: {  	v3 =	vld [tilespmem:s18+$0x9780]  }
0x7f: {  	v1 =	vadd.f32 v62, v1  }
0x80: {  	v63 =	vld [tilespmem:s18+$0x9A00]  }
0x81: {  	v1 =	vadd.f32 v2, v1  }
0x82: {  	v2 =	vld [tilespmem:s18+$0x9C80]  }
0x83: {  	v1 =	vadd.f32 v3, v1;
	_ =	sdelay $0x1  }
0x84: {  	v1 =	vadd.f32 v63, v1;
	_ =	sdelay $0x1  }
0x85: {  	s15 =	sadd.s32 $0x1, s15;
	v1 =	vadd.f32 v2, v1  }
0x86: {  	p0 =	sne.s32 s15, s8  }
.Ltmp3:
0x87: {  	[tilespmem:s18+$0x4F00] =	vst v1;
	(pc) =	sbr.rel @p0 .LBB2_1-.Ltmp3, $4  }
0x88: {  	[hbm4b:s7+s2] =	stream.linear.scatter [tilespmem:s11], [sflag:$0x1], $0x280, $0x38;
	[tilespmem:$0xC700] =	vst v63  }
0x89: {  	_ =	swait.ge [sflag:s9], $0x280  }
0x8a: {  	[sflag:s9] =	ssyncset.done $0x0  }
0x8b: {  	[sflag:s9] =	ssyncadd.s32 $0xFFFFFD80  }
0x8c: {  	_ =	sfence.sel $0x180000  }
0x8d: {  	[bflag:$0x0] =	sbarrier.arrive $0xFFFF  }
0x8e: {  	p0 =	sne.s32 s1, $0x0;
	_ =	strace $0x90000047  }
0x8f: {  	s0 =	sadd.s32 @!p0 $0x100000, s0;
	[bflag:$0x2] =	sbarrier.arrive $0xFFFF  }
0x90: {  	[sflag:s0] =	ssyncadd.tile.s32 @!p0 $0x1;
	_ =	shalt  }
.Lfunc_end2:
_tile_overlayer_lowered:
.L_overlay_start_2:
0x91: {  	(tag) =	ssettag $0x2  }
0x92: {  	s0 =	rddreg [dreg:$0x0];
	s2 =	stileid.u32  }
0x93: {  	s1 =	rddreg [dreg:$0x1];
	p0 =	sne.s32 s2, $0x0  }
0x94: {  	s3 =	rddreg [dreg:$0x2];
	[bflag:$0x3] =	sbarrier.arrive $0xFFFF;
	s2 =	simm.s32 @!p0 $0x1C01  }
0x95: {  	[timem:s3], [sflag:s2] =	dma.local @!p0 [hbm:s0], s1  }
0x96: {  	s0 =	simm.s32 @!p0 $0x1  }
0x97: {  	_ =	swait.ge @!p0 [sflag:s0], s1  }
0x98: {  	s1 =	ssub.s32 @!p0 $0x0, s1;
	[sflag:s0] =	ssyncset.done @!p0 $0x0  }
0x99: {  	[sflag:s0] =	ssyncadd.s32 @!p0 s1  }
0x9a: {  	[bflag:$0x3] =	sbarrier.arrive $0xFFFF  }
0x9b: {  	_ =	shalt  }

</sc_bundles>
